<compile_context>
chip_gen: v7x
topology: tpu7x:2x2x1
jax: 0.10.2.dev20260603
libtpu: 0.0.44.dev20260713+nightly
codegen_flags: <defaults>
</compile_context>

<pallas_src>
import jax
import jax.numpy as jnp
from jax import lax
from jax.experimental import pallas as pl
from jax.experimental.pallas import tpu as pltpu
from jax.experimental.pallas import tpu_sc as plsc

N = 262144
C = 170

_info = plsc.get_sparse_core_info()
_NC, _NS, _L = _info.num_cores, _info.num_subcores, _info.num_lanes
_NW = _NC * _NS
_M = 114688
_RPW = _M // _NW
_SEG = 128
_NSEG = _RPW // _SEG
_IPS = _SEG // _L


def _sc_body(logits_hbm, tgt_hbm, out_hbm, tgt_v, buf0, buf1, acc_v,
             sem0, sem1):
    wid = lax.axis_index("s") * _NC + lax.axis_index("c")
    base = wid * _RPW
    pltpu.sync_copy(tgt_hbm.at[pl.ds(base, _RPW)], tgt_v)

    lane = lax.iota(jnp.int32, _L)
    bufs = (buf0, buf1)
    sems = (sem0, sem1)

    def issue(s):
        return pltpu.async_copy(
            logits_hbm.at[pl.ds(base + s * _SEG, _SEG), :],
            bufs[s % 2],
            sems[s % 2],
        )

    inflight = issue(0)
    acc = jnp.zeros((_L,), jnp.float32)
    for s in range(_NSEG):
        inflight.wait()
        if s + 1 < _NSEG:
            inflight = issue(s + 1)
        b = bufs[s % 2]
        seg_base = s * _SEG

        def red_body(j, a, b=b, seg_base=seg_base):
            t = tgt_v[pl.ds(seg_base + j * _L, _L)]
            rows = j * _L + lane
            d = 1.0 - plsc.load_gather(b, [rows, t])
            return a + d * d

        acc = lax.fori_loop(0, _IPS, red_body, acc)

    acc_v[...] = acc
    pltpu.sync_copy(acc_v, out_hbm.at[wid])


def _sc_part(contrast_logits, tgt):
    mesh = plsc.VectorSubcoreMesh(core_axis_name="c", subcore_axis_name="s")
    partials = pl.kernel(
        _sc_body,
        mesh=mesh,
        compiler_params=pltpu.CompilerParams(needs_layout_passes=False),
        out_type=jax.ShapeDtypeStruct((_NW, _L), jnp.float32),
        scratch_types=[
            pltpu.VMEM((_RPW,), jnp.int32),
            pltpu.VMEM((_SEG, C), jnp.float32),
            pltpu.VMEM((_SEG, C), jnp.float32),
            pltpu.VMEM((_L,), jnp.float32),
            pltpu.SemaphoreType.DMA,
            pltpu.SemaphoreType.DMA,
        ],
    )(contrast_logits, tgt)
    return jnp.sum(partials)


_NSTR = 4
_BR = 2048
_SPAN = _NSTR * _BR
_NTC = N - _M
_NB = _NTC // _SPAN
_ROW0 = _M // _BR


def _tc_body(tgt_ref, *refs):
    logit_refs = refs[:_NSTR]
    out_ref = refs[_NSTR]
    s1_ref, s2_ref = refs[_NSTR + 1], refs[_NSTR + 2]
    i = pl.program_id(0)

    @pl.when(i == 0)
    def _():
        s1_ref[...] = jnp.zeros_like(s1_ref)
        s2_ref[...] = jnp.zeros_like(s2_ref)

    cols = lax.broadcasted_iota(jnp.int32, (_BR, C), 1)
    s1 = jnp.zeros((8, C), jnp.float32)
    s2 = jnp.zeros((8, C), jnp.float32)
    for k in range(_NSTR):
        x = logit_refs[k][...]
        t = tgt_ref[0, k, :]
        sx = jnp.where(cols == t[:, None], x, 0.0)
        s1 = s1 + jnp.sum(sx.reshape(_BR // 8, 8, C), axis=0)
        s2 = s2 + jnp.sum((sx * x).reshape(_BR // 8, 8, C), axis=0)
    s1_ref[...] += s1
    s2_ref[...] += s2

    @pl.when(i == _NB - 1)
    def _():
        out_ref[0, 0] = _NTC - 2.0 * jnp.sum(s1_ref[...]) + jnp.sum(s2_ref[...])


def _tc_part(contrast_logits, tgt):
    tgt_tc = tgt[_M:].reshape(_NB, _NSTR, _BR)

    def lspec(k):
        return pl.BlockSpec((_BR, C), lambda i, k=k: (_ROW0 + i * _NSTR + k, 0))

    total = pl.pallas_call(
        _tc_body,
        grid=(_NB,),
        in_specs=[pl.BlockSpec((1, _NSTR, _BR), lambda i: (i, 0, 0))]
        + [lspec(k) for k in range(_NSTR)],
        out_specs=pl.BlockSpec((1, 1), lambda i: (0, 0),
                               memory_space=pltpu.SMEM),
        out_shape=jax.ShapeDtypeStruct((1, 1), jnp.float32),
        scratch_shapes=[
            pltpu.VMEM((8, C), jnp.float32),
            pltpu.VMEM((8, C), jnp.float32),
        ],
        compiler_params=pltpu.CompilerParams(
            dimension_semantics=("arbitrary",),
        ),
    )(tgt_tc, *([contrast_logits] * _NSTR))
    return total[0, 0]


@jax.jit
def kernel(contrast_logits, contrast_target):
    tgt = contrast_target.astype(jnp.int32)
    sc_sum = _sc_part(contrast_logits, tgt)
    tc_sum = _tc_part(contrast_logits, tgt)
    return (sc_sum + tc_sum) / N

# --- scband reference (transcript-rebuilt; emitter-appended) ---
"""Pipeline reference for scband-ppd-11871289606185 (READ-ONLY COPY).

The authoritative reference and input builder live on the scoring server;
editing this copy changes nothing except your own understanding.
"""

import jax, jax.numpy as jnp
import numpy as np

N = 262144
C = 170

def setup_inputs(seed: int = 0) -> dict:
    key = jax.random.key(seed)
    k1, k2 = jax.random.split(key)
    contrast_logits = jax.random.normal(k1, (N, C), dtype=jnp.float32)
    contrast_target = jax.random.randint(k2, (N,), 0, C, dtype=jnp.int32).astype(jnp.int64)
    return {"contrast_logits": contrast_logits, "contrast_target": contrast_target}


def reference(contrast_logits, contrast_target):
    # ignore_label = -1; bg_reweight branch is inactive because learn_bg=False.
    valid = contrast_target != -1
    # Gather the logit at the target prototype index per row.
    idx = jnp.clip(contrast_target, 0, contrast_logits.shape[1] - 1).astype(jnp.int32)
    logits = jnp.take_along_axis(contrast_logits, idx[:, None], axis=1)[:, 0]
    loss = (1.0 - logits) ** 2
    # Masked mean over valid entries (equivalent to boolean-mask indexing + mean).
    loss = jnp.where(valid, loss, 0.0)
    n_valid = jnp.maximum(jnp.sum(valid.astype(jnp.float32)), 1.0)
    return jnp.sum(loss) / n_valid

if __name__ == "__main__":
    import jax
    _d = setup_inputs()
    print(jax.jit(kernel)(*tuple(_d.values())))

</pallas_src>

<mosaic_0001>
#map = affine_map<(d0, d1) -> (0, 0)>
#map1 = affine_map<(d0, d1) -> (0)>
module attributes {stable_mosaic.version = 14 : i64} {
  func.func @_sc_body(%arg0: i32, %arg1: i32, %arg2: memref<262144x170xf32, #tpu.memory_space<hbm>>, %arg3: memref<262144xi32, #tpu.memory_space<hbm>>, %arg4: memref<32x16xf32, #tpu.memory_space<hbm>>, %arg5: memref<3584xi32, #tpu.memory_space<vmem>>, %arg6: memref<128x170xf32, #tpu.memory_space<vmem>>, %arg7: memref<128x170xf32, #tpu.memory_space<vmem>>, %arg8: memref<16xf32, #tpu.memory_space<vmem>>, %arg9: memref<!tpu.dma_semaphore, #tpu.memory_space<semaphore_mem>>, %arg10: memref<!tpu.dma_semaphore, #tpu.memory_space<semaphore_mem>>) attributes {dimension_semantics = [#tpu.dimension_semantics<core_parallel>, #tpu.dimension_semantics<subcore_parallel>], iteration_bounds = array<i64: 2, 16>, scalar_prefetch = 0 : i64, scratch_operands = 6 : i64, tpu.core_type = #tpu.core_type<sc_vector_subcore>, window_params = [{transform_indices = #map}, {transform_indices = #map1}, {transform_indices = #map}]} {
    %mul3A = arith.constant 2 : i32
    %mul3A_0 = arith.muli %arg1, %mul3A : i32
    %add3A = arith.addi %mul3A_0, %arg0 : i32
    %mul3A_1 = arith.constant 3584 : i32
    %mul3A_2 = arith.muli %add3A, %mul3A_1 : i32
    "tpu.region"() ({
      %run_scoped3A = tpu.sem_alloc : memref<!tpu.dma_semaphore, #tpu.memory_space<semaphore_mem>>
      %dma_start3A_450 = tpu.memref_slice %arg3[%mul3A_2] : memref<262144xi32, #tpu.memory_space<hbm>> -> memref<3584xi32, #tpu.memory_space<hbm>>
      %dma_start3A_451 = tpu.memref_slice %arg3[%mul3A_2] : memref<262144xi32, #tpu.memory_space<hbm>> -> memref<3584xi32, #tpu.memory_space<hbm>>
      tpu.enqueue_dma source(%dma_start3A_451 : memref<3584xi32, #tpu.memory_space<hbm>>) target(%arg5 : memref<3584xi32, #tpu.memory_space<vmem>>) target_semaphore(%run_scoped3A : memref<!tpu.dma_semaphore, #tpu.memory_space<semaphore_mem>>)
      %dma_wait3A_452 = tpu.memref_slice %arg3[%mul3A_2] : memref<262144xi32, #tpu.memory_space<hbm>> -> memref<3584xi32, #tpu.memory_space<hbm>>
      %dma_wait3A_453 = tpu.memref_slice %arg3[%mul3A_2] : memref<262144xi32, #tpu.memory_space<hbm>> -> memref<3584xi32, #tpu.memory_space<hbm>>
      tpu.wait_dma2 semaphore(%run_scoped3A : memref<!tpu.dma_semaphore, #tpu.memory_space<semaphore_mem>>) src(%dma_wait3A_453 : memref<3584xi32, #tpu.memory_space<hbm>>) dst(%arg5 : memref<3584xi32, #tpu.memory_space<vmem>>)
      tpu.yield
    }) : () -> ()
    %iota3A = tpu.iota {dimensions = array<i32: 0>} : vector<16xi32>
    %add3A_3 = arith.constant 0 : i32
    %add3A_4 = arith.addi %mul3A_2, %add3A_3 : i32
    %dma_start3A = arith.constant 0 : i32
    %dma_start3A_5 = tpu.memref_slice %arg2[%add3A_4, %dma_start3A] : memref<262144x170xf32, #tpu.memory_space<hbm>> -> memref<128x170xf32, #tpu.memory_space<hbm>>
    %dma_start3A_6 = arith.constant 0 : i32
    %dma_start3A_7 = tpu.memref_slice %arg2[%add3A_4, %dma_start3A_6] : memref<262144x170xf32, #tpu.memory_space<hbm>> -> memref<128x170xf32, #tpu.memory_space<hbm>>
    tpu.enqueue_dma source(%dma_start3A_7 : memref<128x170xf32, #tpu.memory_space<hbm>>) target(%arg6 : memref<128x170xf32, #tpu.memory_space<vmem>>) target_semaphore(%arg9 : memref<!tpu.dma_semaphore, #tpu.memory_space<semaphore_mem>>)
    %broadcast_in_dim3A = arith.constant 0.000000e+00 : f32
    %broadcast_in_dim3A_8 = vector.broadcast %broadcast_in_dim3A : f32 to vector<16xf32>
    %dma_wait3A = arith.constant 0 : i32
    %dma_wait3A_9 = tpu.memref_slice %arg2[%add3A_4, %dma_wait3A] : memref<262144x170xf32, #tpu.memory_space<hbm>> -> memref<128x170xf32, #tpu.memory_space<hbm>>
    %dma_wait3A_10 = arith.constant 0 : i32
    %dma_wait3A_11 = tpu.memref_slice %arg2[%add3A_4, %dma_wait3A_10] : memref<262144x170xf32, #tpu.memory_space<hbm>> -> memref<128x170xf32, #tpu.memory_space<hbm>>
    tpu.wait_dma2 semaphore(%arg9 : memref<!tpu.dma_semaphore, #tpu.memory_space<semaphore_mem>>) src(%dma_wait3A_11 : memref<128x170xf32, #tpu.memory_space<hbm>>) dst(%arg6 : memref<128x170xf32, #tpu.memory_space<vmem>>)
    %add3A_12 = arith.constant 128 : i32
    %add3A_13 = arith.addi %mul3A_2, %add3A_12 : i32
    %dma_start3A_14 = arith.constant 0 : i32
    %dma_start3A_15 = tpu.memref_slice %arg2[%add3A_13, %dma_start3A_14] : memref<262144x170xf32, #tpu.memory_space<hbm>> -> memref<128x170xf32, #tpu.memory_space<hbm>>
    %dma_start3A_16 = arith.constant 0 : i32
    %dma_start3A_17 = tpu.memref_slice %arg2[%add3A_13, %dma_start3A_16] : memref<262144x170xf32, #tpu.memory_space<hbm>> -> memref<128x170xf32, #tpu.memory_space<hbm>>
    tpu.enqueue_dma source(%dma_start3A_17 : memref<128x170xf32, #tpu.memory_space<hbm>>) target(%arg7 : memref<128x170xf32, #tpu.memory_space<vmem>>) target_semaphore(%arg10 : memref<!tpu.dma_semaphore, #tpu.memory_space<semaphore_mem>>)
    %scan3A = arith.constant 0 : i32
    %scan3A_18 = arith.constant 8 : i32
    %scan3A_19 = arith.addi %scan3A, %scan3A_18 : i32
    %scan3A_20 = arith.constant 1 : i32
    %scan3A_21 = scf.for %scan3A_450 = %scan3A to %scan3A_19 step %scan3A_20 iter_args(%scan3A_451 = %broadcast_in_dim3A_8) -> (vector<16xf32>)  : i32 {
      %mul3A_452 = arith.constant 16 : i32
      %mul3A_453 = arith.muli %scan3A_450, %mul3A_452 : i32
      %add3A_454 = arith.constant 0 : i32
      %add3A_455 = arith.addi %add3A_454, %mul3A_453 : i32
      %get3A = arith.index_cast %add3A_455 : i32 to index
      %get3A_456 = tpu.vector_load %arg5[%get3A] {strides = array<i32>} : memref<3584xi32, #tpu.memory_space<vmem>>, vector<16xi32>,
      %mul3A_457 = arith.constant 16 : i32
      %mul3A_458 = arith.muli %scan3A_450, %mul3A_457 : i32
      %add3A_459 = vector.broadcast %mul3A_458 : i32 to vector<16xi32>
      %add3A_460 = arith.addi %add3A_459, %iota3A : vector<16xi32>
      %gather3A = tpu.vector_load_idx %arg6[%add3A_460, %get3A_456] : memref<128x170xf32, #tpu.memory_space<vmem>>[vector<16xi32>, vector<16xi32>], vector<16xf32>,
      %sub3A = arith.constant 1.000000e+00 : f32
      %sub3A_461 = vector.broadcast %sub3A : f32 to vector<16xf32>
      %sub3A_462 = arith.subf %sub3A_461, %gather3A : vector<16xf32>
      %mul3A_463 = arith.mulf %sub3A_462, %sub3A_462 : vector<16xf32>
      %add3A_464 = arith.addf %scan3A_451, %mul3A_463 : vector<16xf32>
      scf.yield %add3A_464 : vector<16xf32>
    }
    %scan3A_22 = arith.constant 8 : i32
    %dma_wait3A_23 = arith.constant 0 : i32
    %dma_wait3A_24 = tpu.memref_slice %arg2[%add3A_13, %dma_wait3A_23] : memref<262144x170xf32, #tpu.memory_space<hbm>> -> memref<128x170xf32, #tpu.memory_space<hbm>>
    %dma_wait3A_25 = arith.constant 0 : i32
    %dma_wait3A_26 = tpu.memref_slice %arg2[%add3A_13, %dma_wait3A_25] : memref<262144x170xf32, #tpu.memory_space<hbm>> -> memref<128x170xf32, #tpu.memory_space<hbm>>
    tpu.wait_dma2 semaphore(%arg10 : memref<!tpu.dma_semaphore, #tpu.memory_space<semaphore_mem>>) src(%dma_wait3A_26 : memref<128x170xf32, #tpu.memory_space<hbm>>) dst(%arg7 : memref<128x170xf32, #tpu.memory_space<vmem>>)
    %add3A_27 = arith.constant 256 : i32
    %add3A_28 = arith.addi %mul3A_2, %add3A_27 : i32
    %dma_start3A_29 = arith.constant 0 : i32
    %dma_start3A_30 = tpu.memref_slice %arg2[%add3A_28, %dma_start3A_29] : memref<262144x170xf32, #tpu.memory_space<hbm>> -> memref<128x170xf32, #tpu.memory_space<hbm>>
    %dma_start3A_31 = arith.constant 0 : i32
    %dma_start3A_32 = tpu.memref_slice %arg2[%add3A_28, %dma_start3A_31] : memref<262144x170xf32, #tpu.memory_space<hbm>> -> memref<128x170xf32, #tpu.memory_space<hbm>>
    tpu.enqueue_dma source(%dma_start3A_32 : memref<128x170xf32, #tpu.memory_space<hbm>>) target(%arg6 : memref<128x170xf32, #tpu.memory_space<vmem>>) target_semaphore(%arg9 : memref<!tpu.dma_semaphore, #tpu.memory_space<semaphore_mem>>)
    %scan3A_33 = arith.constant 0 : i32
    %scan3A_34 = arith.constant 8 : i32
    %scan3A_35 = arith.addi %scan3A_33, %scan3A_34 : i32
    %scan3A_36 = arith.constant 1 : i32
    %scan3A_37 = scf.for %scan3A_450 = %scan3A_33 to %scan3A_35 step %scan3A_36 iter_args(%scan3A_451 = %scan3A_21) -> (vector<16xf32>)  : i32 {
      %mul3A_452 = arith.constant 16 : i32
      %mul3A_453 = arith.muli %scan3A_450, %mul3A_452 : i32
      %add3A_454 = arith.constant 128 : i32
      %add3A_455 = arith.addi %add3A_454, %mul3A_453 : i32
      %get3A = arith.index_cast %add3A_455 : i32 to index
      %get3A_456 = tpu.vector_load %arg5[%get3A] {strides = array<i32>} : memref<3584xi32, #tpu.memory_space<vmem>>, vector<16xi32>,
      %mul3A_457 = arith.constant 16 : i32
      %mul3A_458 = arith.muli %scan3A_450, %mul3A_457 : i32
      %add3A_459 = vector.broadcast %mul3A_458 : i32 to vector<16xi32>
      %add3A_460 = arith.addi %add3A_459, %iota3A : vector<16xi32>
      %gather3A = tpu.vector_load_idx %arg7[%add3A_460, %get3A_456] : memref<128x170xf32, #tpu.memory_space<vmem>>[vector<16xi32>, vector<16xi32>], vector<16xf32>,
      %sub3A = arith.constant 1.000000e+00 : f32
      %sub3A_461 = vector.broadcast %sub3A : f32 to vector<16xf32>
      %sub3A_462 = arith.subf %sub3A_461, %gather3A : vector<16xf32>
      %mul3A_463 = arith.mulf %sub3A_462, %sub3A_462 : vector<16xf32>
      %add3A_464 = arith.addf %scan3A_451, %mul3A_463 : vector<16xf32>
      scf.yield %add3A_464 : vector<16xf32>
    }
    %scan3A_38 = arith.constant 8 : i32
    %dma_wait3A_39 = arith.constant 0 : i32
    %dma_wait3A_40 = tpu.memref_slice %arg2[%add3A_28, %dma_wait3A_39] : memref<262144x170xf32, #tpu.memory_space<hbm>> -> memref<128x170xf32, #tpu.memory_space<hbm>>
    %dma_wait3A_41 = arith.constant 0 : i32
    %dma_wait3A_42 = tpu.memref_slice %arg2[%add3A_28, %dma_wait3A_41] : memref<262144x170xf32, #tpu.memory_space<hbm>> -> memref<128x170xf32, #tpu.memory_space<hbm>>
    tpu.wait_dma2 semaphore(%arg9 : memref<!tpu.dma_semaphore, #tpu.memory_space<semaphore_mem>>) src(%dma_wait3A_42 : memref<128x170xf32, #tpu.memory_space<hbm>>) dst(%arg6 : memref<128x170xf32, #tpu.memory_space<vmem>>)
    %add3A_43 = arith.constant 384 : i32
    %add3A_44 = arith.addi %mul3A_2, %add3A_43 : i32
    %dma_start3A_45 = arith.constant 0 : i32
    %dma_start3A_46 = tpu.memref_slice %arg2[%add3A_44, %dma_start3A_45] : memref<262144x170xf32, #tpu.memory_space<hbm>> -> memref<128x170xf32, #tpu.memory_space<hbm>>
    %dma_start3A_47 = arith.constant 0 : i32
    %dma_start3A_48 = tpu.memref_slice %arg2[%add3A_44, %dma_start3A_47] : memref<262144x170xf32, #tpu.memory_space<hbm>> -> memref<128x170xf32, #tpu.memory_space<hbm>>
    tpu.enqueue_dma source(%dma_start3A_48 : memref<128x170xf32, #tpu.memory_space<hbm>>) target(%arg7 : memref<128x170xf32, #tpu.memory_space<vmem>>) target_semaphore(%arg10 : memref<!tpu.dma_semaphore, #tpu.memory_space<semaphore_mem>>)
    %scan3A_49 = arith.constant 0 : i32
    %scan3A_50 = arith.constant 8 : i32
    %scan3A_51 = arith.addi %scan3A_49, %scan3A_50 : i32
    %scan3A_52 = arith.constant 1 : i32
    %scan3A_53 = scf.for %scan3A_450 = %scan3A_49 to %scan3A_51 step %scan3A_52 iter_args(%scan3A_451 = %scan3A_37) -> (vector<16xf32>)  : i32 {
      %mul3A_452 = arith.constant 16 : i32
      %mul3A_453 = arith.muli %scan3A_450, %mul3A_452 : i32
      %add3A_454 = arith.constant 256 : i32
      %add3A_455 = arith.addi %add3A_454, %mul3A_453 : i32
      %get3A = arith.index_cast %add3A_455 : i32 to index
      %get3A_456 = tpu.vector_load %arg5[%get3A] {strides = array<i32>} : memref<3584xi32, #tpu.memory_space<vmem>>, vector<16xi32>,
      %mul3A_457 = arith.constant 16 : i32
      %mul3A_458 = arith.muli %scan3A_450, %mul3A_457 : i32
      %add3A_459 = vector.broadcast %mul3A_458 : i32 to vector<16xi32>
      %add3A_460 = arith.addi %add3A_459, %iota3A : vector<16xi32>
      %gather3A = tpu.vector_load_idx %arg6[%add3A_460, %get3A_456] : memref<128x170xf32, #tpu.memory_space<vmem>>[vector<16xi32>, vector<16xi32>], vector<16xf32>,
      %sub3A = arith.constant 1.000000e+00 : f32
      %sub3A_461 = vector.broadcast %sub3A : f32 to vector<16xf32>
      %sub3A_462 = arith.subf %sub3A_461, %gather3A : vector<16xf32>
      %mul3A_463 = arith.mulf %sub3A_462, %sub3A_462 : vector<16xf32>
      %add3A_464 = arith.addf %scan3A_451, %mul3A_463 : vector<16xf32>
      scf.yield %add3A_464 : vector<16xf32>
    }
    %scan3A_54 = arith.constant 8 : i32
    %dma_wait3A_55 = arith.constant 0 : i32
    %dma_wait3A_56 = tpu.memref_slice %arg2[%add3A_44, %dma_wait3A_55] : memref<262144x170xf32, #tpu.memory_space<hbm>> -> memref<128x170xf32, #tpu.memory_space<hbm>>
    %dma_wait3A_57 = arith.constant 0 : i32
    %dma_wait3A_58 = tpu.memref_slice %arg2[%add3A_44, %dma_wait3A_57] : memref<262144x170xf32, #tpu.memory_space<hbm>> -> memref<128x170xf32, #tpu.memory_space<hbm>>
    tpu.wait_dma2 semaphore(%arg10 : memref<!tpu.dma_semaphore, #tpu.memory_space<semaphore_mem>>) src(%dma_wait3A_58 : memref<128x170xf32, #tpu.memory_space<hbm>>) dst(%arg7 : memref<128x170xf32, #tpu.memory_space<vmem>>)
    %add3A_59 = arith.constant 512 : i32
    %add3A_60 = arith.addi %mul3A_2, %add3A_59 : i32
    %dma_start3A_61 = arith.constant 0 : i32
    %dma_start3A_62 = tpu.memref_slice %arg2[%add3A_60, %dma_start3A_61] : memref<262144x170xf32, #tpu.memory_space<hbm>> -> memref<128x170xf32, #tpu.memory_space<hbm>>
    %dma_start3A_63 = arith.constant 0 : i32
    %dma_start3A_64 = tpu.memref_slice %arg2[%add3A_60, %dma_start3A_63] : memref<262144x170xf32, #tpu.memory_space<hbm>> -> memref<128x170xf32, #tpu.memory_space<hbm>>
    tpu.enqueue_dma source(%dma_start3A_64 : memref<128x170xf32, #tpu.memory_space<hbm>>) target(%arg6 : memref<128x170xf32, #tpu.memory_space<vmem>>) target_semaphore(%arg9 : memref<!tpu.dma_semaphore, #tpu.memory_space<semaphore_mem>>)
    %scan3A_65 = arith.constant 0 : i32
    %scan3A_66 = arith.constant 8 : i32
    %scan3A_67 = arith.addi %scan3A_65, %scan3A_66 : i32
    %scan3A_68 = arith.constant 1 : i32
    %scan3A_69 = scf.for %scan3A_450 = %scan3A_65 to %scan3A_67 step %scan3A_68 iter_args(%scan3A_451 = %scan3A_53) -> (vector<16xf32>)  : i32 {
      %mul3A_452 = arith.constant 16 : i32
      %mul3A_453 = arith.muli %scan3A_450, %mul3A_452 : i32
      %add3A_454 = arith.constant 384 : i32
      %add3A_455 = arith.addi %add3A_454, %mul3A_453 : i32
      %get3A = arith.index_cast %add3A_455 : i32 to index
      %get3A_456 = tpu.vector_load %arg5[%get3A] {strides = array<i32>} : memref<3584xi32, #tpu.memory_space<vmem>>, vector<16xi32>,
      %mul3A_457 = arith.constant 16 : i32
      %mul3A_458 = arith.muli %scan3A_450, %mul3A_457 : i32
      %add3A_459 = vector.broadcast %mul3A_458 : i32 to vector<16xi32>
      %add3A_460 = arith.addi %add3A_459, %iota3A : vector<16xi32>
      %gather3A = tpu.vector_load_idx %arg7[%add3A_460, %get3A_456] : memref<128x170xf32, #tpu.memory_space<vmem>>[vector<16xi32>, vector<16xi32>], vector<16xf32>,
      %sub3A = arith.constant 1.000000e+00 : f32
      %sub3A_461 = vector.broadcast %sub3A : f32 to vector<16xf32>
      %sub3A_462 = arith.subf %sub3A_461, %gather3A : vector<16xf32>
      %mul3A_463 = arith.mulf %sub3A_462, %sub3A_462 : vector<16xf32>
      %add3A_464 = arith.addf %scan3A_451, %mul3A_463 : vector<16xf32>
      scf.yield %add3A_464 : vector<16xf32>
    }
    %scan3A_70 = arith.constant 8 : i32
    %dma_wait3A_71 = arith.constant 0 : i32
    %dma_wait3A_72 = tpu.memref_slice %arg2[%add3A_60, %dma_wait3A_71] : memref<262144x170xf32, #tpu.memory_space<hbm>> -> memref<128x170xf32, #tpu.memory_space<hbm>>
    %dma_wait3A_73 = arith.constant 0 : i32
    %dma_wait3A_74 = tpu.memref_slice %arg2[%add3A_60, %dma_wait3A_73] : memref<262144x170xf32, #tpu.memory_space<hbm>> -> memref<128x170xf32, #tpu.memory_space<hbm>>
    tpu.wait_dma2 semaphore(%arg9 : memref<!tpu.dma_semaphore, #tpu.memory_space<semaphore_mem>>) src(%dma_wait3A_74 : memref<128x170xf32, #tpu.memory_space<hbm>>) dst(%arg6 : memref<128x170xf32, #tpu.memory_space<vmem>>)
    %add3A_75 = arith.constant 640 : i32
    %add3A_76 = arith.addi %mul3A_2, %add3A_75 : i32
    %dma_start3A_77 = arith.constant 0 : i32
    %dma_start3A_78 = tpu.memref_slice %arg2[%add3A_76, %dma_start3A_77] : memref<262144x170xf32, #tpu.memory_space<hbm>> -> memref<128x170xf32, #tpu.memory_space<hbm>>
    %dma_start3A_79 = arith.constant 0 : i32
    %dma_start3A_80 = tpu.memref_slice %arg2[%add3A_76, %dma_start3A_79] : memref<262144x170xf32, #tpu.memory_space<hbm>> -> memref<128x170xf32, #tpu.memory_space<hbm>>
    tpu.enqueue_dma source(%dma_start3A_80 : memref<128x170xf32, #tpu.memory_space<hbm>>) target(%arg7 : memref<128x170xf32, #tpu.memory_space<vmem>>) target_semaphore(%arg10 : memref<!tpu.dma_semaphore, #tpu.memory_space<semaphore_mem>>)
    %scan3A_81 = arith.constant 0 : i32
    %scan3A_82 = arith.constant 8 : i32
    %scan3A_83 = arith.addi %scan3A_81, %scan3A_82 : i32
    %scan3A_84 = arith.constant 1 : i32
    %scan3A_85 = scf.for %scan3A_450 = %scan3A_81 to %scan3A_83 step %scan3A_84 iter_args(%scan3A_451 = %scan3A_69) -> (vector<16xf32>)  : i32 {
      %mul3A_452 = arith.constant 16 : i32
      %mul3A_453 = arith.muli %scan3A_450, %mul3A_452 : i32
      %add3A_454 = arith.constant 512 : i32
      %add3A_455 = arith.addi %add3A_454, %mul3A_453 : i32
      %get3A = arith.index_cast %add3A_455 : i32 to index
      %get3A_456 = tpu.vector_load %arg5[%get3A] {strides = array<i32>} : memref<3584xi32, #tpu.memory_space<vmem>>, vector<16xi32>,
      %mul3A_457 = arith.constant 16 : i32
      %mul3A_458 = arith.muli %scan3A_450, %mul3A_457 : i32
      %add3A_459 = vector.broadcast %mul3A_458 : i32 to vector<16xi32>
      %add3A_460 = arith.addi %add3A_459, %iota3A : vector<16xi32>
      %gather3A = tpu.vector_load_idx %arg6[%add3A_460, %get3A_456] : memref<128x170xf32, #tpu.memory_space<vmem>>[vector<16xi32>, vector<16xi32>], vector<16xf32>,
      %sub3A = arith.constant 1.000000e+00 : f32
      %sub3A_461 = vector.broadcast %sub3A : f32 to vector<16xf32>
      %sub3A_462 = arith.subf %sub3A_461, %gather3A : vector<16xf32>
      %mul3A_463 = arith.mulf %sub3A_462, %sub3A_462 : vector<16xf32>
      %add3A_464 = arith.addf %scan3A_451, %mul3A_463 : vector<16xf32>
      scf.yield %add3A_464 : vector<16xf32>
    }
    %scan3A_86 = arith.constant 8 : i32
    %dma_wait3A_87 = arith.constant 0 : i32
    %dma_wait3A_88 = tpu.memref_slice %arg2[%add3A_76, %dma_wait3A_87] : memref<262144x170xf32, #tpu.memory_space<hbm>> -> memref<128x170xf32, #tpu.memory_space<hbm>>
    %dma_wait3A_89 = arith.constant 0 : i32
    %dma_wait3A_90 = tpu.memref_slice %arg2[%add3A_76, %dma_wait3A_89] : memref<262144x170xf32, #tpu.memory_space<hbm>> -> memref<128x170xf32, #tpu.memory_space<hbm>>
    tpu.wait_dma2 semaphore(%arg10 : memref<!tpu.dma_semaphore, #tpu.memory_space<semaphore_mem>>) src(%dma_wait3A_90 : memref<128x170xf32, #tpu.memory_space<hbm>>) dst(%arg7 : memref<128x170xf32, #tpu.memory_space<vmem>>)
    %add3A_91 = arith.constant 768 : i32
    %add3A_92 = arith.addi %mul3A_2, %add3A_91 : i32
    %dma_start3A_93 = arith.constant 0 : i32
    %dma_start3A_94 = tpu.memref_slice %arg2[%add3A_92, %dma_start3A_93] : memref<262144x170xf32, #tpu.memory_space<hbm>> -> memref<128x170xf32, #tpu.memory_space<hbm>>
    %dma_start3A_95 = arith.constant 0 : i32
    %dma_start3A_96 = tpu.memref_slice %arg2[%add3A_92, %dma_start3A_95] : memref<262144x170xf32, #tpu.memory_space<hbm>> -> memref<128x170xf32, #tpu.memory_space<hbm>>
    tpu.enqueue_dma source(%dma_start3A_96 : memref<128x170xf32, #tpu.memory_space<hbm>>) target(%arg6 : memref<128x170xf32, #tpu.memory_space<vmem>>) target_semaphore(%arg9 : memref<!tpu.dma_semaphore, #tpu.memory_space<semaphore_mem>>)
    %scan3A_97 = arith.constant 0 : i32
    %scan3A_98 = arith.constant 8 : i32
    %scan3A_99 = arith.addi %scan3A_97, %scan3A_98 : i32
    %scan3A_100 = arith.constant 1 : i32
    %scan3A_101 = scf.for %scan3A_450 = %scan3A_97 to %scan3A_99 step %scan3A_100 iter_args(%scan3A_451 = %scan3A_85) -> (vector<16xf32>)  : i32 {
      %mul3A_452 = arith.constant 16 : i32
      %mul3A_453 = arith.muli %scan3A_450, %mul3A_452 : i32
      %add3A_454 = arith.constant 640 : i32
      %add3A_455 = arith.addi %add3A_454, %mul3A_453 : i32
      %get3A = arith.index_cast %add3A_455 : i32 to index
      %get3A_456 = tpu.vector_load %arg5[%get3A] {strides = array<i32>} : memref<3584xi32, #tpu.memory_space<vmem>>, vector<16xi32>,
      %mul3A_457 = arith.constant 16 : i32
      %mul3A_458 = arith.muli %scan3A_450, %mul3A_457 : i32
      %add3A_459 = vector.broadcast %mul3A_458 : i32 to vector<16xi32>
      %add3A_460 = arith.addi %add3A_459, %iota3A : vector<16xi32>
      %gather3A = tpu.vector_load_idx %arg7[%add3A_460, %get3A_456] : memref<128x170xf32, #tpu.memory_space<vmem>>[vector<16xi32>, vector<16xi32>], vector<16xf32>,
      %sub3A = arith.constant 1.000000e+00 : f32
      %sub3A_461 = vector.broadcast %sub3A : f32 to vector<16xf32>
      %sub3A_462 = arith.subf %sub3A_461, %gather3A : vector<16xf32>
      %mul3A_463 = arith.mulf %sub3A_462, %sub3A_462 : vector<16xf32>
      %add3A_464 = arith.addf %scan3A_451, %mul3A_463 : vector<16xf32>
      scf.yield %add3A_464 : vector<16xf32>
    }
    %scan3A_102 = arith.constant 8 : i32
    %dma_wait3A_103 = arith.constant 0 : i32
    %dma_wait3A_104 = tpu.memref_slice %arg2[%add3A_92, %dma_wait3A_103] : memref<262144x170xf32, #tpu.memory_space<hbm>> -> memref<128x170xf32, #tpu.memory_space<hbm>>
    %dma_wait3A_105 = arith.constant 0 : i32
    %dma_wait3A_106 = tpu.memref_slice %arg2[%add3A_92, %dma_wait3A_105] : memref<262144x170xf32, #tpu.memory_space<hbm>> -> memref<128x170xf32, #tpu.memory_space<hbm>>
    tpu.wait_dma2 semaphore(%arg9 : memref<!tpu.dma_semaphore, #tpu.memory_space<semaphore_mem>>) src(%dma_wait3A_106 : memref<128x170xf32, #tpu.memory_space<hbm>>) dst(%arg6 : memref<128x170xf32, #tpu.memory_space<vmem>>)
    %add3A_107 = arith.constant 896 : i32
    %add3A_108 = arith.addi %mul3A_2, %add3A_107 : i32
    %dma_start3A_109 = arith.constant 0 : i32
    %dma_start3A_110 = tpu.memref_slice %arg2[%add3A_108, %dma_start3A_109] : memref<262144x170xf32, #tpu.memory_space<hbm>> -> memref<128x170xf32, #tpu.memory_space<hbm>>
    %dma_start3A_111 = arith.constant 0 : i32
    %dma_start3A_112 = tpu.memref_slice %arg2[%add3A_108, %dma_start3A_111] : memref<262144x170xf32, #tpu.memory_space<hbm>> -> memref<128x170xf32, #tpu.memory_space<hbm>>
    tpu.enqueue_dma source(%dma_start3A_112 : memref<128x170xf32, #tpu.memory_space<hbm>>) target(%arg7 : memref<128x170xf32, #tpu.memory_space<vmem>>) target_semaphore(%arg10 : memref<!tpu.dma_semaphore, #tpu.memory_space<semaphore_mem>>)
    %scan3A_113 = arith.constant 0 : i32
    %scan3A_114 = arith.constant 8 : i32
    %scan3A_115 = arith.addi %scan3A_113, %scan3A_114 : i32
    %scan3A_116 = arith.constant 1 : i32
    %scan3A_117 = scf.for %scan3A_450 = %scan3A_113 to %scan3A_115 step %scan3A_116 iter_args(%scan3A_451 = %scan3A_101) -> (vector<16xf32>)  : i32 {
      %mul3A_452 = arith.constant 16 : i32
      %mul3A_453 = arith.muli %scan3A_450, %mul3A_452 : i32
      %add3A_454 = arith.constant 768 : i32
      %add3A_455 = arith.addi %add3A_454, %mul3A_453 : i32
      %get3A = arith.index_cast %add3A_455 : i32 to index
      %get3A_456 = tpu.vector_load %arg5[%get3A] {strides = array<i32>} : memref<3584xi32, #tpu.memory_space<vmem>>, vector<16xi32>,
      %mul3A_457 = arith.constant 16 : i32
      %mul3A_458 = arith.muli %scan3A_450, %mul3A_457 : i32
      %add3A_459 = vector.broadcast %mul3A_458 : i32 to vector<16xi32>
      %add3A_460 = arith.addi %add3A_459, %iota3A : vector<16xi32>
      %gather3A = tpu.vector_load_idx %arg6[%add3A_460, %get3A_456] : memref<128x170xf32, #tpu.memory_space<vmem>>[vector<16xi32>, vector<16xi32>], vector<16xf32>,
      %sub3A = arith.constant 1.000000e+00 : f32
      %sub3A_461 = vector.broadcast %sub3A : f32 to vector<16xf32>
      %sub3A_462 = arith.subf %sub3A_461, %gather3A : vector<16xf32>
      %mul3A_463 = arith.mulf %sub3A_462, %sub3A_462 : vector<16xf32>
      %add3A_464 = arith.addf %scan3A_451, %mul3A_463 : vector<16xf32>
      scf.yield %add3A_464 : vector<16xf32>
    }
    %scan3A_118 = arith.constant 8 : i32
    %dma_wait3A_119 = arith.constant 0 : i32
    %dma_wait3A_120 = tpu.memref_slice %arg2[%add3A_108, %dma_wait3A_119] : memref<262144x170xf32, #tpu.memory_space<hbm>> -> memref<128x170xf32, #tpu.memory_space<hbm>>
    %dma_wait3A_121 = arith.constant 0 : i32
    %dma_wait3A_122 = tpu.memref_slice %arg2[%add3A_108, %dma_wait3A_121] : memref<262144x170xf32, #tpu.memory_space<hbm>> -> memref<128x170xf32, #tpu.memory_space<hbm>>
    tpu.wait_dma2 semaphore(%arg10 : memref<!tpu.dma_semaphore, #tpu.memory_space<semaphore_mem>>) src(%dma_wait3A_122 : memref<128x170xf32, #tpu.memory_space<hbm>>) dst(%arg7 : memref<128x170xf32, #tpu.memory_space<vmem>>)
    %add3A_123 = arith.constant 1024 : i32
    %add3A_124 = arith.addi %mul3A_2, %add3A_123 : i32
    %dma_start3A_125 = arith.constant 0 : i32
    %dma_start3A_126 = tpu.memref_slice %arg2[%add3A_124, %dma_start3A_125] : memref<262144x170xf32, #tpu.memory_space<hbm>> -> memref<128x170xf32, #tpu.memory_space<hbm>>
    %dma_start3A_127 = arith.constant 0 : i32
    %dma_start3A_128 = tpu.memref_slice %arg2[%add3A_124, %dma_start3A_127] : memref<262144x170xf32, #tpu.memory_space<hbm>> -> memref<128x170xf32, #tpu.memory_space<hbm>>
    tpu.enqueue_dma source(%dma_start3A_128 : memref<128x170xf32, #tpu.memory_space<hbm>>) target(%arg6 : memref<128x170xf32, #tpu.memory_space<vmem>>) target_semaphore(%arg9 : memref<!tpu.dma_semaphore, #tpu.memory_space<semaphore_mem>>)
    %scan3A_129 = arith.constant 0 : i32
    %scan3A_130 = arith.constant 8 : i32
    %scan3A_131 = arith.addi %scan3A_129, %scan3A_130 : i32
    %scan3A_132 = arith.constant 1 : i32
    %scan3A_133 = scf.for %scan3A_450 = %scan3A_129 to %scan3A_131 step %scan3A_132 iter_args(%scan3A_451 = %scan3A_117) -> (vector<16xf32>)  : i32 {
      %mul3A_452 = arith.constant 16 : i32
      %mul3A_453 = arith.muli %scan3A_450, %mul3A_452 : i32
      %add3A_454 = arith.constant 896 : i32
      %add3A_455 = arith.addi %add3A_454, %mul3A_453 : i32
      %get3A = arith.index_cast %add3A_455 : i32 to index
      %get3A_456 = tpu.vector_load %arg5[%get3A] {strides = array<i32>} : memref<3584xi32, #tpu.memory_space<vmem>>, vector<16xi32>,
      %mul3A_457 = arith.constant 16 : i32
      %mul3A_458 = arith.muli %scan3A_450, %mul3A_457 : i32
      %add3A_459 = vector.broadcast %mul3A_458 : i32 to vector<16xi32>
      %add3A_460 = arith.addi %add3A_459, %iota3A : vector<16xi32>
      %gather3A = tpu.vector_load_idx %arg7[%add3A_460, %get3A_456] : memref<128x170xf32, #tpu.memory_space<vmem>>[vector<16xi32>, vector<16xi32>], vector<16xf32>,
      %sub3A = arith.constant 1.000000e+00 : f32
      %sub3A_461 = vector.broadcast %sub3A : f32 to vector<16xf32>
      %sub3A_462 = arith.subf %sub3A_461, %gather3A : vector<16xf32>
      %mul3A_463 = arith.mulf %sub3A_462, %sub3A_462 : vector<16xf32>
      %add3A_464 = arith.addf %scan3A_451, %mul3A_463 : vector<16xf32>
      scf.yield %add3A_464 : vector<16xf32>
    }
    %scan3A_134 = arith.constant 8 : i32
    %dma_wait3A_135 = arith.constant 0 : i32
    %dma_wait3A_136 = tpu.memref_slice %arg2[%add3A_124, %dma_wait3A_135] : memref<262144x170xf32, #tpu.memory_space<hbm>> -> memref<128x170xf32, #tpu.memory_space<hbm>>
    %dma_wait3A_137 = arith.constant 0 : i32
    %dma_wait3A_138 = tpu.memref_slice %arg2[%add3A_124, %dma_wait3A_137] : memref<262144x170xf32, #tpu.memory_space<hbm>> -> memref<128x170xf32, #tpu.memory_space<hbm>>
    tpu.wait_dma2 semaphore(%arg9 : memref<!tpu.dma_semaphore, #tpu.memory_space<semaphore_mem>>) src(%dma_wait3A_138 : memref<128x170xf32, #tpu.memory_space<hbm>>) dst(%arg6 : memref<128x170xf32, #tpu.memory_space<vmem>>)
    %add3A_139 = arith.constant 1152 : i32
    %add3A_140 = arith.addi %mul3A_2, %add3A_139 : i32
    %dma_start3A_141 = arith.constant 0 : i32
    %dma_start3A_142 = tpu.memref_slice %arg2[%add3A_140, %dma_start3A_141] : memref<262144x170xf32, #tpu.memory_space<hbm>> -> memref<128x170xf32, #tpu.memory_space<hbm>>
    %dma_start3A_143 = arith.constant 0 : i32
    %dma_start3A_144 = tpu.memref_slice %arg2[%add3A_140, %dma_start3A_143] : memref<262144x170xf32, #tpu.memory_space<hbm>> -> memref<128x170xf32, #tpu.memory_space<hbm>>
    tpu.enqueue_dma source(%dma_start3A_144 : memref<128x170xf32, #tpu.memory_space<hbm>>) target(%arg7 : memref<128x170xf32, #tpu.memory_space<vmem>>) target_semaphore(%arg10 : memref<!tpu.dma_semaphore, #tpu.memory_space<semaphore_mem>>)
    %scan3A_145 = arith.constant 0 : i32
    %scan3A_146 = arith.constant 8 : i32
    %scan3A_147 = arith.addi %scan3A_145, %scan3A_146 : i32
    %scan3A_148 = arith.constant 1 : i32
    %scan3A_149 = scf.for %scan3A_450 = %scan3A_145 to %scan3A_147 step %scan3A_148 iter_args(%scan3A_451 = %scan3A_133) -> (vector<16xf32>)  : i32 {
      %mul3A_452 = arith.constant 16 : i32
      %mul3A_453 = arith.muli %scan3A_450, %mul3A_452 : i32
      %add3A_454 = arith.constant 1024 : i32
      %add3A_455 = arith.addi %add3A_454, %mul3A_453 : i32
      %get3A = arith.index_cast %add3A_455 : i32 to index
      %get3A_456 = tpu.vector_load %arg5[%get3A] {strides = array<i32>} : memref<3584xi32, #tpu.memory_space<vmem>>, vector<16xi32>,
      %mul3A_457 = arith.constant 16 : i32
      %mul3A_458 = arith.muli %scan3A_450, %mul3A_457 : i32
      %add3A_459 = vector.broadcast %mul3A_458 : i32 to vector<16xi32>
      %add3A_460 = arith.addi %add3A_459, %iota3A : vector<16xi32>
      %gather3A = tpu.vector_load_idx %arg6[%add3A_460, %get3A_456] : memref<128x170xf32, #tpu.memory_space<vmem>>[vector<16xi32>, vector<16xi32>], vector<16xf32>,
      %sub3A = arith.constant 1.000000e+00 : f32
      %sub3A_461 = vector.broadcast %sub3A : f32 to vector<16xf32>
      %sub3A_462 = arith.subf %sub3A_461, %gather3A : vector<16xf32>
      %mul3A_463 = arith.mulf %sub3A_462, %sub3A_462 : vector<16xf32>
      %add3A_464 = arith.addf %scan3A_451, %mul3A_463 : vector<16xf32>
      scf.yield %add3A_464 : vector<16xf32>
    }
    %scan3A_150 = arith.constant 8 : i32
    %dma_wait3A_151 = arith.constant 0 : i32
    %dma_wait3A_152 = tpu.memref_slice %arg2[%add3A_140, %dma_wait3A_151] : memref<262144x170xf32, #tpu.memory_space<hbm>> -> memref<128x170xf32, #tpu.memory_space<hbm>>
    %dma_wait3A_153 = arith.constant 0 : i32
    %dma_wait3A_154 = tpu.memref_slice %arg2[%add3A_140, %dma_wait3A_153] : memref<262144x170xf32, #tpu.memory_space<hbm>> -> memref<128x170xf32, #tpu.memory_space<hbm>>
    tpu.wait_dma2 semaphore(%arg10 : memref<!tpu.dma_semaphore, #tpu.memory_space<semaphore_mem>>) src(%dma_wait3A_154 : memref<128x170xf32, #tpu.memory_space<hbm>>) dst(%arg7 : memref<128x170xf32, #tpu.memory_space<vmem>>)
    %add3A_155 = arith.constant 1280 : i32
    %add3A_156 = arith.addi %mul3A_2, %add3A_155 : i32
    %dma_start3A_157 = arith.constant 0 : i32
    %dma_start3A_158 = tpu.memref_slice %arg2[%add3A_156, %dma_start3A_157] : memref<262144x170xf32, #tpu.memory_space<hbm>> -> memref<128x170xf32, #tpu.memory_space<hbm>>
    %dma_start3A_159 = arith.constant 0 : i32
    %dma_start3A_160 = tpu.memref_slice %arg2[%add3A_156, %dma_start3A_159] : memref<262144x170xf32, #tpu.memory_space<hbm>> -> memref<128x170xf32, #tpu.memory_space<hbm>>
    tpu.enqueue_dma source(%dma_start3A_160 : memref<128x170xf32, #tpu.memory_space<hbm>>) target(%arg6 : memref<128x170xf32, #tpu.memory_space<vmem>>) target_semaphore(%arg9 : memref<!tpu.dma_semaphore, #tpu.memory_space<semaphore_mem>>)
    %scan3A_161 = arith.constant 0 : i32
    %scan3A_162 = arith.constant 8 : i32
    %scan3A_163 = arith.addi %scan3A_161, %scan3A_162 : i32
    %scan3A_164 = arith.constant 1 : i32
    %scan3A_165 = scf.for %scan3A_450 = %scan3A_161 to %scan3A_163 step %scan3A_164 iter_args(%scan3A_451 = %scan3A_149) -> (vector<16xf32>)  : i32 {
      %mul3A_452 = arith.constant 16 : i32
      %mul3A_453 = arith.muli %scan3A_450, %mul3A_452 : i32
      %add3A_454 = arith.constant 1152 : i32
      %add3A_455 = arith.addi %add3A_454, %mul3A_453 : i32
      %get3A = arith.index_cast %add3A_455 : i32 to index
      %get3A_456 = tpu.vector_load %arg5[%get3A] {strides = array<i32>} : memref<3584xi32, #tpu.memory_space<vmem>>, vector<16xi32>,
      %mul3A_457 = arith.constant 16 : i32
      %mul3A_458 = arith.muli %scan3A_450, %mul3A_457 : i32
      %add3A_459 = vector.broadcast %mul3A_458 : i32 to vector<16xi32>
      %add3A_460 = arith.addi %add3A_459, %iota3A : vector<16xi32>
      %gather3A = tpu.vector_load_idx %arg7[%add3A_460, %get3A_456] : memref<128x170xf32, #tpu.memory_space<vmem>>[vector<16xi32>, vector<16xi32>], vector<16xf32>,
      %sub3A = arith.constant 1.000000e+00 : f32
      %sub3A_461 = vector.broadcast %sub3A : f32 to vector<16xf32>
      %sub3A_462 = arith.subf %sub3A_461, %gather3A : vector<16xf32>
      %mul3A_463 = arith.mulf %sub3A_462, %sub3A_462 : vector<16xf32>
      %add3A_464 = arith.addf %scan3A_451, %mul3A_463 : vector<16xf32>
      scf.yield %add3A_464 : vector<16xf32>
    }
    %scan3A_166 = arith.constant 8 : i32
    %dma_wait3A_167 = arith.constant 0 : i32
    %dma_wait3A_168 = tpu.memref_slice %arg2[%add3A_156, %dma_wait3A_167] : memref<262144x170xf32, #tpu.memory_space<hbm>> -> memref<128x170xf32, #tpu.memory_space<hbm>>
    %dma_wait3A_169 = arith.constant 0 : i32
    %dma_wait3A_170 = tpu.memref_slice %arg2[%add3A_156, %dma_wait3A_169] : memref<262144x170xf32, #tpu.memory_space<hbm>> -> memref<128x170xf32, #tpu.memory_space<hbm>>
    tpu.wait_dma2 semaphore(%arg9 : memref<!tpu.dma_semaphore, #tpu.memory_space<semaphore_mem>>) src(%dma_wait3A_170 : memref<128x170xf32, #tpu.memory_space<hbm>>) dst(%arg6 : memref<128x170xf32, #tpu.memory_space<vmem>>)
    %add3A_171 = arith.constant 1408 : i32
    %add3A_172 = arith.addi %mul3A_2, %add3A_171 : i32
    %dma_start3A_173 = arith.constant 0 : i32
    %dma_start3A_174 = tpu.memref_slice %arg2[%add3A_172, %dma_start3A_173] : memref<262144x170xf32, #tpu.memory_space<hbm>> -> memref<128x170xf32, #tpu.memory_space<hbm>>
    %dma_start3A_175 = arith.constant 0 : i32
    %dma_start3A_176 = tpu.memref_slice %arg2[%add3A_172, %dma_start3A_175] : memref<262144x170xf32, #tpu.memory_space<hbm>> -> memref<128x170xf32, #tpu.memory_space<hbm>>
    tpu.enqueue_dma source(%dma_start3A_176 : memref<128x170xf32, #tpu.memory_space<hbm>>) target(%arg7 : memref<128x170xf32, #tpu.memory_space<vmem>>) target_semaphore(%arg10 : memref<!tpu.dma_semaphore, #tpu.memory_space<semaphore_mem>>)
    %scan3A_177 = arith.constant 0 : i32
    %scan3A_178 = arith.constant 8 : i32
    %scan3A_179 = arith.addi %scan3A_177, %scan3A_178 : i32
    %scan3A_180 = arith.constant 1 : i32
    %scan3A_181 = scf.for %scan3A_450 = %scan3A_177 to %scan3A_179 step %scan3A_180 iter_args(%scan3A_451 = %scan3A_165) -> (vector<16xf32>)  : i32 {
      %mul3A_452 = arith.constant 16 : i32
      %mul3A_453 = arith.muli %scan3A_450, %mul3A_452 : i32
      %add3A_454 = arith.constant 1280 : i32
      %add3A_455 = arith.addi %add3A_454, %mul3A_453 : i32
      %get3A = arith.index_cast %add3A_455 : i32 to index
      %get3A_456 = tpu.vector_load %arg5[%get3A] {strides = array<i32>} : memref<3584xi32, #tpu.memory_space<vmem>>, vector<16xi32>,
      %mul3A_457 = arith.constant 16 : i32
      %mul3A_458 = arith.muli %scan3A_450, %mul3A_457 : i32
      %add3A_459 = vector.broadcast %mul3A_458 : i32 to vector<16xi32>
      %add3A_460 = arith.addi %add3A_459, %iota3A : vector<16xi32>
      %gather3A = tpu.vector_load_idx %arg6[%add3A_460, %get3A_456] : memref<128x170xf32, #tpu.memory_space<vmem>>[vector<16xi32>, vector<16xi32>], vector<16xf32>,
      %sub3A = arith.constant 1.000000e+00 : f32
      %sub3A_461 = vector.broadcast %sub3A : f32 to vector<16xf32>
      %sub3A_462 = arith.subf %sub3A_461, %gather3A : vector<16xf32>
      %mul3A_463 = arith.mulf %sub3A_462, %sub3A_462 : vector<16xf32>
      %add3A_464 = arith.addf %scan3A_451, %mul3A_463 : vector<16xf32>
      scf.yield %add3A_464 : vector<16xf32>
    }
    %scan3A_182 = arith.constant 8 : i32
    %dma_wait3A_183 = arith.constant 0 : i32
    %dma_wait3A_184 = tpu.memref_slice %arg2[%add3A_172, %dma_wait3A_183] : memref<262144x170xf32, #tpu.memory_space<hbm>> -> memref<128x170xf32, #tpu.memory_space<hbm>>
    %dma_wait3A_185 = arith.constant 0 : i32
    %dma_wait3A_186 = tpu.memref_slice %arg2[%add3A_172, %dma_wait3A_185] : memref<262144x170xf32, #tpu.memory_space<hbm>> -> memref<128x170xf32, #tpu.memory_space<hbm>>
    tpu.wait_dma2 semaphore(%arg10 : memref<!tpu.dma_semaphore, #tpu.memory_space<semaphore_mem>>) src(%dma_wait3A_186 : memref<128x170xf32, #tpu.memory_space<hbm>>) dst(%arg7 : memref<128x170xf32, #tpu.memory_space<vmem>>)
    %add3A_187 = arith.constant 1536 : i32
    %add3A_188 = arith.addi %mul3A_2, %add3A_187 : i32
    %dma_start3A_189 = arith.constant 0 : i32
    %dma_start3A_190 = tpu.memref_slice %arg2[%add3A_188, %dma_start3A_189] : memref<262144x170xf32, #tpu.memory_space<hbm>> -> memref<128x170xf32, #tpu.memory_space<hbm>>
    %dma_start3A_191 = arith.constant 0 : i32
    %dma_start3A_192 = tpu.memref_slice %arg2[%add3A_188, %dma_start3A_191] : memref<262144x170xf32, #tpu.memory_space<hbm>> -> memref<128x170xf32, #tpu.memory_space<hbm>>
    tpu.enqueue_dma source(%dma_start3A_192 : memref<128x170xf32, #tpu.memory_space<hbm>>) target(%arg6 : memref<128x170xf32, #tpu.memory_space<vmem>>) target_semaphore(%arg9 : memref<!tpu.dma_semaphore, #tpu.memory_space<semaphore_mem>>)
    %scan3A_193 = arith.constant 0 : i32
    %scan3A_194 = arith.constant 8 : i32
    %scan3A_195 = arith.addi %scan3A_193, %scan3A_194 : i32
    %scan3A_196 = arith.constant 1 : i32
    %scan3A_197 = scf.for %scan3A_450 = %scan3A_193 to %scan3A_195 step %scan3A_196 iter_args(%scan3A_451 = %scan3A_181) -> (vector<16xf32>)  : i32 {
      %mul3A_452 = arith.constant 16 : i32
      %mul3A_453 = arith.muli %scan3A_450, %mul3A_452 : i32
      %add3A_454 = arith.constant 1408 : i32
      %add3A_455 = arith.addi %add3A_454, %mul3A_453 : i32
      %get3A = arith.index_cast %add3A_455 : i32 to index
      %get3A_456 = tpu.vector_load %arg5[%get3A] {strides = array<i32>} : memref<3584xi32, #tpu.memory_space<vmem>>, vector<16xi32>,
      %mul3A_457 = arith.constant 16 : i32
      %mul3A_458 = arith.muli %scan3A_450, %mul3A_457 : i32
      %add3A_459 = vector.broadcast %mul3A_458 : i32 to vector<16xi32>
      %add3A_460 = arith.addi %add3A_459, %iota3A : vector<16xi32>
      %gather3A = tpu.vector_load_idx %arg7[%add3A_460, %get3A_456] : memref<128x170xf32, #tpu.memory_space<vmem>>[vector<16xi32>, vector<16xi32>], vector<16xf32>,
      %sub3A = arith.constant 1.000000e+00 : f32
      %sub3A_461 = vector.broadcast %sub3A : f32 to vector<16xf32>
      %sub3A_462 = arith.subf %sub3A_461, %gather3A : vector<16xf32>
      %mul3A_463 = arith.mulf %sub3A_462, %sub3A_462 : vector<16xf32>
      %add3A_464 = arith.addf %scan3A_451, %mul3A_463 : vector<16xf32>
      scf.yield %add3A_464 : vector<16xf32>
    }
    %scan3A_198 = arith.constant 8 : i32
    %dma_wait3A_199 = arith.constant 0 : i32
    %dma_wait3A_200 = tpu.memref_slice %arg2[%add3A_188, %dma_wait3A_199] : memref<262144x170xf32, #tpu.memory_space<hbm>> -> memref<128x170xf32, #tpu.memory_space<hbm>>
    %dma_wait3A_201 = arith.constant 0 : i32
    %dma_wait3A_202 = tpu.memref_slice %arg2[%add3A_188, %dma_wait3A_201] : memref<262144x170xf32, #tpu.memory_space<hbm>> -> memref<128x170xf32, #tpu.memory_space<hbm>>
    tpu.wait_dma2 semaphore(%arg9 : memref<!tpu.dma_semaphore, #tpu.memory_space<semaphore_mem>>) src(%dma_wait3A_202 : memref<128x170xf32, #tpu.memory_space<hbm>>) dst(%arg6 : memref<128x170xf32, #tpu.memory_space<vmem>>)
    %add3A_203 = arith.constant 1664 : i32
    %add3A_204 = arith.addi %mul3A_2, %add3A_203 : i32
    %dma_start3A_205 = arith.constant 0 : i32
    %dma_start3A_206 = tpu.memref_slice %arg2[%add3A_204, %dma_start3A_205] : memref<262144x170xf32, #tpu.memory_space<hbm>> -> memref<128x170xf32, #tpu.memory_space<hbm>>
    %dma_start3A_207 = arith.constant 0 : i32
    %dma_start3A_208 = tpu.memref_slice %arg2[%add3A_204, %dma_start3A_207] : memref<262144x170xf32, #tpu.memory_space<hbm>> -> memref<128x170xf32, #tpu.memory_space<hbm>>
    tpu.enqueue_dma source(%dma_start3A_208 : memref<128x170xf32, #tpu.memory_space<hbm>>) target(%arg7 : memref<128x170xf32, #tpu.memory_space<vmem>>) target_semaphore(%arg10 : memref<!tpu.dma_semaphore, #tpu.memory_space<semaphore_mem>>)
    %scan3A_209 = arith.constant 0 : i32
    %scan3A_210 = arith.constant 8 : i32
    %scan3A_211 = arith.addi %scan3A_209, %scan3A_210 : i32
    %scan3A_212 = arith.constant 1 : i32
    %scan3A_213 = scf.for %scan3A_450 = %scan3A_209 to %scan3A_211 step %scan3A_212 iter_args(%scan3A_451 = %scan3A_197) -> (vector<16xf32>)  : i32 {
      %mul3A_452 = arith.constant 16 : i32
      %mul3A_453 = arith.muli %scan3A_450, %mul3A_452 : i32
      %add3A_454 = arith.constant 1536 : i32
      %add3A_455 = arith.addi %add3A_454, %mul3A_453 : i32
      %get3A = arith.index_cast %add3A_455 : i32 to index
      %get3A_456 = tpu.vector_load %arg5[%get3A] {strides = array<i32>} : memref<3584xi32, #tpu.memory_space<vmem>>, vector<16xi32>,
      %mul3A_457 = arith.constant 16 : i32
      %mul3A_458 = arith.muli %scan3A_450, %mul3A_457 : i32
      %add3A_459 = vector.broadcast %mul3A_458 : i32 to vector<16xi32>
      %add3A_460 = arith.addi %add3A_459, %iota3A : vector<16xi32>
      %gather3A = tpu.vector_load_idx %arg6[%add3A_460, %get3A_456] : memref<128x170xf32, #tpu.memory_space<vmem>>[vector<16xi32>, vector<16xi32>], vector<16xf32>,
      %sub3A = arith.constant 1.000000e+00 : f32
      %sub3A_461 = vector.broadcast %sub3A : f32 to vector<16xf32>
      %sub3A_462 = arith.subf %sub3A_461, %gather3A : vector<16xf32>
      %mul3A_463 = arith.mulf %sub3A_462, %sub3A_462 : vector<16xf32>
      %add3A_464 = arith.addf %scan3A_451, %mul3A_463 : vector<16xf32>
      scf.yield %add3A_464 : vector<16xf32>
    }
    %scan3A_214 = arith.constant 8 : i32
    %dma_wait3A_215 = arith.constant 0 : i32
    %dma_wait3A_216 = tpu.memref_slice %arg2[%add3A_204, %dma_wait3A_215] : memref<262144x170xf32, #tpu.memory_space<hbm>> -> memref<128x170xf32, #tpu.memory_space<hbm>>
    %dma_wait3A_217 = arith.constant 0 : i32
    %dma_wait3A_218 = tpu.memref_slice %arg2[%add3A_204, %dma_wait3A_217] : memref<262144x170xf32, #tpu.memory_space<hbm>> -> memref<128x170xf32, #tpu.memory_space<hbm>>
    tpu.wait_dma2 semaphore(%arg10 : memref<!tpu.dma_semaphore, #tpu.memory_space<semaphore_mem>>) src(%dma_wait3A_218 : memref<128x170xf32, #tpu.memory_space<hbm>>) dst(%arg7 : memref<128x170xf32, #tpu.memory_space<vmem>>)
    %add3A_219 = arith.constant 1792 : i32
    %add3A_220 = arith.addi %mul3A_2, %add3A_219 : i32
    %dma_start3A_221 = arith.constant 0 : i32
    %dma_start3A_222 = tpu.memref_slice %arg2[%add3A_220, %dma_start3A_221] : memref<262144x170xf32, #tpu.memory_space<hbm>> -> memref<128x170xf32, #tpu.memory_space<hbm>>
    %dma_start3A_223 = arith.constant 0 : i32
    %dma_start3A_224 = tpu.memref_slice %arg2[%add3A_220, %dma_start3A_223] : memref<262144x170xf32, #tpu.memory_space<hbm>> -> memref<128x170xf32, #tpu.memory_space<hbm>>
    tpu.enqueue_dma source(%dma_start3A_224 : memref<128x170xf32, #tpu.memory_space<hbm>>) target(%arg6 : memref<128x170xf32, #tpu.memory_space<vmem>>) target_semaphore(%arg9 : memref<!tpu.dma_semaphore, #tpu.memory_space<semaphore_mem>>)
    %scan3A_225 = arith.constant 0 : i32
    %scan3A_226 = arith.constant 8 : i32
    %scan3A_227 = arith.addi %scan3A_225, %scan3A_226 : i32
    %scan3A_228 = arith.constant 1 : i32
    %scan3A_229 = scf.for %scan3A_450 = %scan3A_225 to %scan3A_227 step %scan3A_228 iter_args(%scan3A_451 = %scan3A_213) -> (vector<16xf32>)  : i32 {
      %mul3A_452 = arith.constant 16 : i32
      %mul3A_453 = arith.muli %scan3A_450, %mul3A_452 : i32
      %add3A_454 = arith.constant 1664 : i32
      %add3A_455 = arith.addi %add3A_454, %mul3A_453 : i32
      %get3A = arith.index_cast %add3A_455 : i32 to index
      %get3A_456 = tpu.vector_load %arg5[%get3A] {strides = array<i32>} : memref<3584xi32, #tpu.memory_space<vmem>>, vector<16xi32>,
      %mul3A_457 = arith.constant 16 : i32
      %mul3A_458 = arith.muli %scan3A_450, %mul3A_457 : i32
      %add3A_459 = vector.broadcast %mul3A_458 : i32 to vector<16xi32>
      %add3A_460 = arith.addi %add3A_459, %iota3A : vector<16xi32>
      %gather3A = tpu.vector_load_idx %arg7[%add3A_460, %get3A_456] : memref<128x170xf32, #tpu.memory_space<vmem>>[vector<16xi32>, vector<16xi32>], vector<16xf32>,
      %sub3A = arith.constant 1.000000e+00 : f32
      %sub3A_461 = vector.broadcast %sub3A : f32 to vector<16xf32>
      %sub3A_462 = arith.subf %sub3A_461, %gather3A : vector<16xf32>
      %mul3A_463 = arith.mulf %sub3A_462, %sub3A_462 : vector<16xf32>
      %add3A_464 = arith.addf %scan3A_451, %mul3A_463 : vector<16xf32>
      scf.yield %add3A_464 : vector<16xf32>
    }
    %scan3A_230 = arith.constant 8 : i32
    %dma_wait3A_231 = arith.constant 0 : i32
    %dma_wait3A_232 = tpu.memref_slice %arg2[%add3A_220, %dma_wait3A_231] : memref<262144x170xf32, #tpu.memory_space<hbm>> -> memref<128x170xf32, #tpu.memory_space<hbm>>
    %dma_wait3A_233 = arith.constant 0 : i32
    %dma_wait3A_234 = tpu.memref_slice %arg2[%add3A_220, %dma_wait3A_233] : memref<262144x170xf32, #tpu.memory_space<hbm>> -> memref<128x170xf32, #tpu.memory_space<hbm>>
    tpu.wait_dma2 semaphore(%arg9 : memref<!tpu.dma_semaphore, #tpu.memory_space<semaphore_mem>>) src(%dma_wait3A_234 : memref<128x170xf32, #tpu.memory_space<hbm>>) dst(%arg6 : memref<128x170xf32, #tpu.memory_space<vmem>>)
    %add3A_235 = arith.constant 1920 : i32
    %add3A_236 = arith.addi %mul3A_2, %add3A_235 : i32
    %dma_start3A_237 = arith.constant 0 : i32
    %dma_start3A_238 = tpu.memref_slice %arg2[%add3A_236, %dma_start3A_237] : memref<262144x170xf32, #tpu.memory_space<hbm>> -> memref<128x170xf32, #tpu.memory_space<hbm>>
    %dma_start3A_239 = arith.constant 0 : i32
    %dma_start3A_240 = tpu.memref_slice %arg2[%add3A_236, %dma_start3A_239] : memref<262144x170xf32, #tpu.memory_space<hbm>> -> memref<128x170xf32, #tpu.memory_space<hbm>>
    tpu.enqueue_dma source(%dma_start3A_240 : memref<128x170xf32, #tpu.memory_space<hbm>>) target(%arg7 : memref<128x170xf32, #tpu.memory_space<vmem>>) target_semaphore(%arg10 : memref<!tpu.dma_semaphore, #tpu.memory_space<semaphore_mem>>)
    %scan3A_241 = arith.constant 0 : i32
    %scan3A_242 = arith.constant 8 : i32
    %scan3A_243 = arith.addi %scan3A_241, %scan3A_242 : i32
    %scan3A_244 = arith.constant 1 : i32
    %scan3A_245 = scf.for %scan3A_450 = %scan3A_241 to %scan3A_243 step %scan3A_244 iter_args(%scan3A_451 = %scan3A_229) -> (vector<16xf32>)  : i32 {
      %mul3A_452 = arith.constant 16 : i32
      %mul3A_453 = arith.muli %scan3A_450, %mul3A_452 : i32
      %add3A_454 = arith.constant 1792 : i32
      %add3A_455 = arith.addi %add3A_454, %mul3A_453 : i32
      %get3A = arith.index_cast %add3A_455 : i32 to index
      %get3A_456 = tpu.vector_load %arg5[%get3A] {strides = array<i32>} : memref<3584xi32, #tpu.memory_space<vmem>>, vector<16xi32>,
      %mul3A_457 = arith.constant 16 : i32
      %mul3A_458 = arith.muli %scan3A_450, %mul3A_457 : i32
      %add3A_459 = vector.broadcast %mul3A_458 : i32 to vector<16xi32>
      %add3A_460 = arith.addi %add3A_459, %iota3A : vector<16xi32>
      %gather3A = tpu.vector_load_idx %arg6[%add3A_460, %get3A_456] : memref<128x170xf32, #tpu.memory_space<vmem>>[vector<16xi32>, vector<16xi32>], vector<16xf32>,
      %sub3A = arith.constant 1.000000e+00 : f32
      %sub3A_461 = vector.broadcast %sub3A : f32 to vector<16xf32>
      %sub3A_462 = arith.subf %sub3A_461, %gather3A : vector<16xf32>
      %mul3A_463 = arith.mulf %sub3A_462, %sub3A_462 : vector<16xf32>
      %add3A_464 = arith.addf %scan3A_451, %mul3A_463 : vector<16xf32>
      scf.yield %add3A_464 : vector<16xf32>
    }
    %scan3A_246 = arith.constant 8 : i32
    %dma_wait3A_247 = arith.constant 0 : i32
    %dma_wait3A_248 = tpu.memref_slice %arg2[%add3A_236, %dma_wait3A_247] : memref<262144x170xf32, #tpu.memory_space<hbm>> -> memref<128x170xf32, #tpu.memory_space<hbm>>
    %dma_wait3A_249 = arith.constant 0 : i32
    %dma_wait3A_250 = tpu.memref_slice %arg2[%add3A_236, %dma_wait3A_249] : memref<262144x170xf32, #tpu.memory_space<hbm>> -> memref<128x170xf32, #tpu.memory_space<hbm>>
    tpu.wait_dma2 semaphore(%arg10 : memref<!tpu.dma_semaphore, #tpu.memory_space<semaphore_mem>>) src(%dma_wait3A_250 : memref<128x170xf32, #tpu.memory_space<hbm>>) dst(%arg7 : memref<128x170xf32, #tpu.memory_space<vmem>>)
    %add3A_251 = arith.constant 2048 : i32
    %add3A_252 = arith.addi %mul3A_2, %add3A_251 : i32
    %dma_start3A_253 = arith.constant 0 : i32
    %dma_start3A_254 = tpu.memref_slice %arg2[%add3A_252, %dma_start3A_253] : memref<262144x170xf32, #tpu.memory_space<hbm>> -> memref<128x170xf32, #tpu.memory_space<hbm>>
    %dma_start3A_255 = arith.constant 0 : i32
    %dma_start3A_256 = tpu.memref_slice %arg2[%add3A_252, %dma_start3A_255] : memref<262144x170xf32, #tpu.memory_space<hbm>> -> memref<128x170xf32, #tpu.memory_space<hbm>>
    tpu.enqueue_dma source(%dma_start3A_256 : memref<128x170xf32, #tpu.memory_space<hbm>>) target(%arg6 : memref<128x170xf32, #tpu.memory_space<vmem>>) target_semaphore(%arg9 : memref<!tpu.dma_semaphore, #tpu.memory_space<semaphore_mem>>)
    %scan3A_257 = arith.constant 0 : i32
    %scan3A_258 = arith.constant 8 : i32
    %scan3A_259 = arith.addi %scan3A_257, %scan3A_258 : i32
    %scan3A_260 = arith.constant 1 : i32
    %scan3A_261 = scf.for %scan3A_450 = %scan3A_257 to %scan3A_259 step %scan3A_260 iter_args(%scan3A_451 = %scan3A_245) -> (vector<16xf32>)  : i32 {
      %mul3A_452 = arith.constant 16 : i32
      %mul3A_453 = arith.muli %scan3A_450, %mul3A_452 : i32
      %add3A_454 = arith.constant 1920 : i32
      %add3A_455 = arith.addi %add3A_454, %mul3A_453 : i32
      %get3A = arith.index_cast %add3A_455 : i32 to index
      %get3A_456 = tpu.vector_load %arg5[%get3A] {strides = array<i32>} : memref<3584xi32, #tpu.memory_space<vmem>>, vector<16xi32>,
      %mul3A_457 = arith.constant 16 : i32
      %mul3A_458 = arith.muli %scan3A_450, %mul3A_457 : i32
      %add3A_459 = vector.broadcast %mul3A_458 : i32 to vector<16xi32>
      %add3A_460 = arith.addi %add3A_459, %iota3A : vector<16xi32>
      %gather3A = tpu.vector_load_idx %arg7[%add3A_460, %get3A_456] : memref<128x170xf32, #tpu.memory_space<vmem>>[vector<16xi32>, vector<16xi32>], vector<16xf32>,
      %sub3A = arith.constant 1.000000e+00 : f32
      %sub3A_461 = vector.broadcast %sub3A : f32 to vector<16xf32>
      %sub3A_462 = arith.subf %sub3A_461, %gather3A : vector<16xf32>
      %mul3A_463 = arith.mulf %sub3A_462, %sub3A_462 : vector<16xf32>
      %add3A_464 = arith.addf %scan3A_451, %mul3A_463 : vector<16xf32>
      scf.yield %add3A_464 : vector<16xf32>
    }
    %scan3A_262 = arith.constant 8 : i32
    %dma_wait3A_263 = arith.constant 0 : i32
    %dma_wait3A_264 = tpu.memref_slice %arg2[%add3A_252, %dma_wait3A_263] : memref<262144x170xf32, #tpu.memory_space<hbm>> -> memref<128x170xf32, #tpu.memory_space<hbm>>
    %dma_wait3A_265 = arith.constant 0 : i32
    %dma_wait3A_266 = tpu.memref_slice %arg2[%add3A_252, %dma_wait3A_265] : memref<262144x170xf32, #tpu.memory_space<hbm>> -> memref<128x170xf32, #tpu.memory_space<hbm>>
    tpu.wait_dma2 semaphore(%arg9 : memref<!tpu.dma_semaphore, #tpu.memory_space<semaphore_mem>>) src(%dma_wait3A_266 : memref<128x170xf32, #tpu.memory_space<hbm>>) dst(%arg6 : memref<128x170xf32, #tpu.memory_space<vmem>>)
    %add3A_267 = arith.constant 2176 : i32
    %add3A_268 = arith.addi %mul3A_2, %add3A_267 : i32
    %dma_start3A_269 = arith.constant 0 : i32
    %dma_start3A_270 = tpu.memref_slice %arg2[%add3A_268, %dma_start3A_269] : memref<262144x170xf32, #tpu.memory_space<hbm>> -> memref<128x170xf32, #tpu.memory_space<hbm>>
    %dma_start3A_271 = arith.constant 0 : i32
    %dma_start3A_272 = tpu.memref_slice %arg2[%add3A_268, %dma_start3A_271] : memref<262144x170xf32, #tpu.memory_space<hbm>> -> memref<128x170xf32, #tpu.memory_space<hbm>>
    tpu.enqueue_dma source(%dma_start3A_272 : memref<128x170xf32, #tpu.memory_space<hbm>>) target(%arg7 : memref<128x170xf32, #tpu.memory_space<vmem>>) target_semaphore(%arg10 : memref<!tpu.dma_semaphore, #tpu.memory_space<semaphore_mem>>)
    %scan3A_273 = arith.constant 0 : i32
    %scan3A_274 = arith.constant 8 : i32
    %scan3A_275 = arith.addi %scan3A_273, %scan3A_274 : i32
    %scan3A_276 = arith.constant 1 : i32
    %scan3A_277 = scf.for %scan3A_450 = %scan3A_273 to %scan3A_275 step %scan3A_276 iter_args(%scan3A_451 = %scan3A_261) -> (vector<16xf32>)  : i32 {
      %mul3A_452 = arith.constant 16 : i32
      %mul3A_453 = arith.muli %scan3A_450, %mul3A_452 : i32
      %add3A_454 = arith.constant 2048 : i32
      %add3A_455 = arith.addi %add3A_454, %mul3A_453 : i32
      %get3A = arith.index_cast %add3A_455 : i32 to index
      %get3A_456 = tpu.vector_load %arg5[%get3A] {strides = array<i32>} : memref<3584xi32, #tpu.memory_space<vmem>>, vector<16xi32>,
      %mul3A_457 = arith.constant 16 : i32
      %mul3A_458 = arith.muli %scan3A_450, %mul3A_457 : i32
      %add3A_459 = vector.broadcast %mul3A_458 : i32 to vector<16xi32>
      %add3A_460 = arith.addi %add3A_459, %iota3A : vector<16xi32>
      %gather3A = tpu.vector_load_idx %arg6[%add3A_460, %get3A_456] : memref<128x170xf32, #tpu.memory_space<vmem>>[vector<16xi32>, vector<16xi32>], vector<16xf32>,
      %sub3A = arith.constant 1.000000e+00 : f32
      %sub3A_461 = vector.broadcast %sub3A : f32 to vector<16xf32>
      %sub3A_462 = arith.subf %sub3A_461, %gather3A : vector<16xf32>
      %mul3A_463 = arith.mulf %sub3A_462, %sub3A_462 : vector<16xf32>
      %add3A_464 = arith.addf %scan3A_451, %mul3A_463 : vector<16xf32>
      scf.yield %add3A_464 : vector<16xf32>
    }
    %scan3A_278 = arith.constant 8 : i32
    %dma_wait3A_279 = arith.constant 0 : i32
    %dma_wait3A_280 = tpu.memref_slice %arg2[%add3A_268, %dma_wait3A_279] : memref<262144x170xf32, #tpu.memory_space<hbm>> -> memref<128x170xf32, #tpu.memory_space<hbm>>
    %dma_wait3A_281 = arith.constant 0 : i32
    %dma_wait3A_282 = tpu.memref_slice %arg2[%add3A_268, %dma_wait3A_281] : memref<262144x170xf32, #tpu.memory_space<hbm>> -> memref<128x170xf32, #tpu.memory_space<hbm>>
    tpu.wait_dma2 semaphore(%arg10 : memref<!tpu.dma_semaphore, #tpu.memory_space<semaphore_mem>>) src(%dma_wait3A_282 : memref<128x170xf32, #tpu.memory_space<hbm>>) dst(%arg7 : memref<128x170xf32, #tpu.memory_space<vmem>>)
    %add3A_283 = arith.constant 2304 : i32
    %add3A_284 = arith.addi %mul3A_2, %add3A_283 : i32
    %dma_start3A_285 = arith.constant 0 : i32
    %dma_start3A_286 = tpu.memref_slice %arg2[%add3A_284, %dma_start3A_285] : memref<262144x170xf32, #tpu.memory_space<hbm>> -> memref<128x170xf32, #tpu.memory_space<hbm>>
    %dma_start3A_287 = arith.constant 0 : i32
    %dma_start3A_288 = tpu.memref_slice %arg2[%add3A_284, %dma_start3A_287] : memref<262144x170xf32, #tpu.memory_space<hbm>> -> memref<128x170xf32, #tpu.memory_space<hbm>>
    tpu.enqueue_dma source(%dma_start3A_288 : memref<128x170xf32, #tpu.memory_space<hbm>>) target(%arg6 : memref<128x170xf32, #tpu.memory_space<vmem>>) target_semaphore(%arg9 : memref<!tpu.dma_semaphore, #tpu.memory_space<semaphore_mem>>)
    %scan3A_289 = arith.constant 0 : i32
    %scan3A_290 = arith.constant 8 : i32
    %scan3A_291 = arith.addi %scan3A_289, %scan3A_290 : i32
    %scan3A_292 = arith.constant 1 : i32
    %scan3A_293 = scf.for %scan3A_450 = %scan3A_289 to %scan3A_291 step %scan3A_292 iter_args(%scan3A_451 = %scan3A_277) -> (vector<16xf32>)  : i32 {
      %mul3A_452 = arith.constant 16 : i32
      %mul3A_453 = arith.muli %scan3A_450, %mul3A_452 : i32
      %add3A_454 = arith.constant 2176 : i32
      %add3A_455 = arith.addi %add3A_454, %mul3A_453 : i32
      %get3A = arith.index_cast %add3A_455 : i32 to index
      %get3A_456 = tpu.vector_load %arg5[%get3A] {strides = array<i32>} : memref<3584xi32, #tpu.memory_space<vmem>>, vector<16xi32>,
      %mul3A_457 = arith.constant 16 : i32
      %mul3A_458 = arith.muli %scan3A_450, %mul3A_457 : i32
      %add3A_459 = vector.broadcast %mul3A_458 : i32 to vector<16xi32>
      %add3A_460 = arith.addi %add3A_459, %iota3A : vector<16xi32>
      %gather3A = tpu.vector_load_idx %arg7[%add3A_460, %get3A_456] : memref<128x170xf32, #tpu.memory_space<vmem>>[vector<16xi32>, vector<16xi32>], vector<16xf32>,
      %sub3A = arith.constant 1.000000e+00 : f32
      %sub3A_461 = vector.broadcast %sub3A : f32 to vector<16xf32>
      %sub3A_462 = arith.subf %sub3A_461, %gather3A : vector<16xf32>
      %mul3A_463 = arith.mulf %sub3A_462, %sub3A_462 : vector<16xf32>
      %add3A_464 = arith.addf %scan3A_451, %mul3A_463 : vector<16xf32>
      scf.yield %add3A_464 : vector<16xf32>
    }
    %scan3A_294 = arith.constant 8 : i32
    %dma_wait3A_295 = arith.constant 0 : i32
    %dma_wait3A_296 = tpu.memref_slice %arg2[%add3A_284, %dma_wait3A_295] : memref<262144x170xf32, #tpu.memory_space<hbm>> -> memref<128x170xf32, #tpu.memory_space<hbm>>
    %dma_wait3A_297 = arith.constant 0 : i32
    %dma_wait3A_298 = tpu.memref_slice %arg2[%add3A_284, %dma_wait3A_297] : memref<262144x170xf32, #tpu.memory_space<hbm>> -> memref<128x170xf32, #tpu.memory_space<hbm>>
    tpu.wait_dma2 semaphore(%arg9 : memref<!tpu.dma_semaphore, #tpu.memory_space<semaphore_mem>>) src(%dma_wait3A_298 : memref<128x170xf32, #tpu.memory_space<hbm>>) dst(%arg6 : memref<128x170xf32, #tpu.memory_space<vmem>>)
    %add3A_299 = arith.constant 2432 : i32
    %add3A_300 = arith.addi %mul3A_2, %add3A_299 : i32
    %dma_start3A_301 = arith.constant 0 : i32
    %dma_start3A_302 = tpu.memref_slice %arg2[%add3A_300, %dma_start3A_301] : memref<262144x170xf32, #tpu.memory_space<hbm>> -> memref<128x170xf32, #tpu.memory_space<hbm>>
    %dma_start3A_303 = arith.constant 0 : i32
    %dma_start3A_304 = tpu.memref_slice %arg2[%add3A_300, %dma_start3A_303] : memref<262144x170xf32, #tpu.memory_space<hbm>> -> memref<128x170xf32, #tpu.memory_space<hbm>>
    tpu.enqueue_dma source(%dma_start3A_304 : memref<128x170xf32, #tpu.memory_space<hbm>>) target(%arg7 : memref<128x170xf32, #tpu.memory_space<vmem>>) target_semaphore(%arg10 : memref<!tpu.dma_semaphore, #tpu.memory_space<semaphore_mem>>)
    %scan3A_305 = arith.constant 0 : i32
    %scan3A_306 = arith.constant 8 : i32
    %scan3A_307 = arith.addi %scan3A_305, %scan3A_306 : i32
    %scan3A_308 = arith.constant 1 : i32
    %scan3A_309 = scf.for %scan3A_450 = %scan3A_305 to %scan3A_307 step %scan3A_308 iter_args(%scan3A_451 = %scan3A_293) -> (vector<16xf32>)  : i32 {
      %mul3A_452 = arith.constant 16 : i32
      %mul3A_453 = arith.muli %scan3A_450, %mul3A_452 : i32
      %add3A_454 = arith.constant 2304 : i32
      %add3A_455 = arith.addi %add3A_454, %mul3A_453 : i32
      %get3A = arith.index_cast %add3A_455 : i32 to index
      %get3A_456 = tpu.vector_load %arg5[%get3A] {strides = array<i32>} : memref<3584xi32, #tpu.memory_space<vmem>>, vector<16xi32>,
      %mul3A_457 = arith.constant 16 : i32
      %mul3A_458 = arith.muli %scan3A_450, %mul3A_457 : i32
      %add3A_459 = vector.broadcast %mul3A_458 : i32 to vector<16xi32>
      %add3A_460 = arith.addi %add3A_459, %iota3A : vector<16xi32>
      %gather3A = tpu.vector_load_idx %arg6[%add3A_460, %get3A_456] : memref<128x170xf32, #tpu.memory_space<vmem>>[vector<16xi32>, vector<16xi32>], vector<16xf32>,
      %sub3A = arith.constant 1.000000e+00 : f32
      %sub3A_461 = vector.broadcast %sub3A : f32 to vector<16xf32>
      %sub3A_462 = arith.subf %sub3A_461, %gather3A : vector<16xf32>
      %mul3A_463 = arith.mulf %sub3A_462, %sub3A_462 : vector<16xf32>
      %add3A_464 = arith.addf %scan3A_451, %mul3A_463 : vector<16xf32>
      scf.yield %add3A_464 : vector<16xf32>
    }
    %scan3A_310 = arith.constant 8 : i32
    %dma_wait3A_311 = arith.constant 0 : i32
    %dma_wait3A_312 = tpu.memref_slice %arg2[%add3A_300, %dma_wait3A_311] : memref<262144x170xf32, #tpu.memory_space<hbm>> -> memref<128x170xf32, #tpu.memory_space<hbm>>
    %dma_wait3A_313 = arith.constant 0 : i32
    %dma_wait3A_314 = tpu.memref_slice %arg2[%add3A_300, %dma_wait3A_313] : memref<262144x170xf32, #tpu.memory_space<hbm>> -> memref<128x170xf32, #tpu.memory_space<hbm>>
    tpu.wait_dma2 semaphore(%arg10 : memref<!tpu.dma_semaphore, #tpu.memory_space<semaphore_mem>>) src(%dma_wait3A_314 : memref<128x170xf32, #tpu.memory_space<hbm>>) dst(%arg7 : memref<128x170xf32, #tpu.memory_space<vmem>>)
    %add3A_315 = arith.constant 2560 : i32
    %add3A_316 = arith.addi %mul3A_2, %add3A_315 : i32
    %dma_start3A_317 = arith.constant 0 : i32
    %dma_start3A_318 = tpu.memref_slice %arg2[%add3A_316, %dma_start3A_317] : memref<262144x170xf32, #tpu.memory_space<hbm>> -> memref<128x170xf32, #tpu.memory_space<hbm>>
    %dma_start3A_319 = arith.constant 0 : i32
    %dma_start3A_320 = tpu.memref_slice %arg2[%add3A_316, %dma_start3A_319] : memref<262144x170xf32, #tpu.memory_space<hbm>> -> memref<128x170xf32, #tpu.memory_space<hbm>>
    tpu.enqueue_dma source(%dma_start3A_320 : memref<128x170xf32, #tpu.memory_space<hbm>>) target(%arg6 : memref<128x170xf32, #tpu.memory_space<vmem>>) target_semaphore(%arg9 : memref<!tpu.dma_semaphore, #tpu.memory_space<semaphore_mem>>)
    %scan3A_321 = arith.constant 0 : i32
    %scan3A_322 = arith.constant 8 : i32
    %scan3A_323 = arith.addi %scan3A_321, %scan3A_322 : i32
    %scan3A_324 = arith.constant 1 : i32
    %scan3A_325 = scf.for %scan3A_450 = %scan3A_321 to %scan3A_323 step %scan3A_324 iter_args(%scan3A_451 = %scan3A_309) -> (vector<16xf32>)  : i32 {
      %mul3A_452 = arith.constant 16 : i32
      %mul3A_453 = arith.muli %scan3A_450, %mul3A_452 : i32
      %add3A_454 = arith.constant 2432 : i32
      %add3A_455 = arith.addi %add3A_454, %mul3A_453 : i32
      %get3A = arith.index_cast %add3A_455 : i32 to index
      %get3A_456 = tpu.vector_load %arg5[%get3A] {strides = array<i32>} : memref<3584xi32, #tpu.memory_space<vmem>>, vector<16xi32>,
      %mul3A_457 = arith.constant 16 : i32
      %mul3A_458 = arith.muli %scan3A_450, %mul3A_457 : i32
      %add3A_459 = vector.broadcast %mul3A_458 : i32 to vector<16xi32>
      %add3A_460 = arith.addi %add3A_459, %iota3A : vector<16xi32>
      %gather3A = tpu.vector_load_idx %arg7[%add3A_460, %get3A_456] : memref<128x170xf32, #tpu.memory_space<vmem>>[vector<16xi32>, vector<16xi32>], vector<16xf32>,
      %sub3A = arith.constant 1.000000e+00 : f32
      %sub3A_461 = vector.broadcast %sub3A : f32 to vector<16xf32>
      %sub3A_462 = arith.subf %sub3A_461, %gather3A : vector<16xf32>
      %mul3A_463 = arith.mulf %sub3A_462, %sub3A_462 : vector<16xf32>
      %add3A_464 = arith.addf %scan3A_451, %mul3A_463 : vector<16xf32>
      scf.yield %add3A_464 : vector<16xf32>
    }
    %scan3A_326 = arith.constant 8 : i32
    %dma_wait3A_327 = arith.constant 0 : i32
    %dma_wait3A_328 = tpu.memref_slice %arg2[%add3A_316, %dma_wait3A_327] : memref<262144x170xf32, #tpu.memory_space<hbm>> -> memref<128x170xf32, #tpu.memory_space<hbm>>
    %dma_wait3A_329 = arith.constant 0 : i32
    %dma_wait3A_330 = tpu.memref_slice %arg2[%add3A_316, %dma_wait3A_329] : memref<262144x170xf32, #tpu.memory_space<hbm>> -> memref<128x170xf32, #tpu.memory_space<hbm>>
    tpu.wait_dma2 semaphore(%arg9 : memref<!tpu.dma_semaphore, #tpu.memory_space<semaphore_mem>>) src(%dma_wait3A_330 : memref<128x170xf32, #tpu.memory_space<hbm>>) dst(%arg6 : memref<128x170xf32, #tpu.memory_space<vmem>>)
    %add3A_331 = arith.constant 2688 : i32
    %add3A_332 = arith.addi %mul3A_2, %add3A_331 : i32
    %dma_start3A_333 = arith.constant 0 : i32
    %dma_start3A_334 = tpu.memref_slice %arg2[%add3A_332, %dma_start3A_333] : memref<262144x170xf32, #tpu.memory_space<hbm>> -> memref<128x170xf32, #tpu.memory_space<hbm>>
    %dma_start3A_335 = arith.constant 0 : i32
    %dma_start3A_336 = tpu.memref_slice %arg2[%add3A_332, %dma_start3A_335] : memref<262144x170xf32, #tpu.memory_space<hbm>> -> memref<128x170xf32, #tpu.memory_space<hbm>>
    tpu.enqueue_dma source(%dma_start3A_336 : memref<128x170xf32, #tpu.memory_space<hbm>>) target(%arg7 : memref<128x170xf32, #tpu.memory_space<vmem>>) target_semaphore(%arg10 : memref<!tpu.dma_semaphore, #tpu.memory_space<semaphore_mem>>)
    %scan3A_337 = arith.constant 0 : i32
    %scan3A_338 = arith.constant 8 : i32
    %scan3A_339 = arith.addi %scan3A_337, %scan3A_338 : i32
    %scan3A_340 = arith.constant 1 : i32
    %scan3A_341 = scf.for %scan3A_450 = %scan3A_337 to %scan3A_339 step %scan3A_340 iter_args(%scan3A_451 = %scan3A_325) -> (vector<16xf32>)  : i32 {
      %mul3A_452 = arith.constant 16 : i32
      %mul3A_453 = arith.muli %scan3A_450, %mul3A_452 : i32
      %add3A_454 = arith.constant 2560 : i32
      %add3A_455 = arith.addi %add3A_454, %mul3A_453 : i32
      %get3A = arith.index_cast %add3A_455 : i32 to index
      %get3A_456 = tpu.vector_load %arg5[%get3A] {strides = array<i32>} : memref<3584xi32, #tpu.memory_space<vmem>>, vector<16xi32>,
      %mul3A_457 = arith.constant 16 : i32
      %mul3A_458 = arith.muli %scan3A_450, %mul3A_457 : i32
      %add3A_459 = vector.broadcast %mul3A_458 : i32 to vector<16xi32>
      %add3A_460 = arith.addi %add3A_459, %iota3A : vector<16xi32>
      %gather3A = tpu.vector_load_idx %arg6[%add3A_460, %get3A_456] : memref<128x170xf32, #tpu.memory_space<vmem>>[vector<16xi32>, vector<16xi32>], vector<16xf32>,
      %sub3A = arith.constant 1.000000e+00 : f32
      %sub3A_461 = vector.broadcast %sub3A : f32 to vector<16xf32>
      %sub3A_462 = arith.subf %sub3A_461, %gather3A : vector<16xf32>
      %mul3A_463 = arith.mulf %sub3A_462, %sub3A_462 : vector<16xf32>
      %add3A_464 = arith.addf %scan3A_451, %mul3A_463 : vector<16xf32>
      scf.yield %add3A_464 : vector<16xf32>
    }
    %scan3A_342 = arith.constant 8 : i32
    %dma_wait3A_343 = arith.constant 0 : i32
    %dma_wait3A_344 = tpu.memref_slice %arg2[%add3A_332, %dma_wait3A_343] : memref<262144x170xf32, #tpu.memory_space<hbm>> -> memref<128x170xf32, #tpu.memory_space<hbm>>
    %dma_wait3A_345 = arith.constant 0 : i32
    %dma_wait3A_346 = tpu.memref_slice %arg2[%add3A_332, %dma_wait3A_345] : memref<262144x170xf32, #tpu.memory_space<hbm>> -> memref<128x170xf32, #tpu.memory_space<hbm>>
    tpu.wait_dma2 semaphore(%arg10 : memref<!tpu.dma_semaphore, #tpu.memory_space<semaphore_mem>>) src(%dma_wait3A_346 : memref<128x170xf32, #tpu.memory_space<hbm>>) dst(%arg7 : memref<128x170xf32, #tpu.memory_space<vmem>>)
    %add3A_347 = arith.constant 2816 : i32
    %add3A_348 = arith.addi %mul3A_2, %add3A_347 : i32
    %dma_start3A_349 = arith.constant 0 : i32
    %dma_start3A_350 = tpu.memref_slice %arg2[%add3A_348, %dma_start3A_349] : memref<262144x170xf32, #tpu.memory_space<hbm>> -> memref<128x170xf32, #tpu.memory_space<hbm>>
    %dma_start3A_351 = arith.constant 0 : i32
    %dma_start3A_352 = tpu.memref_slice %arg2[%add3A_348, %dma_start3A_351] : memref<262144x170xf32, #tpu.memory_space<hbm>> -> memref<128x170xf32, #tpu.memory_space<hbm>>
    tpu.enqueue_dma source(%dma_start3A_352 : memref<128x170xf32, #tpu.memory_space<hbm>>) target(%arg6 : memref<128x170xf32, #tpu.memory_space<vmem>>) target_semaphore(%arg9 : memref<!tpu.dma_semaphore, #tpu.memory_space<semaphore_mem>>)
    %scan3A_353 = arith.constant 0 : i32
    %scan3A_354 = arith.constant 8 : i32
    %scan3A_355 = arith.addi %scan3A_353, %scan3A_354 : i32
    %scan3A_356 = arith.constant 1 : i32
    %scan3A_357 = scf.for %scan3A_450 = %scan3A_353 to %scan3A_355 step %scan3A_356 iter_args(%scan3A_451 = %scan3A_341) -> (vector<16xf32>)  : i32 {
      %mul3A_452 = arith.constant 16 : i32
      %mul3A_453 = arith.muli %scan3A_450, %mul3A_452 : i32
      %add3A_454 = arith.constant 2688 : i32
      %add3A_455 = arith.addi %add3A_454, %mul3A_453 : i32
      %get3A = arith.index_cast %add3A_455 : i32 to index
      %get3A_456 = tpu.vector_load %arg5[%get3A] {strides = array<i32>} : memref<3584xi32, #tpu.memory_space<vmem>>, vector<16xi32>,
      %mul3A_457 = arith.constant 16 : i32
      %mul3A_458 = arith.muli %scan3A_450, %mul3A_457 : i32
      %add3A_459 = vector.broadcast %mul3A_458 : i32 to vector<16xi32>
      %add3A_460 = arith.addi %add3A_459, %iota3A : vector<16xi32>
      %gather3A = tpu.vector_load_idx %arg7[%add3A_460, %get3A_456] : memref<128x170xf32, #tpu.memory_space<vmem>>[vector<16xi32>, vector<16xi32>], vector<16xf32>,
      %sub3A = arith.constant 1.000000e+00 : f32
      %sub3A_461 = vector.broadcast %sub3A : f32 to vector<16xf32>
      %sub3A_462 = arith.subf %sub3A_461, %gather3A : vector<16xf32>
      %mul3A_463 = arith.mulf %sub3A_462, %sub3A_462 : vector<16xf32>
      %add3A_464 = arith.addf %scan3A_451, %mul3A_463 : vector<16xf32>
      scf.yield %add3A_464 : vector<16xf32>
    }
    %scan3A_358 = arith.constant 8 : i32
    %dma_wait3A_359 = arith.constant 0 : i32
    %dma_wait3A_360 = tpu.memref_slice %arg2[%add3A_348, %dma_wait3A_359] : memref<262144x170xf32, #tpu.memory_space<hbm>> -> memref<128x170xf32, #tpu.memory_space<hbm>>
    %dma_wait3A_361 = arith.constant 0 : i32
    %dma_wait3A_362 = tpu.memref_slice %arg2[%add3A_348, %dma_wait3A_361] : memref<262144x170xf32, #tpu.memory_space<hbm>> -> memref<128x170xf32, #tpu.memory_space<hbm>>
    tpu.wait_dma2 semaphore(%arg9 : memref<!tpu.dma_semaphore, #tpu.memory_space<semaphore_mem>>) src(%dma_wait3A_362 : memref<128x170xf32, #tpu.memory_space<hbm>>) dst(%arg6 : memref<128x170xf32, #tpu.memory_space<vmem>>)
    %add3A_363 = arith.constant 2944 : i32
    %add3A_364 = arith.addi %mul3A_2, %add3A_363 : i32
    %dma_start3A_365 = arith.constant 0 : i32
    %dma_start3A_366 = tpu.memref_slice %arg2[%add3A_364, %dma_start3A_365] : memref<262144x170xf32, #tpu.memory_space<hbm>> -> memref<128x170xf32, #tpu.memory_space<hbm>>
    %dma_start3A_367 = arith.constant 0 : i32
    %dma_start3A_368 = tpu.memref_slice %arg2[%add3A_364, %dma_start3A_367] : memref<262144x170xf32, #tpu.memory_space<hbm>> -> memref<128x170xf32, #tpu.memory_space<hbm>>
    tpu.enqueue_dma source(%dma_start3A_368 : memref<128x170xf32, #tpu.memory_space<hbm>>) target(%arg7 : memref<128x170xf32, #tpu.memory_space<vmem>>) target_semaphore(%arg10 : memref<!tpu.dma_semaphore, #tpu.memory_space<semaphore_mem>>)
    %scan3A_369 = arith.constant 0 : i32
    %scan3A_370 = arith.constant 8 : i32
    %scan3A_371 = arith.addi %scan3A_369, %scan3A_370 : i32
    %scan3A_372 = arith.constant 1 : i32
    %scan3A_373 = scf.for %scan3A_450 = %scan3A_369 to %scan3A_371 step %scan3A_372 iter_args(%scan3A_451 = %scan3A_357) -> (vector<16xf32>)  : i32 {
      %mul3A_452 = arith.constant 16 : i32
      %mul3A_453 = arith.muli %scan3A_450, %mul3A_452 : i32
      %add3A_454 = arith.constant 2816 : i32
      %add3A_455 = arith.addi %add3A_454, %mul3A_453 : i32
      %get3A = arith.index_cast %add3A_455 : i32 to index
      %get3A_456 = tpu.vector_load %arg5[%get3A] {strides = array<i32>} : memref<3584xi32, #tpu.memory_space<vmem>>, vector<16xi32>,
      %mul3A_457 = arith.constant 16 : i32
      %mul3A_458 = arith.muli %scan3A_450, %mul3A_457 : i32
      %add3A_459 = vector.broadcast %mul3A_458 : i32 to vector<16xi32>
      %add3A_460 = arith.addi %add3A_459, %iota3A : vector<16xi32>
      %gather3A = tpu.vector_load_idx %arg6[%add3A_460, %get3A_456] : memref<128x170xf32, #tpu.memory_space<vmem>>[vector<16xi32>, vector<16xi32>], vector<16xf32>,
      %sub3A = arith.constant 1.000000e+00 : f32
      %sub3A_461 = vector.broadcast %sub3A : f32 to vector<16xf32>
      %sub3A_462 = arith.subf %sub3A_461, %gather3A : vector<16xf32>
      %mul3A_463 = arith.mulf %sub3A_462, %sub3A_462 : vector<16xf32>
      %add3A_464 = arith.addf %scan3A_451, %mul3A_463 : vector<16xf32>
      scf.yield %add3A_464 : vector<16xf32>
    }
    %scan3A_374 = arith.constant 8 : i32
    %dma_wait3A_375 = arith.constant 0 : i32
    %dma_wait3A_376 = tpu.memref_slice %arg2[%add3A_364, %dma_wait3A_375] : memref<262144x170xf32, #tpu.memory_space<hbm>> -> memref<128x170xf32, #tpu.memory_space<hbm>>
    %dma_wait3A_377 = arith.constant 0 : i32
    %dma_wait3A_378 = tpu.memref_slice %arg2[%add3A_364, %dma_wait3A_377] : memref<262144x170xf32, #tpu.memory_space<hbm>> -> memref<128x170xf32, #tpu.memory_space<hbm>>
    tpu.wait_dma2 semaphore(%arg10 : memref<!tpu.dma_semaphore, #tpu.memory_space<semaphore_mem>>) src(%dma_wait3A_378 : memref<128x170xf32, #tpu.memory_space<hbm>>) dst(%arg7 : memref<128x170xf32, #tpu.memory_space<vmem>>)
    %add3A_379 = arith.constant 3072 : i32
    %add3A_380 = arith.addi %mul3A_2, %add3A_379 : i32
    %dma_start3A_381 = arith.constant 0 : i32
    %dma_start3A_382 = tpu.memref_slice %arg2[%add3A_380, %dma_start3A_381] : memref<262144x170xf32, #tpu.memory_space<hbm>> -> memref<128x170xf32, #tpu.memory_space<hbm>>
    %dma_start3A_383 = arith.constant 0 : i32
    %dma_start3A_384 = tpu.memref_slice %arg2[%add3A_380, %dma_start3A_383] : memref<262144x170xf32, #tpu.memory_space<hbm>> -> memref<128x170xf32, #tpu.memory_space<hbm>>
    tpu.enqueue_dma source(%dma_start3A_384 : memref<128x170xf32, #tpu.memory_space<hbm>>) target(%arg6 : memref<128x170xf32, #tpu.memory_space<vmem>>) target_semaphore(%arg9 : memref<!tpu.dma_semaphore, #tpu.memory_space<semaphore_mem>>)
    %scan3A_385 = arith.constant 0 : i32
    %scan3A_386 = arith.constant 8 : i32
    %scan3A_387 = arith.addi %scan3A_385, %scan3A_386 : i32
    %scan3A_388 = arith.constant 1 : i32
    %scan3A_389 = scf.for %scan3A_450 = %scan3A_385 to %scan3A_387 step %scan3A_388 iter_args(%scan3A_451 = %scan3A_373) -> (vector<16xf32>)  : i32 {
      %mul3A_452 = arith.constant 16 : i32
      %mul3A_453 = arith.muli %scan3A_450, %mul3A_452 : i32
      %add3A_454 = arith.constant 2944 : i32
      %add3A_455 = arith.addi %add3A_454, %mul3A_453 : i32
      %get3A = arith.index_cast %add3A_455 : i32 to index
      %get3A_456 = tpu.vector_load %arg5[%get3A] {strides = array<i32>} : memref<3584xi32, #tpu.memory_space<vmem>>, vector<16xi32>,
      %mul3A_457 = arith.constant 16 : i32
      %mul3A_458 = arith.muli %scan3A_450, %mul3A_457 : i32
      %add3A_459 = vector.broadcast %mul3A_458 : i32 to vector<16xi32>
      %add3A_460 = arith.addi %add3A_459, %iota3A : vector<16xi32>
      %gather3A = tpu.vector_load_idx %arg7[%add3A_460, %get3A_456] : memref<128x170xf32, #tpu.memory_space<vmem>>[vector<16xi32>, vector<16xi32>], vector<16xf32>,
      %sub3A = arith.constant 1.000000e+00 : f32
      %sub3A_461 = vector.broadcast %sub3A : f32 to vector<16xf32>
      %sub3A_462 = arith.subf %sub3A_461, %gather3A : vector<16xf32>
      %mul3A_463 = arith.mulf %sub3A_462, %sub3A_462 : vector<16xf32>
      %add3A_464 = arith.addf %scan3A_451, %mul3A_463 : vector<16xf32>
      scf.yield %add3A_464 : vector<16xf32>
    }
    %scan3A_390 = arith.constant 8 : i32
    %dma_wait3A_391 = arith.constant 0 : i32
    %dma_wait3A_392 = tpu.memref_slice %arg2[%add3A_380, %dma_wait3A_391] : memref<262144x170xf32, #tpu.memory_space<hbm>> -> memref<128x170xf32, #tpu.memory_space<hbm>>
    %dma_wait3A_393 = arith.constant 0 : i32
    %dma_wait3A_394 = tpu.memref_slice %arg2[%add3A_380, %dma_wait3A_393] : memref<262144x170xf32, #tpu.memory_space<hbm>> -> memref<128x170xf32, #tpu.memory_space<hbm>>
    tpu.wait_dma2 semaphore(%arg9 : memref<!tpu.dma_semaphore, #tpu.memory_space<semaphore_mem>>) src(%dma_wait3A_394 : memref<128x170xf32, #tpu.memory_space<hbm>>) dst(%arg6 : memref<128x170xf32, #tpu.memory_space<vmem>>)
    %add3A_395 = arith.constant 3200 : i32
    %add3A_396 = arith.addi %mul3A_2, %add3A_395 : i32
    %dma_start3A_397 = arith.constant 0 : i32
    %dma_start3A_398 = tpu.memref_slice %arg2[%add3A_396, %dma_start3A_397] : memref<262144x170xf32, #tpu.memory_space<hbm>> -> memref<128x170xf32, #tpu.memory_space<hbm>>
    %dma_start3A_399 = arith.constant 0 : i32
    %dma_start3A_400 = tpu.memref_slice %arg2[%add3A_396, %dma_start3A_399] : memref<262144x170xf32, #tpu.memory_space<hbm>> -> memref<128x170xf32, #tpu.memory_space<hbm>>
    tpu.enqueue_dma source(%dma_start3A_400 : memref<128x170xf32, #tpu.memory_space<hbm>>) target(%arg7 : memref<128x170xf32, #tpu.memory_space<vmem>>) target_semaphore(%arg10 : memref<!tpu.dma_semaphore, #tpu.memory_space<semaphore_mem>>)
    %scan3A_401 = arith.constant 0 : i32
    %scan3A_402 = arith.constant 8 : i32
    %scan3A_403 = arith.addi %scan3A_401, %scan3A_402 : i32
    %scan3A_404 = arith.constant 1 : i32
    %scan3A_405 = scf.for %scan3A_450 = %scan3A_401 to %scan3A_403 step %scan3A_404 iter_args(%scan3A_451 = %scan3A_389) -> (vector<16xf32>)  : i32 {
      %mul3A_452 = arith.constant 16 : i32
      %mul3A_453 = arith.muli %scan3A_450, %mul3A_452 : i32
      %add3A_454 = arith.constant 3072 : i32
      %add3A_455 = arith.addi %add3A_454, %mul3A_453 : i32
      %get3A = arith.index_cast %add3A_455 : i32 to index
      %get3A_456 = tpu.vector_load %arg5[%get3A] {strides = array<i32>} : memref<3584xi32, #tpu.memory_space<vmem>>, vector<16xi32>,
      %mul3A_457 = arith.constant 16 : i32
      %mul3A_458 = arith.muli %scan3A_450, %mul3A_457 : i32
      %add3A_459 = vector.broadcast %mul3A_458 : i32 to vector<16xi32>
      %add3A_460 = arith.addi %add3A_459, %iota3A : vector<16xi32>
      %gather3A = tpu.vector_load_idx %arg6[%add3A_460, %get3A_456] : memref<128x170xf32, #tpu.memory_space<vmem>>[vector<16xi32>, vector<16xi32>], vector<16xf32>,
      %sub3A = arith.constant 1.000000e+00 : f32
      %sub3A_461 = vector.broadcast %sub3A : f32 to vector<16xf32>
      %sub3A_462 = arith.subf %sub3A_461, %gather3A : vector<16xf32>
      %mul3A_463 = arith.mulf %sub3A_462, %sub3A_462 : vector<16xf32>
      %add3A_464 = arith.addf %scan3A_451, %mul3A_463 : vector<16xf32>
      scf.yield %add3A_464 : vector<16xf32>
    }
    %scan3A_406 = arith.constant 8 : i32
    %dma_wait3A_407 = arith.constant 0 : i32
    %dma_wait3A_408 = tpu.memref_slice %arg2[%add3A_396, %dma_wait3A_407] : memref<262144x170xf32, #tpu.memory_space<hbm>> -> memref<128x170xf32, #tpu.memory_space<hbm>>
    %dma_wait3A_409 = arith.constant 0 : i32
    %dma_wait3A_410 = tpu.memref_slice %arg2[%add3A_396, %dma_wait3A_409] : memref<262144x170xf32, #tpu.memory_space<hbm>> -> memref<128x170xf32, #tpu.memory_space<hbm>>
    tpu.wait_dma2 semaphore(%arg10 : memref<!tpu.dma_semaphore, #tpu.memory_space<semaphore_mem>>) src(%dma_wait3A_410 : memref<128x170xf32, #tpu.memory_space<hbm>>) dst(%arg7 : memref<128x170xf32, #tpu.memory_space<vmem>>)
    %add3A_411 = arith.constant 3328 : i32
    %add3A_412 = arith.addi %mul3A_2, %add3A_411 : i32
    %dma_start3A_413 = arith.constant 0 : i32
    %dma_start3A_414 = tpu.memref_slice %arg2[%add3A_412, %dma_start3A_413] : memref<262144x170xf32, #tpu.memory_space<hbm>> -> memref<128x170xf32, #tpu.memory_space<hbm>>
    %dma_start3A_415 = arith.constant 0 : i32
    %dma_start3A_416 = tpu.memref_slice %arg2[%add3A_412, %dma_start3A_415] : memref<262144x170xf32, #tpu.memory_space<hbm>> -> memref<128x170xf32, #tpu.memory_space<hbm>>
    tpu.enqueue_dma source(%dma_start3A_416 : memref<128x170xf32, #tpu.memory_space<hbm>>) target(%arg6 : memref<128x170xf32, #tpu.memory_space<vmem>>) target_semaphore(%arg9 : memref<!tpu.dma_semaphore, #tpu.memory_space<semaphore_mem>>)
    %scan3A_417 = arith.constant 0 : i32
    %scan3A_418 = arith.constant 8 : i32
    %scan3A_419 = arith.addi %scan3A_417, %scan3A_418 : i32
    %scan3A_420 = arith.constant 1 : i32
    %scan3A_421 = scf.for %scan3A_450 = %scan3A_417 to %scan3A_419 step %scan3A_420 iter_args(%scan3A_451 = %scan3A_405) -> (vector<16xf32>)  : i32 {
      %mul3A_452 = arith.constant 16 : i32
      %mul3A_453 = arith.muli %scan3A_450, %mul3A_452 : i32
      %add3A_454 = arith.constant 3200 : i32
      %add3A_455 = arith.addi %add3A_454, %mul3A_453 : i32
      %get3A = arith.index_cast %add3A_455 : i32 to index
      %get3A_456 = tpu.vector_load %arg5[%get3A] {strides = array<i32>} : memref<3584xi32, #tpu.memory_space<vmem>>, vector<16xi32>,
      %mul3A_457 = arith.constant 16 : i32
      %mul3A_458 = arith.muli %scan3A_450, %mul3A_457 : i32
      %add3A_459 = vector.broadcast %mul3A_458 : i32 to vector<16xi32>
      %add3A_460 = arith.addi %add3A_459, %iota3A : vector<16xi32>
      %gather3A = tpu.vector_load_idx %arg7[%add3A_460, %get3A_456] : memref<128x170xf32, #tpu.memory_space<vmem>>[vector<16xi32>, vector<16xi32>], vector<16xf32>,
      %sub3A = arith.constant 1.000000e+00 : f32
      %sub3A_461 = vector.broadcast %sub3A : f32 to vector<16xf32>
      %sub3A_462 = arith.subf %sub3A_461, %gather3A : vector<16xf32>
      %mul3A_463 = arith.mulf %sub3A_462, %sub3A_462 : vector<16xf32>
      %add3A_464 = arith.addf %scan3A_451, %mul3A_463 : vector<16xf32>
      scf.yield %add3A_464 : vector<16xf32>
    }
    %scan3A_422 = arith.constant 8 : i32
    %dma_wait3A_423 = arith.constant 0 : i32
    %dma_wait3A_424 = tpu.memref_slice %arg2[%add3A_412, %dma_wait3A_423] : memref<262144x170xf32, #tpu.memory_space<hbm>> -> memref<128x170xf32, #tpu.memory_space<hbm>>
    %dma_wait3A_425 = arith.constant 0 : i32
    %dma_wait3A_426 = tpu.memref_slice %arg2[%add3A_412, %dma_wait3A_425] : memref<262144x170xf32, #tpu.memory_space<hbm>> -> memref<128x170xf32, #tpu.memory_space<hbm>>
    tpu.wait_dma2 semaphore(%arg9 : memref<!tpu.dma_semaphore, #tpu.memory_space<semaphore_mem>>) src(%dma_wait3A_426 : memref<128x170xf32, #tpu.memory_space<hbm>>) dst(%arg6 : memref<128x170xf32, #tpu.memory_space<vmem>>)
    %add3A_427 = arith.constant 3456 : i32
    %add3A_428 = arith.addi %mul3A_2, %add3A_427 : i32
    %dma_start3A_429 = arith.constant 0 : i32
    %dma_start3A_430 = tpu.memref_slice %arg2[%add3A_428, %dma_start3A_429] : memref<262144x170xf32, #tpu.memory_space<hbm>> -> memref<128x170xf32, #tpu.memory_space<hbm>>
    %dma_start3A_431 = arith.constant 0 : i32
    %dma_start3A_432 = tpu.memref_slice %arg2[%add3A_428, %dma_start3A_431] : memref<262144x170xf32, #tpu.memory_space<hbm>> -> memref<128x170xf32, #tpu.memory_space<hbm>>
    tpu.enqueue_dma source(%dma_start3A_432 : memref<128x170xf32, #tpu.memory_space<hbm>>) target(%arg7 : memref<128x170xf32, #tpu.memory_space<vmem>>) target_semaphore(%arg10 : memref<!tpu.dma_semaphore, #tpu.memory_space<semaphore_mem>>)
    %scan3A_433 = arith.constant 0 : i32
    %scan3A_434 = arith.constant 8 : i32
    %scan3A_435 = arith.addi %scan3A_433, %scan3A_434 : i32
    %scan3A_436 = arith.constant 1 : i32
    %scan3A_437 = scf.for %scan3A_450 = %scan3A_433 to %scan3A_435 step %scan3A_436 iter_args(%scan3A_451 = %scan3A_421) -> (vector<16xf32>)  : i32 {
      %mul3A_452 = arith.constant 16 : i32
      %mul3A_453 = arith.muli %scan3A_450, %mul3A_452 : i32
      %add3A_454 = arith.constant 3328 : i32
      %add3A_455 = arith.addi %add3A_454, %mul3A_453 : i32
      %get3A = arith.index_cast %add3A_455 : i32 to index
      %get3A_456 = tpu.vector_load %arg5[%get3A] {strides = array<i32>} : memref<3584xi32, #tpu.memory_space<vmem>>, vector<16xi32>,
      %mul3A_457 = arith.constant 16 : i32
      %mul3A_458 = arith.muli %scan3A_450, %mul3A_457 : i32
      %add3A_459 = vector.broadcast %mul3A_458 : i32 to vector<16xi32>
      %add3A_460 = arith.addi %add3A_459, %iota3A : vector<16xi32>
      %gather3A = tpu.vector_load_idx %arg6[%add3A_460, %get3A_456] : memref<128x170xf32, #tpu.memory_space<vmem>>[vector<16xi32>, vector<16xi32>], vector<16xf32>,
      %sub3A = arith.constant 1.000000e+00 : f32
      %sub3A_461 = vector.broadcast %sub3A : f32 to vector<16xf32>
      %sub3A_462 = arith.subf %sub3A_461, %gather3A : vector<16xf32>
      %mul3A_463 = arith.mulf %sub3A_462, %sub3A_462 : vector<16xf32>
      %add3A_464 = arith.addf %scan3A_451, %mul3A_463 : vector<16xf32>
      scf.yield %add3A_464 : vector<16xf32>
    }
    %scan3A_438 = arith.constant 8 : i32
    %dma_wait3A_439 = arith.constant 0 : i32
    %dma_wait3A_440 = tpu.memref_slice %arg2[%add3A_428, %dma_wait3A_439] : memref<262144x170xf32, #tpu.memory_space<hbm>> -> memref<128x170xf32, #tpu.memory_space<hbm>>
    %dma_wait3A_441 = arith.constant 0 : i32
    %dma_wait3A_442 = tpu.memref_slice %arg2[%add3A_428, %dma_wait3A_441] : memref<262144x170xf32, #tpu.memory_space<hbm>> -> memref<128x170xf32, #tpu.memory_space<hbm>>
    tpu.wait_dma2 semaphore(%arg10 : memref<!tpu.dma_semaphore, #tpu.memory_space<semaphore_mem>>) src(%dma_wait3A_442 : memref<128x170xf32, #tpu.memory_space<hbm>>) dst(%arg7 : memref<128x170xf32, #tpu.memory_space<vmem>>)
    %scan3A_443 = arith.constant 0 : i32
    %scan3A_444 = arith.constant 8 : i32
    %scan3A_445 = arith.addi %scan3A_443, %scan3A_444 : i32
    %scan3A_446 = arith.constant 1 : i32
    %scan3A_447 = scf.for %scan3A_450 = %scan3A_443 to %scan3A_445 step %scan3A_446 iter_args(%scan3A_451 = %scan3A_437) -> (vector<16xf32>)  : i32 {
      %mul3A_452 = arith.constant 16 : i32
      %mul3A_453 = arith.muli %scan3A_450, %mul3A_452 : i32
      %add3A_454 = arith.constant 3456 : i32
      %add3A_455 = arith.addi %add3A_454, %mul3A_453 : i32
      %get3A = arith.index_cast %add3A_455 : i32 to index
      %get3A_456 = tpu.vector_load %arg5[%get3A] {strides = array<i32>} : memref<3584xi32, #tpu.memory_space<vmem>>, vector<16xi32>,
      %mul3A_457 = arith.constant 16 : i32
      %mul3A_458 = arith.muli %scan3A_450, %mul3A_457 : i32
      %add3A_459 = vector.broadcast %mul3A_458 : i32 to vector<16xi32>
      %add3A_460 = arith.addi %add3A_459, %iota3A : vector<16xi32>
      %gather3A = tpu.vector_load_idx %arg7[%add3A_460, %get3A_456] : memref<128x170xf32, #tpu.memory_space<vmem>>[vector<16xi32>, vector<16xi32>], vector<16xf32>,
      %sub3A = arith.constant 1.000000e+00 : f32
      %sub3A_461 = vector.broadcast %sub3A : f32 to vector<16xf32>
      %sub3A_462 = arith.subf %sub3A_461, %gather3A : vector<16xf32>
      %mul3A_463 = arith.mulf %sub3A_462, %sub3A_462 : vector<16xf32>
      %add3A_464 = arith.addf %scan3A_451, %mul3A_463 : vector<16xf32>
      scf.yield %add3A_464 : vector<16xf32>
    }
    %scan3A_448 = arith.constant 8 : i32
    %swap3A = arith.constant 0 : index
    %swap3A_449 = tpu.vector_load %arg8[%swap3A] {strides = array<i32>} : memref<16xf32, #tpu.memory_space<vmem>>, vector<16xf32>,
    tpu.vector_store %arg8[%swap3A], %scan3A_447 {strides = array<i32>} : memref<16xf32, #tpu.memory_space<vmem>>, vector<16xf32>,
    "tpu.region"() ({
      %run_scoped3A = tpu.sem_alloc : memref<!tpu.dma_semaphore, #tpu.memory_space<semaphore_mem>>
      %dma_start3A_450 = arith.constant 0 : i32
      %dma_start3A_451 = tpu.memref_slice %arg4[%add3A, %dma_start3A_450] : memref<32x16xf32, #tpu.memory_space<hbm>> -> memref<1x16xf32, #tpu.memory_space<hbm>>
      %dma_start3A_452 = tpu.memref_squeeze %dma_start3A_451 : memref<1x16xf32, #tpu.memory_space<hbm>> -> memref<16xf32, #tpu.memory_space<hbm>>
      %dma_start3A_453 = arith.constant 0 : i32
      %dma_start3A_454 = tpu.memref_slice %arg4[%add3A, %dma_start3A_453] : memref<32x16xf32, #tpu.memory_space<hbm>> -> memref<1x16xf32, #tpu.memory_space<hbm>>
      %dma_start3A_455 = tpu.memref_squeeze %dma_start3A_454 : memref<1x16xf32, #tpu.memory_space<hbm>> -> memref<16xf32, #tpu.memory_space<hbm>>
      tpu.enqueue_dma source(%arg8 : memref<16xf32, #tpu.memory_space<vmem>>) target(%dma_start3A_455 : memref<16xf32, #tpu.memory_space<hbm>>) target_semaphore(%run_scoped3A : memref<!tpu.dma_semaphore, #tpu.memory_space<semaphore_mem>>)
      %dma_wait3A_456 = arith.constant 0 : i32
      %dma_wait3A_457 = tpu.memref_slice %arg4[%add3A, %dma_wait3A_456] : memref<32x16xf32, #tpu.memory_space<hbm>> -> memref<1x16xf32, #tpu.memory_space<hbm>>
      %dma_wait3A_458 = tpu.memref_squeeze %dma_wait3A_457 : memref<1x16xf32, #tpu.memory_space<hbm>> -> memref<16xf32, #tpu.memory_space<hbm>>
      %dma_wait3A_459 = arith.constant 0 : i32
      %dma_wait3A_460 = tpu.memref_slice %arg4[%add3A, %dma_wait3A_459] : memref<32x16xf32, #tpu.memory_space<hbm>> -> memref<1x16xf32, #tpu.memory_space<hbm>>
      %dma_wait3A_461 = tpu.memref_squeeze %dma_wait3A_460 : memref<1x16xf32, #tpu.memory_space<hbm>> -> memref<16xf32, #tpu.memory_space<hbm>>
      tpu.wait_dma2 semaphore(%run_scoped3A : memref<!tpu.dma_semaphore, #tpu.memory_space<semaphore_mem>>) src(%arg8 : memref<16xf32, #tpu.memory_space<vmem>>) dst(%dma_wait3A_461 : memref<16xf32, #tpu.memory_space<hbm>>)
      tpu.yield
    }) : () -> ()
    return
  }
}

module attributes {stable_mosaic.version = 14 : i64} {
  func.func @_tc_body(%arg0: i32, %arg1: memref<1x4x2048xi32, #tpu.memory_space<vmem>>, %arg2: memref<2048x170xf32, #tpu.memory_space<vmem>>, %arg3: memref<2048x170xf32, #tpu.memory_space<vmem>>, %arg4: memref<2048x170xf32, #tpu.memory_space<vmem>>, %arg5: memref<2048x170xf32, #tpu.memory_space<vmem>>, %arg6: memref<1x1xf32, #tpu.memory_space<smem>>, %arg7: memref<8x170xf32, #tpu.memory_space<vmem>>, %arg8: memref<8x170xf32, #tpu.memory_space<vmem>>) attributes {dimension_semantics = [#tpu.dimension_semantics<arbitrary>], iteration_bounds = array<i64: 18>, scalar_prefetch = 0 : i64, scratch_operands = 2 : i64, tpu.core_type = #tpu.core_type<tc>, window_params = [{transform_indices = @transform_0, window_bounds = array<i64: 1, 4, 2048>}, {transform_indices = @transform_1, window_bounds = array<i64: 2048, 170>}, {transform_indices = @transform_2, window_bounds = array<i64: 2048, 170>}, {transform_indices = @transform_3, window_bounds = array<i64: 2048, 170>}, {transform_indices = @transform_4, window_bounds = array<i64: 2048, 170>}, {transform_indices = @transform_5, window_bounds = array<i64: 1, 1>}]} {
    %eq3A = arith.constant 0 : i32
    %eq3A_0 = arith.cmpi eq, %arg0, %eq3A : i32
    %convert_element_type3A = arith.extui %eq3A_0 : i1 to i32
    %cond3A = arith.constant 0 : i32
    %cond3A_1 = arith.cmpi ne, %convert_element_type3A, %cond3A : i32
    scf.if %cond3A_1 {
      %broadcast_in_dim3A_108 = arith.constant 0.000000e+00 : f32
      %broadcast_in_dim3A_109 = vector.broadcast %broadcast_in_dim3A_108 : f32 to vector<8x170xf32>
      %swap3A_110 = arith.constant 0 : index
      %swap3A_111 = arith.constant 0 : index
      %swap3A_112 = vector.load %arg7[%swap3A_110, %swap3A_111] : memref<8x170xf32, #tpu.memory_space<vmem>>, vector<8x170xf32>
      tpu.vector_store %arg7[%swap3A_110, %swap3A_111], %broadcast_in_dim3A_109 {strides = array<i32>} : memref<8x170xf32, #tpu.memory_space<vmem>>, vector<8x170xf32>,
      %broadcast_in_dim3A_113 = arith.constant 0.000000e+00 : f32
      %broadcast_in_dim3A_114 = vector.broadcast %broadcast_in_dim3A_113 : f32 to vector<8x170xf32>
      %swap3A_115 = arith.constant 0 : index
      %swap3A_116 = arith.constant 0 : index
      %swap3A_117 = vector.load %arg8[%swap3A_115, %swap3A_116] : memref<8x170xf32, #tpu.memory_space<vmem>>, vector<8x170xf32>
      tpu.vector_store %arg8[%swap3A_115, %swap3A_116], %broadcast_in_dim3A_114 {strides = array<i32>} : memref<8x170xf32, #tpu.memory_space<vmem>>, vector<8x170xf32>,
    } else {
    }
    %iota3A = tpu.iota {dimensions = array<i32: 1>} : vector<2048x170xi32>
    %broadcast_in_dim3A = arith.constant 0.000000e+00 : f32
    %broadcast_in_dim3A_2 = vector.broadcast %broadcast_in_dim3A : f32 to vector<8x170xf32>
    %broadcast_in_dim3A_3 = arith.constant 0.000000e+00 : f32
    %broadcast_in_dim3A_4 = vector.broadcast %broadcast_in_dim3A_3 : f32 to vector<8x170xf32>
    %get3A = arith.constant 0 : index
    %get3A_5 = arith.constant 0 : index
    %get3A_6 = vector.load %arg2[%get3A, %get3A_5] : memref<2048x170xf32, #tpu.memory_space<vmem>>, vector<2048x170xf32>
    %get3A_7 = arith.constant 0 : index
    %get3A_8 = arith.constant 0 : index
    %get3A_9 = arith.constant 0 : index
    %get3A_10 = vector.load %arg1[%get3A_7, %get3A_8, %get3A_9] : memref<1x4x2048xi32, #tpu.memory_space<vmem>>, vector<1x1x2048xi32>
    %get3A_11 = vector.shape_cast %get3A_10 : vector<1x1x2048xi32> to vector<2048xi32>
    %broadcast_in_dim3A_12 = vector.shape_cast %get3A_11 : vector<2048xi32> to vector<2048x1xi32>
    %eq3A_13 = vector.broadcast %broadcast_in_dim3A_12 : vector<2048x1xi32> to vector<2048x170xi32>
    %eq3A_14 = arith.cmpi eq, %iota3A, %eq3A_13 : vector<2048x170xi32>
    %jit3A = arith.constant 0.000000e+00 : f32
    %broadcast_in_dim3A_15 = vector.broadcast %jit3A : f32 to vector<2048x170xf32>
    %select_n3A = arith.select %eq3A_14, %get3A_6, %broadcast_in_dim3A_15 : vector<2048x170xi1>, vector<2048x170xf32>
    %reshape3A = vector.shape_cast %select_n3A : vector<2048x170xf32> to vector<256x8x170xf32>
    %reduce_sum3A = arith.constant dense<0.000000e+00> : vector<8x170xf32>
    %reduce_sum3A_16 = vector.multi_reduction <add>, %reshape3A, %reduce_sum3A [0] : vector<256x8x170xf32> to vector<8x170xf32>
    %add3A = arith.addf %broadcast_in_dim3A_2, %reduce_sum3A_16 : vector<8x170xf32>
    %mul3A = arith.mulf %select_n3A, %get3A_6 : vector<2048x170xf32>
    %reshape3A_17 = vector.shape_cast %mul3A : vector<2048x170xf32> to vector<256x8x170xf32>
    %reduce_sum3A_18 = arith.constant dense<0.000000e+00> : vector<8x170xf32>
    %reduce_sum3A_19 = vector.multi_reduction <add>, %reshape3A_17, %reduce_sum3A_18 [0] : vector<256x8x170xf32> to vector<8x170xf32>
    %add3A_20 = arith.addf %broadcast_in_dim3A_4, %reduce_sum3A_19 : vector<8x170xf32>
    %get3A_21 = arith.constant 0 : index
    %get3A_22 = arith.constant 0 : index
    %get3A_23 = vector.load %arg3[%get3A_21, %get3A_22] : memref<2048x170xf32, #tpu.memory_space<vmem>>, vector<2048x170xf32>
    %get3A_24 = arith.constant 0 : index
    %get3A_25 = arith.constant 1 : index
    %get3A_26 = arith.constant 0 : index
    %get3A_27 = vector.load %arg1[%get3A_24, %get3A_25, %get3A_26] : memref<1x4x2048xi32, #tpu.memory_space<vmem>>, vector<1x1x2048xi32>
    %get3A_28 = vector.shape_cast %get3A_27 : vector<1x1x2048xi32> to vector<2048xi32>
    %broadcast_in_dim3A_29 = vector.shape_cast %get3A_28 : vector<2048xi32> to vector<2048x1xi32>
    %eq3A_30 = vector.broadcast %broadcast_in_dim3A_29 : vector<2048x1xi32> to vector<2048x170xi32>
    %eq3A_31 = arith.cmpi eq, %iota3A, %eq3A_30 : vector<2048x170xi32>
    %jit3A_32 = arith.constant 0.000000e+00 : f32
    %broadcast_in_dim3A_33 = vector.broadcast %jit3A_32 : f32 to vector<2048x170xf32>
    %select_n3A_34 = arith.select %eq3A_31, %get3A_23, %broadcast_in_dim3A_33 : vector<2048x170xi1>, vector<2048x170xf32>
    %reshape3A_35 = vector.shape_cast %select_n3A_34 : vector<2048x170xf32> to vector<256x8x170xf32>
    %reduce_sum3A_36 = arith.constant dense<0.000000e+00> : vector<8x170xf32>
    %reduce_sum3A_37 = vector.multi_reduction <add>, %reshape3A_35, %reduce_sum3A_36 [0] : vector<256x8x170xf32> to vector<8x170xf32>
    %add3A_38 = arith.addf %add3A, %reduce_sum3A_37 : vector<8x170xf32>
    %mul3A_39 = arith.mulf %select_n3A_34, %get3A_23 : vector<2048x170xf32>
    %reshape3A_40 = vector.shape_cast %mul3A_39 : vector<2048x170xf32> to vector<256x8x170xf32>
    %reduce_sum3A_41 = arith.constant dense<0.000000e+00> : vector<8x170xf32>
    %reduce_sum3A_42 = vector.multi_reduction <add>, %reshape3A_40, %reduce_sum3A_41 [0] : vector<256x8x170xf32> to vector<8x170xf32>
    %add3A_43 = arith.addf %add3A_20, %reduce_sum3A_42 : vector<8x170xf32>
    %get3A_44 = arith.constant 0 : index
    %get3A_45 = arith.constant 0 : index
    %get3A_46 = vector.load %arg4[%get3A_44, %get3A_45] : memref<2048x170xf32, #tpu.memory_space<vmem>>, vector<2048x170xf32>
    %get3A_47 = arith.constant 0 : index
    %get3A_48 = arith.constant 2 : index
    %get3A_49 = arith.constant 0 : index
    %get3A_50 = vector.load %arg1[%get3A_47, %get3A_48, %get3A_49] : memref<1x4x2048xi32, #tpu.memory_space<vmem>>, vector<1x1x2048xi32>
    %get3A_51 = vector.shape_cast %get3A_50 : vector<1x1x2048xi32> to vector<2048xi32>
    %broadcast_in_dim3A_52 = vector.shape_cast %get3A_51 : vector<2048xi32> to vector<2048x1xi32>
    %eq3A_53 = vector.broadcast %broadcast_in_dim3A_52 : vector<2048x1xi32> to vector<2048x170xi32>
    %eq3A_54 = arith.cmpi eq, %iota3A, %eq3A_53 : vector<2048x170xi32>
    %jit3A_55 = arith.constant 0.000000e+00 : f32
    %broadcast_in_dim3A_56 = vector.broadcast %jit3A_55 : f32 to vector<2048x170xf32>
    %select_n3A_57 = arith.select %eq3A_54, %get3A_46, %broadcast_in_dim3A_56 : vector<2048x170xi1>, vector<2048x170xf32>
    %reshape3A_58 = vector.shape_cast %select_n3A_57 : vector<2048x170xf32> to vector<256x8x170xf32>
    %reduce_sum3A_59 = arith.constant dense<0.000000e+00> : vector<8x170xf32>
    %reduce_sum3A_60 = vector.multi_reduction <add>, %reshape3A_58, %reduce_sum3A_59 [0] : vector<256x8x170xf32> to vector<8x170xf32>
    %add3A_61 = arith.addf %add3A_38, %reduce_sum3A_60 : vector<8x170xf32>
    %mul3A_62 = arith.mulf %select_n3A_57, %get3A_46 : vector<2048x170xf32>
    %reshape3A_63 = vector.shape_cast %mul3A_62 : vector<2048x170xf32> to vector<256x8x170xf32>
    %reduce_sum3A_64 = arith.constant dense<0.000000e+00> : vector<8x170xf32>
    %reduce_sum3A_65 = vector.multi_reduction <add>, %reshape3A_63, %reduce_sum3A_64 [0] : vector<256x8x170xf32> to vector<8x170xf32>
    %add3A_66 = arith.addf %add3A_43, %reduce_sum3A_65 : vector<8x170xf32>
    %get3A_67 = arith.constant 0 : index
    %get3A_68 = arith.constant 0 : index
    %get3A_69 = vector.load %arg5[%get3A_67, %get3A_68] : memref<2048x170xf32, #tpu.memory_space<vmem>>, vector<2048x170xf32>
    %get3A_70 = arith.constant 0 : index
    %get3A_71 = arith.constant 3 : index
    %get3A_72 = arith.constant 0 : index
    %get3A_73 = vector.load %arg1[%get3A_70, %get3A_71, %get3A_72] : memref<1x4x2048xi32, #tpu.memory_space<vmem>>, vector<1x1x2048xi32>
    %get3A_74 = vector.shape_cast %get3A_73 : vector<1x1x2048xi32> to vector<2048xi32>
    %broadcast_in_dim3A_75 = vector.shape_cast %get3A_74 : vector<2048xi32> to vector<2048x1xi32>
    %eq3A_76 = vector.broadcast %broadcast_in_dim3A_75 : vector<2048x1xi32> to vector<2048x170xi32>
    %eq3A_77 = arith.cmpi eq, %iota3A, %eq3A_76 : vector<2048x170xi32>
    %jit3A_78 = arith.constant 0.000000e+00 : f32
    %broadcast_in_dim3A_79 = vector.broadcast %jit3A_78 : f32 to vector<2048x170xf32>
    %select_n3A_80 = arith.select %eq3A_77, %get3A_69, %broadcast_in_dim3A_79 : vector<2048x170xi1>, vector<2048x170xf32>
    %reshape3A_81 = vector.shape_cast %select_n3A_80 : vector<2048x170xf32> to vector<256x8x170xf32>
    %reduce_sum3A_82 = arith.constant dense<0.000000e+00> : vector<8x170xf32>
    %reduce_sum3A_83 = vector.multi_reduction <add>, %reshape3A_81, %reduce_sum3A_82 [0] : vector<256x8x170xf32> to vector<8x170xf32>
    %add3A_84 = arith.addf %add3A_61, %reduce_sum3A_83 : vector<8x170xf32>
    %mul3A_85 = arith.mulf %select_n3A_80, %get3A_69 : vector<2048x170xf32>
    %reshape3A_86 = vector.shape_cast %mul3A_85 : vector<2048x170xf32> to vector<256x8x170xf32>
    %reduce_sum3A_87 = arith.constant dense<0.000000e+00> : vector<8x170xf32>
    %reduce_sum3A_88 = vector.multi_reduction <add>, %reshape3A_86, %reduce_sum3A_87 [0] : vector<256x8x170xf32> to vector<8x170xf32>
    %add3A_89 = arith.addf %add3A_66, %reduce_sum3A_88 : vector<8x170xf32>
    %get3A_90 = arith.constant 0 : index
    %get3A_91 = arith.constant 0 : index
    %get3A_92 = vector.load %arg7[%get3A_90, %get3A_91] : memref<8x170xf32, #tpu.memory_space<vmem>>, vector<8x170xf32>
    %add3A_93 = arith.addf %get3A_92, %add3A_84 : vector<8x170xf32>
    %swap3A = arith.constant 0 : index
    %swap3A_94 = arith.constant 0 : index
    %swap3A_95 = vector.load %arg7[%swap3A, %swap3A_94] : memref<8x170xf32, #tpu.memory_space<vmem>>, vector<8x170xf32>
    tpu.vector_store %arg7[%swap3A, %swap3A_94], %add3A_93 {strides = array<i32>} : memref<8x170xf32, #tpu.memory_space<vmem>>, vector<8x170xf32>,
    %get3A_96 = arith.constant 0 : index
    %get3A_97 = arith.constant 0 : index
    %get3A_98 = vector.load %arg8[%get3A_96, %get3A_97] : memref<8x170xf32, #tpu.memory_space<vmem>>, vector<8x170xf32>
    %add3A_99 = arith.addf %get3A_98, %add3A_89 : vector<8x170xf32>
    %swap3A_100 = arith.constant 0 : index
    %swap3A_101 = arith.constant 0 : index
    %swap3A_102 = vector.load %arg8[%swap3A_100, %swap3A_101] : memref<8x170xf32, #tpu.memory_space<vmem>>, vector<8x170xf32>
    tpu.vector_store %arg8[%swap3A_100, %swap3A_101], %add3A_99 {strides = array<i32>} : memref<8x170xf32, #tpu.memory_space<vmem>>, vector<8x170xf32>,
    %eq3A_103 = arith.constant 17 : i32
    %eq3A_104 = arith.cmpi eq, %arg0, %eq3A_103 : i32
    %convert_element_type3A_105 = arith.extui %eq3A_104 : i1 to i32
    %cond3A_106 = arith.constant 0 : i32
    %cond3A_107 = arith.cmpi ne, %convert_element_type3A_105, %cond3A_106 : i32
    scf.if %cond3A_107 {
      %get3A_108 = arith.constant 0 : index
      %get3A_109 = arith.constant 0 : index
      %get3A_110 = vector.load %arg7[%get3A_108, %get3A_109] : memref<8x170xf32, #tpu.memory_space<vmem>>, vector<8x170xf32>
      %reduce_sum3A_111 = vector.shape_cast %get3A_110 : vector<8x170xf32> to vector<1x8x170xf32>
      %reduce_sum3A_112 = arith.constant dense<0.000000e+00> : vector<1xf32>
      %reduce_sum3A_113 = vector.multi_reduction <add>, %reduce_sum3A_111, %reduce_sum3A_112 [1, 2] : vector<1x8x170xf32> to vector<1xf32>
      %reduce_sum3A_114 = vector.shape_cast %reduce_sum3A_113 : vector<1xf32> to vector<1x1x1xf32>
      %reduce_sum3A_115 = vector.extract %reduce_sum3A_114[0, 0, 0] : f32 from vector<1x1x1xf32>
      %mul3A_116 = arith.constant 2.000000e+00 : f32
      %mul3A_117 = arith.mulf %mul3A_116, %reduce_sum3A_115 : f32
      %sub3A = arith.constant 1.474560e+05 : f32
      %sub3A_118 = arith.subf %sub3A, %mul3A_117 : f32
      %get3A_119 = arith.constant 0 : index
      %get3A_120 = arith.constant 0 : index
      %get3A_121 = vector.load %arg8[%get3A_119, %get3A_120] : memref<8x170xf32, #tpu.memory_space<vmem>>, vector<8x170xf32>
      %reduce_sum3A_122 = vector.shape_cast %get3A_121 : vector<8x170xf32> to vector<1x8x170xf32>
      %reduce_sum3A_123 = arith.constant dense<0.000000e+00> : vector<1xf32>
      %reduce_sum3A_124 = vector.multi_reduction <add>, %reduce_sum3A_122, %reduce_sum3A_123 [1, 2] : vector<1x8x170xf32> to vector<1xf32>
      %reduce_sum3A_125 = vector.shape_cast %reduce_sum3A_124 : vector<1xf32> to vector<1x1x1xf32>
      %reduce_sum3A_126 = vector.extract %reduce_sum3A_125[0, 0, 0] : f32 from vector<1x1x1xf32>
      %add3A_127 = arith.addf %sub3A_118, %reduce_sum3A_126 : f32
      %swap3A_128 = arith.constant 0 : index
      %swap3A_129 = arith.constant 0 : index
      %swap3A_130 = memref.load %arg6[%swap3A_128, %swap3A_129] : memref<1x1xf32, #tpu.memory_space<smem>>
      memref.store %add3A_127, %arg6[%swap3A_128, %swap3A_129] : memref<1x1xf32, #tpu.memory_space<smem>>
    } else {
    }
    return
  }
  func.func @transform_0(%arg0: i32) -> (i32, i32, i32) {
    %c0_i32 = arith.constant 0 : i32
    %c0_i32_0 = arith.constant 0 : i32
    %c0_i32_1 = arith.constant 0 : i32
    return %arg0, %c0_i32, %c0_i32_0 : i32, i32, i32
  }
  func.func @transform_1(%arg0: i32) -> (i32, i32) {
    %mul3A = arith.constant 4 : i32
    %mul3A_0 = arith.muli %arg0, %mul3A : i32
    %add3A = arith.constant 56 : i32
    %add3A_1 = arith.addi %add3A, %mul3A_0 : i32
    %add3A_2 = arith.constant 0 : i32
    %add3A_3 = arith.addi %add3A_1, %add3A_2 : i32
    %c0_i32 = arith.constant 0 : i32
    %c0_i32_4 = arith.constant 0 : i32
    return %add3A_3, %c0_i32 : i32, i32
  }
  func.func @transform_2(%arg0: i32) -> (i32, i32) {
    %mul3A = arith.constant 4 : i32
    %mul3A_0 = arith.muli %arg0, %mul3A : i32
    %add3A = arith.constant 56 : i32
    %add3A_1 = arith.addi %add3A, %mul3A_0 : i32
    %add3A_2 = arith.constant 1 : i32
    %add3A_3 = arith.addi %add3A_1, %add3A_2 : i32
    %c0_i32 = arith.constant 0 : i32
    %c0_i32_4 = arith.constant 0 : i32
    return %add3A_3, %c0_i32 : i32, i32
  }
  func.func @transform_3(%arg0: i32) -> (i32, i32) {
    %mul3A = arith.constant 4 : i32
    %mul3A_0 = arith.muli %arg0, %mul3A : i32
    %add3A = arith.constant 56 : i32
    %add3A_1 = arith.addi %add3A, %mul3A_0 : i32
    %add3A_2 = arith.constant 2 : i32
    %add3A_3 = arith.addi %add3A_1, %add3A_2 : i32
    %c0_i32 = arith.constant 0 : i32
    %c0_i32_4 = arith.constant 0 : i32
    return %add3A_3, %c0_i32 : i32, i32
  }
  func.func @transform_4(%arg0: i32) -> (i32, i32) {
    %mul3A = arith.constant 4 : i32
    %mul3A_0 = arith.muli %arg0, %mul3A : i32
    %add3A = arith.constant 56 : i32
    %add3A_1 = arith.addi %add3A, %mul3A_0 : i32
    %add3A_2 = arith.constant 3 : i32
    %add3A_3 = arith.addi %add3A_1, %add3A_2 : i32
    %c0_i32 = arith.constant 0 : i32
    %c0_i32_4 = arith.constant 0 : i32
    return %add3A_3, %c0_i32 : i32, i32
  }
  func.func @transform_5(%arg0: i32) -> (i32, i32) {
    %c0_i32 = arith.constant 0 : i32
    %c0_i32_0 = arith.constant 0 : i32
    %c0_i32_1 = arith.constant 0 : i32
    return %c0_i32, %c0_i32_0 : i32, i32
  }
}

</mosaic_0001>

<sc_bundles>
// kernel: kernel.4.cloned.1.call-start
scs
__scs_entry_jumppad:
0x0: {  	(pc) =	sbr.rel $0x88, $3  }
0x1: {  	(tag) =	ssettag $0x0;
	lr =	simm.s32 $0x1  }
0x2: {  	[smem:$0x3F9F] =	sst lr;
	_ =	strace $0xD0000000  }
0x3: {  	_ = 	snop  }
0x4: {  	_ = 	snop  }
0x5: {  	_ = 	snop  }
0x6: {  	_ = 	snop  }
0x7: {  	_ = 	snop  }
__scs_overlays_trampoline_lowered:
0x8: {  	[smem:$0x3FAE] =	sst s0  }
0x9: {  	[smem:$0x3FAF] =	sst s1  }
0xa: {  	[smem:$0x3FB0] =	sst s2  }
0xb: {  	[smem:$0x3FB1] =	sst s3  }
0xc: {  	[smem:$0x3FB2] =	sst s4  }
0xd: {  	[smem:$0x3FB3] =	sst s5  }
0xe: {  	[smem:$0x3FB4] =	sst s6  }
0xf: {  	[smem:$0x3FB5] =	sst s7  }
0x10: {  	[smem:$0x3FB6] =	sst s8  }
0x11: {  	[smem:$0x3FB7] =	sst s9;
	s0 =	simm.s32 @!p0 $0x0  }
0x12: {  	s1 =	sld [smem:$0x3F9D];
	s0 =	simm.s32 @p0 $0x1  }
0x13: {  	[smem:$0x3FB8] =	sst s0;
	s0 =	simm.s32 @!p1 $0x0  }
0x14: {  	s2 =	sld [smem:$0x3F9C];
	s0 =	simm.s32 @p1 $0x1  }
0x15: {  	[smem:$0x3FB9] =	sst s0;
	s0 =	simm.s32 @!p2 $0x0  }
0x16: {  	s3 =	sld [smem:$0x3FDB];
	s0 =	simm.s32 @p2 $0x1  }
0x17: {  	s4 =	simm.s32 $0x1BF5;
	[smem:$0x3FBB] =	sst s0  }
0x18: {  	s0 =	sld [smem:$0x3F9E];
	_ =	swait.ge [sflag:s4], $0x0  }
0x19: {  	s7 =	sld [smem:$0x3F9F]  }
0x1a: {  	s8 =	sadd.s32 $0xFFFFE003, lr  }
0x1b: {  	s9 =	sadd.s32 $0xFFFFFEF7, lr;
	s5 =	simm.s32 $0xFFFFFFFF;
	p2 =	slt.u32 s8, $0xFFFFF086  }
0x1c: {  	p1 =	slt.u32 s9, $0xF7A;
	s5 =	simm.s32 @!p2 $0x0  }
0x1d: {  	s5 =	simm.s32 @p1 $0x1;
	p0 =	seq.s32 s7, s2  }
0x1e: {  	s7 =	smul.u32 @!p0 $0xF7A, s2;
	p2 =	seq.s32 @!p0 s5, $0x0  }
0x1f: {  	s9 =	smul.u32 $0xF7A, s1;
	s8 =	simm.s32 @!p0 $0x1BF5;
	p2 =	por !p2, p0  }
0x20: {  	[sflag:s8] =	ssyncset.s32 @!p0 $0xFFFFF086;
	s6 =	sadd.s32 @!p0 s3, s7;
	s7 =	simm.s32 @!p0 $0x108  }
0x21: {  	s3 =	sadd.s32 s3, s9;
	s6 =	sadd.s32 @!p0 $0x88, s6;
	s7 =	simm.s32 @p2 $0x1082  }
0x22: {  	[simem:s7], [sflag:s8] =	dma.local @!p0 [hbm:s6], $0xF7A  }
0x23: {  	s9 =	sor.u32 $0xD0000000, s2;
	s6 =	simm.s32 $0x108;
	_ =	swait.ge @!p0 [sflag:s8], $0x0  }
0x24: {  	s3 =	sadd.s32 $0x88, s3;
	s6 =	simm.s32 @!p1 $0x1082;
	[sflag:s4] =	ssyncset.s32 $0xFFFFF086  }
0x25: {  	[simem:s6], [sflag:s4] =	dma.local [hbm:s3], $0xF7A  }
0x26: {  	[smem:$0x3F9F] =	sst s1;
	(tag) =	ssettag s2;
	_ =	strace s9  }
0x27: {  	s1 =	sld [smem:$0x3FAF]  }
0x28: {  	s2 =	sld [smem:$0x3FB0]  }
0x29: {  	s4 =	sld [smem:$0x3FB2]  }
0x2a: {  	p0 =	seq.s32 s5, $0x0;
	s5 =	sld [smem:$0x3FB3]  }
0x2b: {  	s6 =	sld [smem:$0x3FB4]  }
0x2c: {  	s7 =	sld [smem:$0x3FB5]  }
0x2d: {  	s3 =	simm.s32 $0x108;
	s8 =	sld [smem:$0x3FB6]  }
0x2e: {  	s3 =	simm.s32 @!p0 $0x1082;
	s9 =	sld [smem:$0x3FB7]  }
0x2f: {  	lr =	sadd.s32 s0, s3;
	s0 =	sld [smem:$0x3FAE]  }
0x30: {  	s3 =	sld [smem:$0x3FB1]  }
0x31: {  	[smem:$0x3FBA] =	sst s10  }
0x32: {  	s10 =	sld [smem:$0x3FB8];
	_ =	sdelay $0x3  }
0x33: {  	p0 =	seq.s32 s10, $0x1;
	s10 =	sld [smem:$0x3FBA];
	_ =	sdelay $0x3  }
0x34: {  	[smem:$0x3FBA] =	sst s10  }
0x35: {  	s10 =	sld [smem:$0x3FB9];
	_ =	sdelay $0x3  }
0x36: {  	p1 =	seq.s32 s10, $0x1;
	s10 =	sld [smem:$0x3FBA];
	_ =	sdelay $0x3  }
0x37: {  	[smem:$0x3FBA] =	sst s10  }
0x38: {  	s10 =	sld [smem:$0x3FBB]  }
0x39: {  	_ = 	snop;
	(pc) =	sbr.ind lr, $3  }
0x3a: {  	_ = 	snop  }
0x3b: {  	_ = 	snop  }
0x3c: {  	p2 =	seq.s32 s10, $0x1;
	s10 =	sld [smem:$0x3FBA]  }
0x3d: {  	_ =	shalt  }
0x3e: {  	_ =	shalt  }
0x3f: {  	_ =	shalt  }
0x40: {  	_ =	shalt  }
0x41: {  	_ =	shalt  }
0x42: {  	_ =	shalt  }
0x43: {  	_ =	shalt  }
0x44: {  	_ =	shalt  }
0x45: {  	_ =	shalt  }
0x46: {  	_ =	shalt  }
0x47: {  	_ =	shalt  }
0x48: {  	_ =	shalt  }
0x49: {  	_ =	shalt  }
0x4a: {  	_ =	shalt  }
0x4b: {  	_ =	shalt  }
0x4c: {  	_ =	shalt  }
0x4d: {  	_ =	shalt  }
0x4e: {  	_ =	shalt  }
0x4f: {  	_ =	shalt  }
0x50: {  	_ =	shalt  }
0x51: {  	_ =	shalt  }
0x52: {  	_ =	shalt  }
0x53: {  	_ =	shalt  }
0x54: {  	_ =	shalt  }
0x55: {  	_ =	shalt  }
0x56: {  	_ =	shalt  }
0x57: {  	_ =	shalt  }
0x58: {  	_ =	shalt  }
0x59: {  	_ =	shalt  }
0x5a: {  	_ =	shalt  }
0x5b: {  	_ =	shalt  }
0x5c: {  	_ =	shalt  }
0x5d: {  	_ =	shalt  }
0x5e: {  	_ =	shalt  }
0x5f: {  	_ =	shalt  }
0x60: {  	_ =	shalt  }
0x61: {  	_ =	shalt  }
0x62: {  	_ =	shalt  }
0x63: {  	_ =	shalt  }
0x64: {  	_ =	shalt  }
0x65: {  	_ =	shalt  }
0x66: {  	_ =	shalt  }
0x67: {  	_ =	shalt  }
0x68: {  	_ =	shalt  }
0x69: {  	_ =	shalt  }
0x6a: {  	_ =	shalt  }
0x6b: {  	_ =	shalt  }
0x6c: {  	_ =	shalt  }
0x6d: {  	_ =	shalt  }
0x6e: {  	_ =	shalt  }
0x6f: {  	_ =	shalt  }
0x70: {  	_ =	shalt  }
0x71: {  	_ =	shalt  }
0x72: {  	_ =	shalt  }
0x73: {  	_ =	shalt  }
0x74: {  	_ =	shalt  }
0x75: {  	_ =	shalt  }
0x76: {  	_ =	shalt  }
0x77: {  	_ =	shalt  }
0x78: {  	_ =	shalt  }
0x79: {  	_ =	shalt  }
0x7a: {  	_ =	shalt  }
0x7b: {  	_ =	shalt  }
0x7c: {  	_ =	shalt  }
0x7d: {  	_ =	shalt  }
0x7e: {  	_ =	shalt  }
0x7f: {  	_ =	shalt  }
0x80: {  	_ =	shalt  }
0x81: {  	_ =	shalt  }
0x82: {  	_ =	shalt  }
0x83: {  	_ =	shalt  }
0x84: {  	_ =	shalt  }
0x85: {  	_ =	shalt  }
0x86: {  	_ =	shalt  }
0x87: {  	_ =	shalt  }
.Lfunc_end0:
.L_simem_size_0:
called_computation_lowered:
.L_overlay_start_0:
0x88: {  	s2 =	sld [smem:$0x3FD9]  }
0x89: {  	s3 =	sld [smem:$0x3FFE];
	_ =	sdelay $0x1  }
0x8a: {  	s1 =	srdreg.scid  }
0x8b: {  	s0 =	sand.u32 $0x1, s1  }
0x8c: {  	s17 =	sshll.u32 s0, $0xA;
	s2 =	sadd.s32 s3, s2  }
0x8d: {  	s2 =	sadd.s32 s2, s17  }
0x8e: {  	[smem:$0x3FC6] =	sst s2  }
0x8f: {  	_ = 	snop  }
0x90: {  	s2 =	sld [smem:$0x3FC8];
	(tm) =	ssettm $0x1  }
0x91: {  	s18 =	sld [smem:$0x3FFB];
	_ =	sdelay $0x3  }
0x92: {  	_ =	strace s18  }
0x93: {  	s3 =	sld [smem:$0x3FFC];
	_ =	sdelay $0x3  }
0x94: {  	_ =	strace s3  }
0x95: {  	s3 =	sld [smem:$0x3FFD];
	_ =	sdelay $0x3  }
0x96: {  	_ =	strace s3  }
0x97: {  	_ =	strace $0x8FFFFFFF  }
0x98: {  	s19 =	sld [smem:$0x3FDB];
	_ =	sdelay $0x1  }
0x99: {  	s4 =	simm.s32 $_scs_section_size  }
0x9a: {  	s5 =	simm.s32 $_size__tile_overlayer_lowered;
	s6 =	simm.s32 $_tile_overlayer_lowered  }
0x9b: {  	s22 =	simm.s32 $0x1BFF;
	s21 =	sshll.u32 s6, $0x1;
	s3 =	sadd.s32 s4, s19  }
0x9c: {  	s7 =	simm.s32 $0x0;
	s20 =	sshll.u32 s5, $0x1;
	s5 =	sadd.s32 s21, s3  }
0x9d: {  	[timem:s7], [sflag:s22] =	dma.local [hbm:s5], s20  }
0x9e: {  	_ =	swait.ge [sflag:s22], s20  }
0x9f: {  	s4 =	ssub.s32 $0x0, s20;
	[sflag:s22] =	ssyncset.done $0x0  }
0xa0: {  	[sflag:s22] =	ssyncadd.s32 s4;
	_ =	sdelay $0x1  }
0xa1: {  	s23 =	simm.s32 $0x1B8B  }
0xa2: {  	_ =	swait.ge [sflag:s23], $0x1  }
0xa3: {  	[sflag:s23] =	ssyncset.done $0x0  }
0xa4: {  	s25 =	simm.s32 $0x1B8E;
	s24 =	sld [smem:$0x3FFE];
	[sflag:s23] =	ssyncadd.s32 $0xFFFFFFFF  }
0xa5: {  	s26 =	simm.s32 $execute0_lowered;
	[smem:$0x3FD2] =	sst s25  }
0xa6: {  	s5 =	sshll.u32 s26, $0x1;
	_ =	strace $0x80000046;
	[dreg:$0x1] =	wrdreg $0xFFFFFFFF  }
0xa7: {  	s28 =	simm.s32 $_size_execute0_lowered;
	s3 =	sadd.s32 s3, s5;
	[dreg:$0x0] =	wrdreg $0x0  }
0xa8: {  	s5 =	sshll.u32 s28, $0x1;
	[dreg:$0x2] =	wrdreg s3  }
0xa9: {  	[dreg:$0x3] =	wrdreg s5  }
0xaa: {  	[dreg:$0x4] =	wrdreg $0xC0  }
0xab: {  	_ =	task [dreg:s7], $0x5FFFF  }
0xac: {  	[dreg:$0x1] =	wrdreg $0xFFFFFFFF  }
0xad: {  	[dreg:$0x0] =	wrdreg $0x60  }
0xae: {  	[dreg:$0x2] =	wrdreg s24  }
0xaf: {  	[dreg:$0x3] =	wrdreg s2  }
0xb0: {  	[dreg:$0x4] =	wrdreg $0x9  }
0xb1: {  	_ =	task.clear_ibuf [dreg:s7], $0x5FFFF;
	_ =	strace $0x90000046  }
0xb2: {  	s29 =	simm.s32 $0x9;
	_ =	strace $0x80000048  }
0xb3: {  	_ =	swait.ge [sflag:s29], $0x1  }
0xb4: {  	[sflag:s29] =	ssyncadd.s32 $0xFFFFFFFF  }
0xb5: {  	_ =	strace $0x90000048  }
0xb6: {  	_ =	sfence  }
0xb7: {  	s30 =	sld [smem:$0x0];
	_ =	sdelay $0x2  }
0xb8: {  	s31 =	sshll.u32 s1, $0xD;
	s1 =	sshrl.u32 s1, $0x2  }
0xb9: {  	s3 =	sand.u32 $0x4000, s31;
	s1 =	sadd.s32 s1, s30  }
0xba: {  	s0 =	sor.u32 s3, s0;
	s1 =	sshll.u32 s1, $0x11  }
0xbb: {  	s0 =	sor.u32 s1, s0  }
0xbc: {  	s0 =	sadd.s32 $0x8F2B, s0  }
0xbd: {  	[sflag:s0] =	ssyncadd.remote.s32 $0x1  }
0xbe: {  	_ =	sfence.sel $0xFFFF  }
0xbf: {  	[dreg:$0x0] =	wrdreg $0xFFFFFFFF;
	(pc) =	sbr.abs _section_cstart, $3  }
0xc0: {  	[dreg:$0x1] =	wrdreg $0xFFFFFFFF  }
0xc1: {  	_ =	task.clear_ibuf [dreg:s7], $0x2FFFF;
	_ =	strace $0x9FFFFFFF  }
0xc2: {  	(tm) =	ssettm $0x7FFFFFFF  }
0xc3: {  	_ =	shalt  }
tec
execute0_lowered:
.L_overlay_start_1:
0x0: {  	(tag) =	ssettag $0x1  }
0x1: {  	s0 =	rddreg [dreg:$0x0]  }
0x2: {  	s1 =	rddreg [dreg:$0x1]  }
0x3: {  	s3 =	srdreg.scid;
	s4 =	stileid.u32;
	s2 =	simm.s32 $0x0  }
0x4: {  	s10 =	simm.s32 $0x0;
	s3 =	sand.u32 $0x1, s3;
	s4 =	sshll.u32 s4, $0x1  }
0x5: {  	[smem:$0x7FF] =	sst s2;
	s6 =	sadd.s32 $0x200, s0;
	s4 =	sor.u32 s3, s4  }
0x6: {  	_ =	strace $0x80000047;
	s3 =	ssub.s32 $0x2, s3;
	s5 =	smul.u32 $0x1C0, s4  }
0x7: {  	s7 =	smul.u32 $0xE0000, s4;
	s8 =	sshll.u32 s4, $0x4;
	s9 =	sshrl.u32 s3, $0x1  }
0x8: {  	s4 =	smul.u32 $0x1C000, s4;
	s0 =	sadd.s32 s8, s0;
	s3 =	ssub.s32 s3, s9  }
0x9: {  	s8 =	simm.s32 $0x8E00;
	s9 =	simm.s32 $0x2;
	s7 =	sshrl.u32 s7, $0x3  }
0xa: {  	s1 =	sadd.s32 s1, s5;
	s4 =	sadd.s32 s6, s4;
	s30 =	sadd.s32 $0x800200, s0  }
0xb: {  	s31 =	smax.u32 s3, $0x1;
	s5 =	simm.s32 $0x3;
	s13 =	sadd.s32 s6, s7  }
0xc: {  	[dreg:$0x3] =	wrdreg s1;
	s0 =	sadd.s32 $0x1000, s4;
	s18 =	sadd.s32 $0x4000, s13  }
0xd: {  	s1 =	sadd.s32 $0x2000, s4;
	s19 =	sadd.s32 $0x5000, s13;
	[dreg:$0x4] =	wrdreg s18  }
0xe: {  	s3 =	sadd.s32 $0x3000, s4;
	s20 =	sadd.s32 $0x6000, s13;
	[dreg:$0x5] =	wrdreg s19  }
0xf: {  	s6 =	simm.s32 $0xE00;
	s21 =	sadd.s32 $0x7000, s13;
	[dreg:$0x6] =	wrdreg s20  }
0x10: {  	s7 =	simm.s32 $0x1;
	s22 =	sadd.s32 $0x8000, s13;
	[dreg:$0x7] =	wrdreg s21  }
0x11: {  	s23 =	sadd.s32 $0x9000, s13;
	s24 =	sadd.s32 $0xA000, s13;
	[dreg:$0x8] =	wrdreg s22  }
0x12: {  	s25 =	sadd.s32 $0xB000, s13;
	s26 =	sadd.s32 $0xC000, s13;
	[dreg:$0x9] =	wrdreg s23  }
0x13: {  	s14 =	sadd.s32 $0xD000, s13;
	s15 =	sadd.s32 $0xE000, s13;
	[dreg:$0xa] =	wrdreg s24  }
0x14: {  	s16 =	sadd.s32 $0xF000, s13;
	s17 =	sadd.s32 $0x10000, s13;
	[dreg:$0xb] =	wrdreg s25  }
0x15: {  	s28 =	sadd.s32 $0x1A000, s13;
	s29 =	sadd.s32 $0x1B000, s13;
	[dreg:$0xc] =	wrdreg s26  }
0x16: {  	v0 =	vlaneseq.u32;
	s18 =	sadd.s32 $0x11000, s13;
	s19 =	sadd.s32 $0x12000, s13;
	s20 =	sadd.s32 $0x13000, s13  }
0x17: {  	v1 =	vand.u32 $0x7, v0;
	s21 =	sadd.s32 $0x14000, s13;
	s22 =	sadd.s32 $0x15000, s13;
	s23 =	sadd.s32 $0x16000, s13  }
0x18: {  	v0 =	vmul.u32 $0x100, v0;
	v1 =	vmul.u32 $0x80, v1;
	s24 =	sadd.s32 $0x17000, s13;
	s25 =	sadd.s32 $0x18000, s13;
	s26 =	sadd.s32 $0x19000, s13  }
.LBB2_1:
0x19: {  	s11 =	rddreg [dreg:$0x3]  }
0x1a: {  	[tilespmem:s2], [sflag:$0x3] =	stream.linear.gather [hbm4b:s11+s2], $0xE00, $0x38;
	[tilespmem:$0x10E80] =	vst v63  }
0x1b: {  	_ =	swait.ge [sflag:s5], $0xE00  }
0x1c: {  	[sflag:s5] =	ssyncset.done $0x0  }
0x1d: {  	[sflag:s5] =	ssyncadd.s32 $0xFFFFF200  }
0x1e: {  	[tilespmem:s6], [sflag:$0x1] =	stream.linear.gather [hbm4b:s4+s2], $0x8000, $0x38;
	[tilespmem:$0x10E80] =	vst v63  }
0x1f: {  	_ =	swait.ge [sflag:s7], $0x8000  }
0x20: {  	[sflag:s7] =	ssyncset.done $0x0  }
0x21: {  	[sflag:s7] =	ssyncadd.s32 $0xFFFF8000  }
0x22: {  	[tilespmem:s8], [sflag:$0x2] =	stream.linear.gather [hbm4b:s0+s2], $0x8000, $0x38;
	[tilespmem:$0x10E80] =	vst v63  }
0x23: {  	v2 =	vld [tilespmem:s2+$0x0];
	_ =	sdelay $0x2  }
0x24: {  	v3 =	vmov s2  }
0x25: {  	v3 =	vshll.u32 v3, $0x8  }
0x26: {  	s13 =	simm.s32 $0x10;
	v3 =	vor.u32 v0, v3;
	v4 =	vshll.u32 v2, $0x3  }
0x27: {  	v3 =	vand.u32 $0x7800, v3;
	v5 =	vld [tilespmem:s13+$0x0];
	v4 =	vand.u32 $0xFFFFFC00, v4  }
0x28: {  	v2 =	vand.u32 $0x7F, v2;
	v3 =	vadd.s32 v3, v4  }
0x29: {  	v2 =	vor.u32 v2, v3  }
0x2a: {  	v3 =	vmov s13;
	v2 =	vor.u32 v1, v2  }
0x2b: {  	s12 =	simm.s32 $0x20;
	v3 =	vshll.u32 v3, $0x8  }
0x2c: {  	v6 =	vshll.u32 v5, $0x3;
	v4 =	vld [tilespmem:s12+$0x0];
	v3 =	vor.u32 v0, v3  }
0x2d: {  	v6 =	vand.u32 $0xFFFFFC00, v6;
	v3 =	vand.u32 $0x7800, v3  }
0x2e: {  	v5 =	vand.u32 $0x7F, v5;
	v3 =	vadd.s32 v3, v6  }
0x2f: {  	v6 =	vmov s12;
	v3 =	vor.u32 v5, v3;
	v2 =	vld.idx.msk [tilespmem:v2+s6+$0x0], $0xffff  }
0x30: {  	v5 =	vshll.u32 v6, $0x8;
	v3 =	vor.u32 v1, v3  }
0x31: {  	s13 =	simm.s32 $0x30;
	v7 =	vshll.u32 v4, $0x3;
	v5 =	vor.u32 v0, v5  }
0x32: {  	v6 =	vld [tilespmem:s13+$0x0];
	v7 =	vand.u32 $0xFFFFFC00, v7;
	v5 =	vand.u32 $0x7800, v5  }
0x33: {  	v4 =	vand.u32 $0x7F, v4;
	v5 =	vadd.s32 v5, v7  }
0x34: {  	v4 =	vor.u32 v4, v5;
	v7 =	vsub.f32 $1.000000000e+00, v2  }
0x35: {  	v8 =	vmov s13;
	v5 =	vor.u32 v1, v4;
	v3 =	vld.idx.msk [tilespmem:v3+s6+$0x0], $0xffff  }
0x36: {  	v8 =	vshll.u32 v8, $0x8;
	v4 =	vmul.f32 v7, v7  }
0x37: {  	s11 =	simm.s32 $0x40;
	s12 =	simm.s32 $0x40;
	v2 =	vimm.f32 $0.0e+00;
	v7 =	vor.u32 v0, v8;
	v8 =	vshll.u32 v6, $0x3  }
.LBB2_2:
0x38: {  	v9 =	vld [tilespmem:s12+$0x0];
	p0 =	sne.s32 s11, $0x70;
	v7 =	vand.u32 $0x7800, v7;
	v8 =	vand.u32 $0xFFFFFC00, v8;
	v2 =	vadd.f32 v4, v2;
	s13 =	smov.u32 s11;
	s11 =	sadd.s32 $0x10, s11  }
.Ltmp0:
0x39: {  	v4 =	vand.u32 $0x7F, v6;
	v6 =	vadd.s32 v7, v8;
	(pc) =	sbr.rel @p0 .LBB2_2-.Ltmp0, $4  }
0x3a: {  	v10 =	vsub.f32 $1.000000000e+00, v3;
	v4 =	vor.u32 v4, v6;
	v3 =	vld.idx.msk [tilespmem:v5+s6+$0x0], $0xffff  }
0x3b: {  	v7 =	vmov s13;
	v5 =	vor.u32 v1, v4  }
0x3c: {  	v7 =	vshll.u32 v7, $0x8;
	v4 =	vmul.f32 v10, v10  }
0x3d: {  	s12 =	sadd.s32 $0x10, s12;
	v7 =	vor.u32 v0, v7;
	v8 =	vshll.u32 v9, $0x3;
	v6 =	vmov v9  }
0x3e: {  	v7 =	vand.u32 $0x7800, v7;
	v8 =	vand.u32 $0xFFFFFC00, v8  }
0x3f: {  	v6 =	vand.u32 $0x7F, v6;
	v7 =	vadd.s32 v7, v8  }
0x40: {  	v6 =	vor.u32 v6, v7  }
0x41: {  	v6 =	vor.u32 v1, v6;
	_ =	sdelay $0x3  }
0x42: {  	v5 =	vld.idx.msk [tilespmem:v5+s6+$0x0], $0xffff  }
0x43: {  	v6 =	vld.idx.msk [tilespmem:v6+s6+$0x0], $0xffff;
	_ =	swait.ge [sflag:s9], $0x8000  }
0x44: {  	[sflag:s9] =	ssyncset.done $0x0  }
0x45: {  	s11 =	simm.s32 $0x0;
	s12 =	simm.s32 $0x80;
	[sflag:s9] =	ssyncadd.s32 $0xFFFF8000  }
0x46: {  	[tilespmem:s6], [sflag:$0x1] =	stream.linear.gather [hbm4b:s1+s11], $0x8000, $0x38;
	[tilespmem:$0x10E80] =	vst v63  }
0x47: {  	v7 =	vld [tilespmem:s12+$0x0];
	_ =	sdelay $0x2  }
0x48: {  	v8 =	vmov s11  }
0x49: {  	v8 =	vshll.u32 v8, $0x8  }
0x4a: {  	v8 =	vor.u32 v0, v8;
	s12 =	simm.s32 $0x90;
	v9 =	vshll.u32 v7, $0x3  }
0x4b: {  	v8 =	vand.u32 $0x7800, v8;
	v10 =	vld [tilespmem:s12+$0x0];
	v9 =	vand.u32 $0xFFFFFC00, v9  }
0x4c: {  	v3 =	vsub.f32 $1.000000000e+00, v3;
	v7 =	vand.u32 $0x7F, v7;
	v8 =	vadd.s32 v8, v9  }
0x4d: {  	s13 =	simm.s32 $0x10;
	v2 =	vadd.f32 v4, v2;
	v7 =	vor.u32 v7, v8  }
0x4e: {  	v4 =	vmov s13;
	v3 =	vmul.f32 v3, v3;
	v7 =	vor.u32 v1, v7  }
0x4f: {  	v4 =	vshll.u32 v4, $0x8;
	s12 =	simm.s32 $0xA0  }
0x50: {  	v2 =	vadd.f32 v3, v2;
	v3 =	vor.u32 v0, v4;
	v4 =	vshll.u32 v10, $0x3;
	v8 =	vld [tilespmem:s12+$0x0]  }
0x51: {  	v5 =	vsub.f32 $1.000000000e+00, v5;
	v3 =	vand.u32 $0x7800, v3;
	v4 =	vand.u32 $0xFFFFFC00, v4  }
0x52: {  	s13 =	simm.s32 $0x20;
	v9 =	vand.u32 $0x7F, v10;
	v3 =	vadd.s32 v3, v4  }
0x53: {  	v5 =	vmul.f32 v5, v5;
	v3 =	vor.u32 v9, v3;
	v4 =	vld.idx.msk [tilespmem:v7+s8+$0x0], $0xffff;
	v7 =	vmov s13  }
0x54: {  	v10 =	vsub.f32 $1.000000000e+00, v6;
	v3 =	vor.u32 v1, v3;
	v6 =	vshll.u32 v7, $0x8  }
0x55: {  	s12 =	simm.s32 $0xB0;
	v9 =	vshll.u32 v8, $0x3;
	v7 =	vor.u32 v0, v6  }
0x56: {  	v2 =	vadd.f32 v5, v2;
	v6 =	vld [tilespmem:s12+$0x0];
	v5 =	vand.u32 $0x7800, v7;
	v7 =	vand.u32 $0xFFFFFC00, v9  }
0x57: {  	v8 =	vand.u32 $0x7F, v8;
	v5 =	vadd.s32 v5, v7  }
0x58: {  	s13 =	simm.s32 $0x30;
	v7 =	vmul.f32 v10, v10;
	v5 =	vor.u32 v8, v5;
	v4 =	vsub.f32 $1.000000000e+00, v4  }
0x59: {  	v3 =	vld.idx.msk [tilespmem:v3+s8+$0x0], $0xffff;
	v8 =	vmov s13;
	v5 =	vor.u32 v1, v5  }
0x5a: {  	v2 =	vadd.f32 v7, v2;
	v7 =	vshll.u32 v8, $0x8;
	v4 =	vmul.f32 v4, v4  }
0x5b: {  	s11 =	simm.s32 $0x40;
	s12 =	simm.s32 $0xC0;
	v7 =	vor.u32 v0, v7;
	v8 =	vshll.u32 v6, $0x3  }
.LBB2_4:
0x5c: {  	v9 =	vld [tilespmem:s12+$0x0];
	p0 =	sne.s32 s11, $0x70;
	v7 =	vand.u32 $0x7800, v7;
	v8 =	vand.u32 $0xFFFFFC00, v8;
	v2 =	vadd.f32 v4, v2;
	s13 =	smov.u32 s11;
	s11 =	sadd.s32 $0x10, s11  }
.Ltmp1:
0x5d: {  	v4 =	vand.u32 $0x7F, v6;
	v6 =	vadd.s32 v7, v8;
	(pc) =	sbr.rel @p0 .LBB2_4-.Ltmp1, $4  }
0x5e: {  	v10 =	vsub.f32 $1.000000000e+00, v3;
	v4 =	vor.u32 v4, v6;
	v3 =	vld.idx.msk [tilespmem:v5+s8+$0x0], $0xffff  }
0x5f: {  	v7 =	vmov s13;
	v5 =	vor.u32 v1, v4  }
0x60: {  	v7 =	vshll.u32 v7, $0x8;
	v4 =	vmul.f32 v10, v10  }
0x61: {  	s12 =	sadd.s32 $0x10, s12;
	v7 =	vor.u32 v0, v7;
	v8 =	vshll.u32 v9, $0x3;
	v6 =	vmov v9  }
0x62: {  	v7 =	vand.u32 $0x7800, v7;
	v8 =	vand.u32 $0xFFFFFC00, v8  }
0x63: {  	v6 =	vand.u32 $0x7F, v6;
	v7 =	vadd.s32 v7, v8  }
0x64: {  	v6 =	vor.u32 v6, v7  }
0x65: {  	v6 =	vor.u32 v1, v6;
	_ =	sdelay $0x3  }
0x66: {  	v5 =	vld.idx.msk [tilespmem:v5+s8+$0x0], $0xffff  }
0x67: {  	v6 =	vld.idx.msk [tilespmem:v6+s8+$0x0], $0xffff;
	_ =	swait.ge [sflag:s7], $0x8000  }
0x68: {  	[sflag:s7] =	ssyncset.done $0x0  }
0x69: {  	s11 =	simm.s32 $0x0;
	s12 =	simm.s32 $0x100;
	[sflag:s7] =	ssyncadd.s32 $0xFFFF8000  }
0x6a: {  	[tilespmem:s8], [sflag:$0x2] =	stream.linear.gather [hbm4b:s3+s11], $0x8000, $0x38;
	[tilespmem:$0x10E80] =	vst v63  }
0x6b: {  	v7 =	vld [tilespmem:s12+$0x0];
	_ =	sdelay $0x2  }
0x6c: {  	v8 =	vmov s11  }
0x6d: {  	v8 =	vshll.u32 v8, $0x8  }
0x6e: {  	v8 =	vor.u32 v0, v8;
	s12 =	simm.s32 $0x110;
	v9 =	vshll.u32 v7, $0x3  }
0x6f: {  	v8 =	vand.u32 $0x7800, v8;
	v10 =	vld [tilespmem:s12+$0x0];
	v9 =	vand.u32 $0xFFFFFC00, v9  }
0x70: {  	v3 =	vsub.f32 $1.000000000e+00, v3;
	v7 =	vand.u32 $0x7F, v7;
	v8 =	vadd.s32 v8, v9  }
0x71: {  	s13 =	simm.s32 $0x10;
	v2 =	vadd.f32 v4, v2;
	v7 =	vor.u32 v7, v8  }
0x72: {  	v4 =	vmov s13;
	v3 =	vmul.f32 v3, v3;
	v7 =	vor.u32 v1, v7  }
0x73: {  	v4 =	vshll.u32 v4, $0x8;
	s12 =	simm.s32 $0x120  }
0x74: {  	v2 =	vadd.f32 v3, v2;
	v3 =	vor.u32 v0, v4;
	v4 =	vshll.u32 v10, $0x3;
	v8 =	vld [tilespmem:s12+$0x0]  }
0x75: {  	v5 =	vsub.f32 $1.000000000e+00, v5;
	v3 =	vand.u32 $0x7800, v3;
	v4 =	vand.u32 $0xFFFFFC00, v4  }
0x76: {  	s13 =	simm.s32 $0x20;
	v9 =	vand.u32 $0x7F, v10;
	v3 =	vadd.s32 v3, v4  }
0x77: {  	v5 =	vmul.f32 v5, v5;
	v3 =	vor.u32 v9, v3;
	v4 =	vld.idx.msk [tilespmem:v7+s6+$0x0], $0xffff;
	v7 =	vmov s13  }
0x78: {  	v10 =	vsub.f32 $1.000000000e+00, v6;
	v3 =	vor.u32 v1, v3;
	v6 =	vshll.u32 v7, $0x8  }
0x79: {  	s12 =	simm.s32 $0x130;
	v9 =	vshll.u32 v8, $0x3;
	v7 =	vor.u32 v0, v6  }
0x7a: {  	v2 =	vadd.f32 v5, v2;
	v6 =	vld [tilespmem:s12+$0x0];
	v5 =	vand.u32 $0x7800, v7;
	v7 =	vand.u32 $0xFFFFFC00, v9  }
0x7b: {  	v8 =	vand.u32 $0x7F, v8;
	v5 =	vadd.s32 v5, v7  }
0x7c: {  	s13 =	simm.s32 $0x30;
	v7 =	vmul.f32 v10, v10;
	v5 =	vor.u32 v8, v5;
	v4 =	vsub.f32 $1.000000000e+00, v4  }
0x7d: {  	v3 =	vld.idx.msk [tilespmem:v3+s6+$0x0], $0xffff;
	v8 =	vmov s13;
	v5 =	vor.u32 v1, v5  }
0x7e: {  	v2 =	vadd.f32 v7, v2;
	v7 =	vshll.u32 v8, $0x8;
	v4 =	vmul.f32 v4, v4  }
0x7f: {  	s11 =	simm.s32 $0x40;
	s12 =	simm.s32 $0x140;
	v7 =	vor.u32 v0, v7;
	v8 =	vshll.u32 v6, $0x3  }
.LBB2_6:
0x80: {  	v9 =	vld [tilespmem:s12+$0x0];
	p0 =	sne.s32 s11, $0x70;
	v7 =	vand.u32 $0x7800, v7;
	v8 =	vand.u32 $0xFFFFFC00, v8;
	v2 =	vadd.f32 v4, v2;
	s13 =	smov.u32 s11;
	s11 =	sadd.s32 $0x10, s11  }
.Ltmp2:
0x81: {  	v4 =	vand.u32 $0x7F, v6;
	v6 =	vadd.s32 v7, v8;
	(pc) =	sbr.rel @p0 .LBB2_6-.Ltmp2, $4  }
0x82: {  	v10 =	vsub.f32 $1.000000000e+00, v3;
	v4 =	vor.u32 v4, v6;
	v3 =	vld.idx.msk [tilespmem:v5+s6+$0x0], $0xffff  }
0x83: {  	v7 =	vmov s13;
	v5 =	vor.u32 v1, v4  }
0x84: {  	v7 =	vshll.u32 v7, $0x8;
	v4 =	vmul.f32 v10, v10  }
0x85: {  	s12 =	sadd.s32 $0x10, s12;
	v7 =	vor.u32 v0, v7;
	v8 =	vshll.u32 v9, $0x3;
	v6 =	vmov v9  }
0x86: {  	v7 =	vand.u32 $0x7800, v7;
	v8 =	vand.u32 $0xFFFFFC00, v8  }
0x87: {  	v6 =	vand.u32 $0x7F, v6;
	v7 =	vadd.s32 v7, v8  }
0x88: {  	v6 =	vor.u32 v6, v7  }
0x89: {  	v6 =	vor.u32 v1, v6;
	_ =	sdelay $0x3  }
0x8a: {  	v5 =	vld.idx.msk [tilespmem:v5+s6+$0x0], $0xffff  }
0x8b: {  	v6 =	vld.idx.msk [tilespmem:v6+s6+$0x0], $0xffff;
	_ =	swait.ge [sflag:s9], $0x8000  }
0x8c: {  	s11 =	simm.s32 $0x0;
	[sflag:s9] =	ssyncset.done $0x0  }
0x8d: {  	s13 =	simm.s32 $0x180;
	s12 =	rddreg [dreg:$0x4];
	[sflag:s9] =	ssyncadd.s32 $0xFFFF8000  }
0x8e: {  	[tilespmem:s6], [sflag:$0x1] =	stream.linear.gather [hbm4b:s12+s11], $0x8000, $0x38;
	[tilespmem:$0x10E80] =	vst v63  }
0x8f: {  	v7 =	vld [tilespmem:s13+$0x0];
	_ =	sdelay $0x2  }
0x90: {  	v8 =	vmov s11  }
0x91: {  	v8 =	vshll.u32 v8, $0x8  }
0x92: {  	v8 =	vor.u32 v0, v8;
	s12 =	simm.s32 $0x190;
	v9 =	vshll.u32 v7, $0x3  }
0x93: {  	v8 =	vand.u32 $0x7800, v8;
	v10 =	vld [tilespmem:s12+$0x0];
	v9 =	vand.u32 $0xFFFFFC00, v9  }
0x94: {  	v3 =	vsub.f32 $1.000000000e+00, v3;
	v7 =	vand.u32 $0x7F, v7;
	v8 =	vadd.s32 v8, v9  }
0x95: {  	v2 =	vadd.f32 v4, v2;
	s13 =	simm.s32 $0x10;
	v7 =	vor.u32 v7, v8  }
0x96: {  	v3 =	vmul.f32 v3, v3;
	v4 =	vmov s13;
	v7 =	vor.u32 v1, v7  }
0x97: {  	s12 =	simm.s32 $0x1A0;
	v4 =	vshll.u32 v4, $0x8  }
0x98: {  	v2 =	vadd.f32 v3, v2;
	v3 =	vor.u32 v0, v4;
	v4 =	vshll.u32 v10, $0x3;
	v8 =	vld [tilespmem:s12+$0x0]  }
0x99: {  	v5 =	vsub.f32 $1.000000000e+00, v5;
	v3 =	vand.u32 $0x7800, v3;
	v4 =	vand.u32 $0xFFFFFC00, v4  }
0x9a: {  	s13 =	simm.s32 $0x20;
	v9 =	vand.u32 $0x7F, v10;
	v3 =	vadd.s32 v3, v4  }
0x9b: {  	v5 =	vmul.f32 v5, v5;
	v3 =	vor.u32 v9, v3;
	v4 =	vld.idx.msk [tilespmem:v7+s8+$0x0], $0xffff;
	v7 =	vmov s13  }
0x9c: {  	v10 =	vsub.f32 $1.000000000e+00, v6;
	v3 =	vor.u32 v1, v3;
	v6 =	vshll.u32 v7, $0x8  }
0x9d: {  	s12 =	simm.s32 $0x1B0;
	v9 =	vshll.u32 v8, $0x3;
	v7 =	vor.u32 v0, v6  }
0x9e: {  	v2 =	vadd.f32 v5, v2;
	v6 =	vld [tilespmem:s12+$0x0];
	v5 =	vand.u32 $0x7800, v7;
	v7 =	vand.u32 $0xFFFFFC00, v9  }
0x9f: {  	v8 =	vand.u32 $0x7F, v8;
	v5 =	vadd.s32 v5, v7  }
0xa0: {  	s13 =	simm.s32 $0x30;
	v7 =	vmul.f32 v10, v10;
	v5 =	vor.u32 v8, v5;
	v4 =	vsub.f32 $1.000000000e+00, v4  }
0xa1: {  	v3 =	vld.idx.msk [tilespmem:v3+s8+$0x0], $0xffff;
	v8 =	vmov s13;
	v5 =	vor.u32 v1, v5  }
0xa2: {  	v2 =	vadd.f32 v7, v2;
	v7 =	vshll.u32 v8, $0x8;
	v4 =	vmul.f32 v4, v4  }
0xa3: {  	s11 =	simm.s32 $0x40;
	s12 =	simm.s32 $0x1C0;
	v7 =	vor.u32 v0, v7;
	v8 =	vshll.u32 v6, $0x3  }
.LBB2_8:
0xa4: {  	v9 =	vld [tilespmem:s12+$0x0];
	p0 =	sne.s32 s11, $0x70;
	v7 =	vand.u32 $0x7800, v7;
	v8 =	vand.u32 $0xFFFFFC00, v8;
	v2 =	vadd.f32 v4, v2;
	s13 =	smov.u32 s11;
	s11 =	sadd.s32 $0x10, s11  }
.Ltmp3:
0xa5: {  	v4 =	vand.u32 $0x7F, v6;
	v6 =	vadd.s32 v7, v8;
	(pc) =	sbr.rel @p0 .LBB2_8-.Ltmp3, $4  }
0xa6: {  	v10 =	vsub.f32 $1.000000000e+00, v3;
	v4 =	vor.u32 v4, v6;
	v3 =	vld.idx.msk [tilespmem:v5+s8+$0x0], $0xffff  }
0xa7: {  	v7 =	vmov s13;
	v5 =	vor.u32 v1, v4  }
0xa8: {  	v7 =	vshll.u32 v7, $0x8;
	v4 =	vmul.f32 v10, v10  }
0xa9: {  	s12 =	sadd.s32 $0x10, s12;
	v7 =	vor.u32 v0, v7;
	v8 =	vshll.u32 v9, $0x3;
	v6 =	vmov v9  }
0xaa: {  	v7 =	vand.u32 $0x7800, v7;
	v8 =	vand.u32 $0xFFFFFC00, v8  }
0xab: {  	v6 =	vand.u32 $0x7F, v6;
	v7 =	vadd.s32 v7, v8  }
0xac: {  	v6 =	vor.u32 v6, v7  }
0xad: {  	v6 =	vor.u32 v1, v6;
	_ =	sdelay $0x3  }
0xae: {  	v5 =	vld.idx.msk [tilespmem:v5+s8+$0x0], $0xffff  }
0xaf: {  	v6 =	vld.idx.msk [tilespmem:v6+s8+$0x0], $0xffff;
	_ =	swait.ge [sflag:s7], $0x8000  }
0xb0: {  	s11 =	simm.s32 $0x0;
	[sflag:s7] =	ssyncset.done $0x0  }
0xb1: {  	s13 =	simm.s32 $0x200;
	s12 =	rddreg [dreg:$0x5];
	[sflag:s7] =	ssyncadd.s32 $0xFFFF8000  }
0xb2: {  	[tilespmem:s8], [sflag:$0x2] =	stream.linear.gather [hbm4b:s12+s11], $0x8000, $0x38;
	[tilespmem:$0x10E80] =	vst v63  }
0xb3: {  	v7 =	vld [tilespmem:s13+$0x0];
	_ =	sdelay $0x2  }
0xb4: {  	v8 =	vmov s11  }
0xb5: {  	v8 =	vshll.u32 v8, $0x8  }
0xb6: {  	v8 =	vor.u32 v0, v8;
	s12 =	simm.s32 $0x210;
	v9 =	vshll.u32 v7, $0x3  }
0xb7: {  	v8 =	vand.u32 $0x7800, v8;
	v10 =	vld [tilespmem:s12+$0x0];
	v9 =	vand.u32 $0xFFFFFC00, v9  }
0xb8: {  	v3 =	vsub.f32 $1.000000000e+00, v3;
	v7 =	vand.u32 $0x7F, v7;
	v8 =	vadd.s32 v8, v9  }
0xb9: {  	v2 =	vadd.f32 v4, v2;
	s13 =	simm.s32 $0x10;
	v7 =	vor.u32 v7, v8  }
0xba: {  	v3 =	vmul.f32 v3, v3;
	v4 =	vmov s13;
	v7 =	vor.u32 v1, v7  }
0xbb: {  	s12 =	simm.s32 $0x220;
	v4 =	vshll.u32 v4, $0x8  }
0xbc: {  	v2 =	vadd.f32 v3, v2;
	v3 =	vor.u32 v0, v4;
	v4 =	vshll.u32 v10, $0x3;
	v8 =	vld [tilespmem:s12+$0x0]  }
0xbd: {  	v5 =	vsub.f32 $1.000000000e+00, v5;
	v3 =	vand.u32 $0x7800, v3;
	v4 =	vand.u32 $0xFFFFFC00, v4  }
0xbe: {  	s13 =	simm.s32 $0x20;
	v9 =	vand.u32 $0x7F, v10;
	v3 =	vadd.s32 v3, v4  }
0xbf: {  	v5 =	vmul.f32 v5, v5;
	v3 =	vor.u32 v9, v3;
	v4 =	vld.idx.msk [tilespmem:v7+s6+$0x0], $0xffff;
	v7 =	vmov s13  }
0xc0: {  	v10 =	vsub.f32 $1.000000000e+00, v6;
	v3 =	vor.u32 v1, v3;
	v6 =	vshll.u32 v7, $0x8  }
0xc1: {  	s12 =	simm.s32 $0x230;
	v9 =	vshll.u32 v8, $0x3;
	v7 =	vor.u32 v0, v6  }
0xc2: {  	v2 =	vadd.f32 v5, v2;
	v6 =	vld [tilespmem:s12+$0x0];
	v5 =	vand.u32 $0x7800, v7;
	v7 =	vand.u32 $0xFFFFFC00, v9  }
0xc3: {  	v8 =	vand.u32 $0x7F, v8;
	v5 =	vadd.s32 v5, v7  }
0xc4: {  	s13 =	simm.s32 $0x30;
	v7 =	vmul.f32 v10, v10;
	v5 =	vor.u32 v8, v5;
	v4 =	vsub.f32 $1.000000000e+00, v4  }
0xc5: {  	v3 =	vld.idx.msk [tilespmem:v3+s6+$0x0], $0xffff;
	v8 =	vmov s13;
	v5 =	vor.u32 v1, v5  }
0xc6: {  	v2 =	vadd.f32 v7, v2;
	v7 =	vshll.u32 v8, $0x8;
	v4 =	vmul.f32 v4, v4  }
0xc7: {  	s11 =	simm.s32 $0x40;
	s12 =	simm.s32 $0x240;
	v7 =	vor.u32 v0, v7;
	v8 =	vshll.u32 v6, $0x3  }
.LBB2_10:
0xc8: {  	v9 =	vld [tilespmem:s12+$0x0];
	p0 =	sne.s32 s11, $0x70;
	v7 =	vand.u32 $0x7800, v7;
	v8 =	vand.u32 $0xFFFFFC00, v8;
	v2 =	vadd.f32 v4, v2;
	s13 =	smov.u32 s11;
	s11 =	sadd.s32 $0x10, s11  }
.Ltmp4:
0xc9: {  	v4 =	vand.u32 $0x7F, v6;
	v6 =	vadd.s32 v7, v8;
	(pc) =	sbr.rel @p0 .LBB2_10-.Ltmp4, $4  }
0xca: {  	v10 =	vsub.f32 $1.000000000e+00, v3;
	v4 =	vor.u32 v4, v6;
	v3 =	vld.idx.msk [tilespmem:v5+s6+$0x0], $0xffff  }
0xcb: {  	v7 =	vmov s13;
	v5 =	vor.u32 v1, v4  }
0xcc: {  	v7 =	vshll.u32 v7, $0x8;
	v4 =	vmul.f32 v10, v10  }
0xcd: {  	s12 =	sadd.s32 $0x10, s12;
	v7 =	vor.u32 v0, v7;
	v8 =	vshll.u32 v9, $0x3;
	v6 =	vmov v9  }
0xce: {  	v7 =	vand.u32 $0x7800, v7;
	v8 =	vand.u32 $0xFFFFFC00, v8  }
0xcf: {  	v6 =	vand.u32 $0x7F, v6;
	v7 =	vadd.s32 v7, v8  }
0xd0: {  	v6 =	vor.u32 v6, v7  }
0xd1: {  	v6 =	vor.u32 v1, v6;
	_ =	sdelay $0x3  }
0xd2: {  	v5 =	vld.idx.msk [tilespmem:v5+s6+$0x0], $0xffff  }
0xd3: {  	v6 =	vld.idx.msk [tilespmem:v6+s6+$0x0], $0xffff;
	_ =	swait.ge [sflag:s9], $0x8000  }
0xd4: {  	s11 =	simm.s32 $0x0;
	[sflag:s9] =	ssyncset.done $0x0  }
0xd5: {  	s13 =	simm.s32 $0x280;
	s12 =	rddreg [dreg:$0x6];
	[sflag:s9] =	ssyncadd.s32 $0xFFFF8000  }
0xd6: {  	[tilespmem:s6], [sflag:$0x1] =	stream.linear.gather [hbm4b:s12+s11], $0x8000, $0x38;
	[tilespmem:$0x10E80] =	vst v63  }
0xd7: {  	v7 =	vld [tilespmem:s13+$0x0];
	_ =	sdelay $0x2  }
0xd8: {  	v8 =	vmov s11  }
0xd9: {  	v8 =	vshll.u32 v8, $0x8  }
0xda: {  	v8 =	vor.u32 v0, v8;
	s12 =	simm.s32 $0x290;
	v9 =	vshll.u32 v7, $0x3  }
0xdb: {  	v8 =	vand.u32 $0x7800, v8;
	v10 =	vld [tilespmem:s12+$0x0];
	v9 =	vand.u32 $0xFFFFFC00, v9  }
0xdc: {  	v3 =	vsub.f32 $1.000000000e+00, v3;
	v7 =	vand.u32 $0x7F, v7;
	v8 =	vadd.s32 v8, v9  }
0xdd: {  	v2 =	vadd.f32 v4, v2;
	s13 =	simm.s32 $0x10;
	v7 =	vor.u32 v7, v8  }
0xde: {  	v3 =	vmul.f32 v3, v3;
	v4 =	vmov s13;
	v7 =	vor.u32 v1, v7  }
0xdf: {  	s12 =	simm.s32 $0x2A0;
	v4 =	vshll.u32 v4, $0x8  }
0xe0: {  	v2 =	vadd.f32 v3, v2;
	v3 =	vor.u32 v0, v4;
	v4 =	vshll.u32 v10, $0x3;
	v8 =	vld [tilespmem:s12+$0x0]  }
0xe1: {  	v5 =	vsub.f32 $1.000000000e+00, v5;
	v3 =	vand.u32 $0x7800, v3;
	v4 =	vand.u32 $0xFFFFFC00, v4  }
0xe2: {  	s13 =	simm.s32 $0x20;
	v9 =	vand.u32 $0x7F, v10;
	v3 =	vadd.s32 v3, v4  }
0xe3: {  	v5 =	vmul.f32 v5, v5;
	v3 =	vor.u32 v9, v3;
	v4 =	vld.idx.msk [tilespmem:v7+s8+$0x0], $0xffff;
	v7 =	vmov s13  }
0xe4: {  	v10 =	vsub.f32 $1.000000000e+00, v6;
	v3 =	vor.u32 v1, v3;
	v6 =	vshll.u32 v7, $0x8  }
0xe5: {  	s12 =	simm.s32 $0x2B0;
	v9 =	vshll.u32 v8, $0x3;
	v7 =	vor.u32 v0, v6  }
0xe6: {  	v2 =	vadd.f32 v5, v2;
	v6 =	vld [tilespmem:s12+$0x0];
	v5 =	vand.u32 $0x7800, v7;
	v7 =	vand.u32 $0xFFFFFC00, v9  }
0xe7: {  	v8 =	vand.u32 $0x7F, v8;
	v5 =	vadd.s32 v5, v7  }
0xe8: {  	s13 =	simm.s32 $0x30;
	v7 =	vmul.f32 v10, v10;
	v5 =	vor.u32 v8, v5;
	v4 =	vsub.f32 $1.000000000e+00, v4  }
0xe9: {  	v3 =	vld.idx.msk [tilespmem:v3+s8+$0x0], $0xffff;
	v8 =	vmov s13;
	v5 =	vor.u32 v1, v5  }
0xea: {  	v2 =	vadd.f32 v7, v2;
	v7 =	vshll.u32 v8, $0x8;
	v4 =	vmul.f32 v4, v4  }
0xeb: {  	s11 =	simm.s32 $0x40;
	s12 =	simm.s32 $0x2C0;
	v7 =	vor.u32 v0, v7;
	v8 =	vshll.u32 v6, $0x3  }
.LBB2_12:
0xec: {  	v9 =	vld [tilespmem:s12+$0x0];
	p0 =	sne.s32 s11, $0x70;
	v7 =	vand.u32 $0x7800, v7;
	v8 =	vand.u32 $0xFFFFFC00, v8;
	v2 =	vadd.f32 v4, v2;
	s13 =	smov.u32 s11;
	s11 =	sadd.s32 $0x10, s11  }
.Ltmp5:
0xed: {  	v4 =	vand.u32 $0x7F, v6;
	v6 =	vadd.s32 v7, v8;
	(pc) =	sbr.rel @p0 .LBB2_12-.Ltmp5, $4  }
0xee: {  	v10 =	vsub.f32 $1.000000000e+00, v3;
	v4 =	vor.u32 v4, v6;
	v3 =	vld.idx.msk [tilespmem:v5+s8+$0x0], $0xffff  }
0xef: {  	v7 =	vmov s13;
	v5 =	vor.u32 v1, v4  }
0xf0: {  	v7 =	vshll.u32 v7, $0x8;
	v4 =	vmul.f32 v10, v10  }
0xf1: {  	s12 =	sadd.s32 $0x10, s12;
	v7 =	vor.u32 v0, v7;
	v8 =	vshll.u32 v9, $0x3;
	v6 =	vmov v9  }
0xf2: {  	v7 =	vand.u32 $0x7800, v7;
	v8 =	vand.u32 $0xFFFFFC00, v8  }
0xf3: {  	v6 =	vand.u32 $0x7F, v6;
	v7 =	vadd.s32 v7, v8  }
0xf4: {  	v6 =	vor.u32 v6, v7  }
0xf5: {  	v6 =	vor.u32 v1, v6;
	_ =	sdelay $0x3  }
0xf6: {  	v5 =	vld.idx.msk [tilespmem:v5+s8+$0x0], $0xffff  }
0xf7: {  	v6 =	vld.idx.msk [tilespmem:v6+s8+$0x0], $0xffff;
	_ =	swait.ge [sflag:s7], $0x8000  }
0xf8: {  	s11 =	simm.s32 $0x0;
	[sflag:s7] =	ssyncset.done $0x0  }
0xf9: {  	s13 =	simm.s32 $0x300;
	s12 =	rddreg [dreg:$0x7];
	[sflag:s7] =	ssyncadd.s32 $0xFFFF8000  }
0xfa: {  	[tilespmem:s8], [sflag:$0x2] =	stream.linear.gather [hbm4b:s12+s11], $0x8000, $0x38;
	[tilespmem:$0x10E80] =	vst v63  }
0xfb: {  	v7 =	vld [tilespmem:s13+$0x0];
	_ =	sdelay $0x2  }
0xfc: {  	v8 =	vmov s11  }
0xfd: {  	v8 =	vshll.u32 v8, $0x8  }
0xfe: {  	v8 =	vor.u32 v0, v8;
	s12 =	simm.s32 $0x310;
	v9 =	vshll.u32 v7, $0x3  }
0xff: {  	v8 =	vand.u32 $0x7800, v8;
	v10 =	vld [tilespmem:s12+$0x0];
	v9 =	vand.u32 $0xFFFFFC00, v9  }
0x100: {  	v3 =	vsub.f32 $1.000000000e+00, v3;
	v7 =	vand.u32 $0x7F, v7;
	v8 =	vadd.s32 v8, v9  }
0x101: {  	v2 =	vadd.f32 v4, v2;
	s13 =	simm.s32 $0x10;
	v7 =	vor.u32 v7, v8  }
0x102: {  	v3 =	vmul.f32 v3, v3;
	v4 =	vmov s13;
	v7 =	vor.u32 v1, v7  }
0x103: {  	s12 =	simm.s32 $0x320;
	v4 =	vshll.u32 v4, $0x8  }
0x104: {  	v2 =	vadd.f32 v3, v2;
	v3 =	vor.u32 v0, v4;
	v4 =	vshll.u32 v10, $0x3;
	v8 =	vld [tilespmem:s12+$0x0]  }
0x105: {  	v5 =	vsub.f32 $1.000000000e+00, v5;
	v3 =	vand.u32 $0x7800, v3;
	v4 =	vand.u32 $0xFFFFFC00, v4  }
0x106: {  	s13 =	simm.s32 $0x20;
	v9 =	vand.u32 $0x7F, v10;
	v3 =	vadd.s32 v3, v4  }
0x107: {  	v5 =	vmul.f32 v5, v5;
	v3 =	vor.u32 v9, v3;
	v4 =	vld.idx.msk [tilespmem:v7+s6+$0x0], $0xffff;
	v7 =	vmov s13  }
0x108: {  	v10 =	vsub.f32 $1.000000000e+00, v6;
	v3 =	vor.u32 v1, v3;
	v6 =	vshll.u32 v7, $0x8  }
0x109: {  	s12 =	simm.s32 $0x330;
	v9 =	vshll.u32 v8, $0x3;
	v7 =	vor.u32 v0, v6  }
0x10a: {  	v2 =	vadd.f32 v5, v2;
	v6 =	vld [tilespmem:s12+$0x0];
	v5 =	vand.u32 $0x7800, v7;
	v7 =	vand.u32 $0xFFFFFC00, v9  }
0x10b: {  	v8 =	vand.u32 $0x7F, v8;
	v5 =	vadd.s32 v5, v7  }
0x10c: {  	s13 =	simm.s32 $0x30;
	v7 =	vmul.f32 v10, v10;
	v5 =	vor.u32 v8, v5;
	v4 =	vsub.f32 $1.000000000e+00, v4  }
0x10d: {  	v3 =	vld.idx.msk [tilespmem:v3+s6+$0x0], $0xffff;
	v8 =	vmov s13;
	v5 =	vor.u32 v1, v5  }
0x10e: {  	v2 =	vadd.f32 v7, v2;
	v7 =	vshll.u32 v8, $0x8;
	v4 =	vmul.f32 v4, v4  }
0x10f: {  	s11 =	simm.s32 $0x40;
	s12 =	simm.s32 $0x340;
	v7 =	vor.u32 v0, v7;
	v8 =	vshll.u32 v6, $0x3  }
.LBB2_14:
0x110: {  	v9 =	vld [tilespmem:s12+$0x0];
	p0 =	sne.s32 s11, $0x70;
	v7 =	vand.u32 $0x7800, v7;
	v8 =	vand.u32 $0xFFFFFC00, v8;
	v2 =	vadd.f32 v4, v2;
	s13 =	smov.u32 s11;
	s11 =	sadd.s32 $0x10, s11  }
.Ltmp6:
0x111: {  	v4 =	vand.u32 $0x7F, v6;
	v6 =	vadd.s32 v7, v8;
	(pc) =	sbr.rel @p0 .LBB2_14-.Ltmp6, $4  }
0x112: {  	v10 =	vsub.f32 $1.000000000e+00, v3;
	v4 =	vor.u32 v4, v6;
	v3 =	vld.idx.msk [tilespmem:v5+s6+$0x0], $0xffff  }
0x113: {  	v7 =	vmov s13;
	v5 =	vor.u32 v1, v4  }
0x114: {  	v7 =	vshll.u32 v7, $0x8;
	v4 =	vmul.f32 v10, v10  }
0x115: {  	s12 =	sadd.s32 $0x10, s12;
	v7 =	vor.u32 v0, v7;
	v8 =	vshll.u32 v9, $0x3;
	v6 =	vmov v9  }
0x116: {  	v7 =	vand.u32 $0x7800, v7;
	v8 =	vand.u32 $0xFFFFFC00, v8  }
0x117: {  	v6 =	vand.u32 $0x7F, v6;
	v7 =	vadd.s32 v7, v8  }
0x118: {  	v6 =	vor.u32 v6, v7  }
0x119: {  	v6 =	vor.u32 v1, v6;
	_ =	sdelay $0x3  }
0x11a: {  	v5 =	vld.idx.msk [tilespmem:v5+s6+$0x0], $0xffff  }
0x11b: {  	v6 =	vld.idx.msk [tilespmem:v6+s6+$0x0], $0xffff;
	_ =	swait.ge [sflag:s9], $0x8000  }
0x11c: {  	s11 =	simm.s32 $0x0;
	[sflag:s9] =	ssyncset.done $0x0  }
0x11d: {  	s13 =	simm.s32 $0x380;
	s12 =	rddreg [dreg:$0x8];
	[sflag:s9] =	ssyncadd.s32 $0xFFFF8000  }
0x11e: {  	[tilespmem:s6], [sflag:$0x1] =	stream.linear.gather [hbm4b:s12+s11], $0x8000, $0x38;
	[tilespmem:$0x10E80] =	vst v63  }
0x11f: {  	v7 =	vld [tilespmem:s13+$0x0];
	_ =	sdelay $0x2  }
0x120: {  	v8 =	vmov s11  }
0x121: {  	v8 =	vshll.u32 v8, $0x8  }
0x122: {  	v8 =	vor.u32 v0, v8;
	s12 =	simm.s32 $0x390;
	v9 =	vshll.u32 v7, $0x3  }
0x123: {  	v8 =	vand.u32 $0x7800, v8;
	v10 =	vld [tilespmem:s12+$0x0];
	v9 =	vand.u32 $0xFFFFFC00, v9  }
0x124: {  	v3 =	vsub.f32 $1.000000000e+00, v3;
	v7 =	vand.u32 $0x7F, v7;
	v8 =	vadd.s32 v8, v9  }
0x125: {  	v2 =	vadd.f32 v4, v2;
	s13 =	simm.s32 $0x10;
	v7 =	vor.u32 v7, v8  }
0x126: {  	v3 =	vmul.f32 v3, v3;
	v4 =	vmov s13;
	v7 =	vor.u32 v1, v7  }
0x127: {  	s12 =	simm.s32 $0x3A0;
	v4 =	vshll.u32 v4, $0x8  }
0x128: {  	v2 =	vadd.f32 v3, v2;
	v3 =	vor.u32 v0, v4;
	v4 =	vshll.u32 v10, $0x3;
	v8 =	vld [tilespmem:s12+$0x0]  }
0x129: {  	v5 =	vsub.f32 $1.000000000e+00, v5;
	v3 =	vand.u32 $0x7800, v3;
	v4 =	vand.u32 $0xFFFFFC00, v4  }
0x12a: {  	s13 =	simm.s32 $0x20;
	v9 =	vand.u32 $0x7F, v10;
	v3 =	vadd.s32 v3, v4  }
0x12b: {  	v5 =	vmul.f32 v5, v5;
	v3 =	vor.u32 v9, v3;
	v4 =	vld.idx.msk [tilespmem:v7+s8+$0x0], $0xffff;
	v7 =	vmov s13  }
0x12c: {  	v10 =	vsub.f32 $1.000000000e+00, v6;
	v3 =	vor.u32 v1, v3;
	v6 =	vshll.u32 v7, $0x8  }
0x12d: {  	s12 =	simm.s32 $0x3B0;
	v9 =	vshll.u32 v8, $0x3;
	v7 =	vor.u32 v0, v6  }
0x12e: {  	v2 =	vadd.f32 v5, v2;
	v6 =	vld [tilespmem:s12+$0x0];
	v5 =	vand.u32 $0x7800, v7;
	v7 =	vand.u32 $0xFFFFFC00, v9  }
0x12f: {  	v8 =	vand.u32 $0x7F, v8;
	v5 =	vadd.s32 v5, v7  }
0x130: {  	s13 =	simm.s32 $0x30;
	v7 =	vmul.f32 v10, v10;
	v5 =	vor.u32 v8, v5;
	v4 =	vsub.f32 $1.000000000e+00, v4  }
0x131: {  	v3 =	vld.idx.msk [tilespmem:v3+s8+$0x0], $0xffff;
	v8 =	vmov s13;
	v5 =	vor.u32 v1, v5  }
0x132: {  	v2 =	vadd.f32 v7, v2;
	v7 =	vshll.u32 v8, $0x8;
	v4 =	vmul.f32 v4, v4  }
0x133: {  	s11 =	simm.s32 $0x40;
	s12 =	simm.s32 $0x3C0;
	v7 =	vor.u32 v0, v7;
	v8 =	vshll.u32 v6, $0x3  }
.LBB2_16:
0x134: {  	v9 =	vld [tilespmem:s12+$0x0];
	p0 =	sne.s32 s11, $0x70;
	v7 =	vand.u32 $0x7800, v7;
	v8 =	vand.u32 $0xFFFFFC00, v8;
	v2 =	vadd.f32 v4, v2;
	s13 =	smov.u32 s11;
	s11 =	sadd.s32 $0x10, s11  }
.Ltmp7:
0x135: {  	v4 =	vand.u32 $0x7F, v6;
	v6 =	vadd.s32 v7, v8;
	(pc) =	sbr.rel @p0 .LBB2_16-.Ltmp7, $4  }
0x136: {  	v10 =	vsub.f32 $1.000000000e+00, v3;
	v4 =	vor.u32 v4, v6;
	v3 =	vld.idx.msk [tilespmem:v5+s8+$0x0], $0xffff  }
0x137: {  	v7 =	vmov s13;
	v5 =	vor.u32 v1, v4  }
0x138: {  	v7 =	vshll.u32 v7, $0x8;
	v4 =	vmul.f32 v10, v10  }
0x139: {  	s12 =	sadd.s32 $0x10, s12;
	v7 =	vor.u32 v0, v7;
	v8 =	vshll.u32 v9, $0x3;
	v6 =	vmov v9  }
0x13a: {  	v7 =	vand.u32 $0x7800, v7;
	v8 =	vand.u32 $0xFFFFFC00, v8  }
0x13b: {  	v6 =	vand.u32 $0x7F, v6;
	v7 =	vadd.s32 v7, v8  }
0x13c: {  	v6 =	vor.u32 v6, v7  }
0x13d: {  	v6 =	vor.u32 v1, v6;
	_ =	sdelay $0x3  }
0x13e: {  	v5 =	vld.idx.msk [tilespmem:v5+s8+$0x0], $0xffff  }
0x13f: {  	v6 =	vld.idx.msk [tilespmem:v6+s8+$0x0], $0xffff;
	_ =	swait.ge [sflag:s7], $0x8000  }
0x140: {  	s11 =	simm.s32 $0x0;
	[sflag:s7] =	ssyncset.done $0x0  }
0x141: {  	s13 =	simm.s32 $0x400;
	s12 =	rddreg [dreg:$0x9];
	[sflag:s7] =	ssyncadd.s32 $0xFFFF8000  }
0x142: {  	[tilespmem:s8], [sflag:$0x2] =	stream.linear.gather [hbm4b:s12+s11], $0x8000, $0x38;
	[tilespmem:$0x10E80] =	vst v63  }
0x143: {  	v7 =	vld [tilespmem:s13+$0x0];
	_ =	sdelay $0x2  }
0x144: {  	v8 =	vmov s11  }
0x145: {  	v8 =	vshll.u32 v8, $0x8  }
0x146: {  	v8 =	vor.u32 v0, v8;
	s12 =	simm.s32 $0x410;
	v9 =	vshll.u32 v7, $0x3  }
0x147: {  	v8 =	vand.u32 $0x7800, v8;
	v10 =	vld [tilespmem:s12+$0x0];
	v9 =	vand.u32 $0xFFFFFC00, v9  }
0x148: {  	v3 =	vsub.f32 $1.000000000e+00, v3;
	v7 =	vand.u32 $0x7F, v7;
	v8 =	vadd.s32 v8, v9  }
0x149: {  	v2 =	vadd.f32 v4, v2;
	s13 =	simm.s32 $0x10;
	v7 =	vor.u32 v7, v8  }
0x14a: {  	v3 =	vmul.f32 v3, v3;
	v4 =	vmov s13;
	v7 =	vor.u32 v1, v7  }
0x14b: {  	s12 =	simm.s32 $0x420;
	v4 =	vshll.u32 v4, $0x8  }
0x14c: {  	v2 =	vadd.f32 v3, v2;
	v3 =	vor.u32 v0, v4;
	v4 =	vshll.u32 v10, $0x3;
	v8 =	vld [tilespmem:s12+$0x0]  }
0x14d: {  	v5 =	vsub.f32 $1.000000000e+00, v5;
	v3 =	vand.u32 $0x7800, v3;
	v4 =	vand.u32 $0xFFFFFC00, v4  }
0x14e: {  	s13 =	simm.s32 $0x20;
	v9 =	vand.u32 $0x7F, v10;
	v3 =	vadd.s32 v3, v4  }
0x14f: {  	v5 =	vmul.f32 v5, v5;
	v3 =	vor.u32 v9, v3;
	v4 =	vld.idx.msk [tilespmem:v7+s6+$0x0], $0xffff;
	v7 =	vmov s13  }
0x150: {  	v10 =	vsub.f32 $1.000000000e+00, v6;
	v3 =	vor.u32 v1, v3;
	v6 =	vshll.u32 v7, $0x8  }
0x151: {  	s12 =	simm.s32 $0x430;
	v9 =	vshll.u32 v8, $0x3;
	v7 =	vor.u32 v0, v6  }
0x152: {  	v2 =	vadd.f32 v5, v2;
	v6 =	vld [tilespmem:s12+$0x0];
	v5 =	vand.u32 $0x7800, v7;
	v7 =	vand.u32 $0xFFFFFC00, v9  }
0x153: {  	v8 =	vand.u32 $0x7F, v8;
	v5 =	vadd.s32 v5, v7  }
0x154: {  	s13 =	simm.s32 $0x30;
	v7 =	vmul.f32 v10, v10;
	v5 =	vor.u32 v8, v5;
	v4 =	vsub.f32 $1.000000000e+00, v4  }
0x155: {  	v3 =	vld.idx.msk [tilespmem:v3+s6+$0x0], $0xffff;
	v8 =	vmov s13;
	v5 =	vor.u32 v1, v5  }
0x156: {  	v2 =	vadd.f32 v7, v2;
	v7 =	vshll.u32 v8, $0x8;
	v4 =	vmul.f32 v4, v4  }
0x157: {  	s11 =	simm.s32 $0x40;
	s12 =	simm.s32 $0x440;
	v7 =	vor.u32 v0, v7;
	v8 =	vshll.u32 v6, $0x3  }
.LBB2_18:
0x158: {  	v9 =	vld [tilespmem:s12+$0x0];
	p0 =	sne.s32 s11, $0x70;
	v7 =	vand.u32 $0x7800, v7;
	v8 =	vand.u32 $0xFFFFFC00, v8;
	v2 =	vadd.f32 v4, v2;
	s13 =	smov.u32 s11;
	s11 =	sadd.s32 $0x10, s11  }
.Ltmp8:
0x159: {  	v4 =	vand.u32 $0x7F, v6;
	v6 =	vadd.s32 v7, v8;
	(pc) =	sbr.rel @p0 .LBB2_18-.Ltmp8, $4  }
0x15a: {  	v10 =	vsub.f32 $1.000000000e+00, v3;
	v4 =	vor.u32 v4, v6;
	v3 =	vld.idx.msk [tilespmem:v5+s6+$0x0], $0xffff  }
0x15b: {  	v7 =	vmov s13;
	v5 =	vor.u32 v1, v4  }
0x15c: {  	v7 =	vshll.u32 v7, $0x8;
	v4 =	vmul.f32 v10, v10  }
0x15d: {  	s12 =	sadd.s32 $0x10, s12;
	v7 =	vor.u32 v0, v7;
	v8 =	vshll.u32 v9, $0x3;
	v6 =	vmov v9  }
0x15e: {  	v7 =	vand.u32 $0x7800, v7;
	v8 =	vand.u32 $0xFFFFFC00, v8  }
0x15f: {  	v6 =	vand.u32 $0x7F, v6;
	v7 =	vadd.s32 v7, v8  }
0x160: {  	v6 =	vor.u32 v6, v7  }
0x161: {  	v6 =	vor.u32 v1, v6;
	_ =	sdelay $0x3  }
0x162: {  	v5 =	vld.idx.msk [tilespmem:v5+s6+$0x0], $0xffff  }
0x163: {  	v6 =	vld.idx.msk [tilespmem:v6+s6+$0x0], $0xffff;
	_ =	swait.ge [sflag:s9], $0x8000  }
0x164: {  	s11 =	simm.s32 $0x0;
	[sflag:s9] =	ssyncset.done $0x0  }
0x165: {  	s13 =	simm.s32 $0x480;
	s12 =	rddreg [dreg:$0xa];
	[sflag:s9] =	ssyncadd.s32 $0xFFFF8000  }
0x166: {  	[tilespmem:s6], [sflag:$0x1] =	stream.linear.gather [hbm4b:s12+s11], $0x8000, $0x38;
	[tilespmem:$0x10E80] =	vst v63  }
0x167: {  	v7 =	vld [tilespmem:s13+$0x0];
	_ =	sdelay $0x2  }
0x168: {  	v8 =	vmov s11  }
0x169: {  	v8 =	vshll.u32 v8, $0x8  }
0x16a: {  	v8 =	vor.u32 v0, v8;
	s12 =	simm.s32 $0x490;
	v9 =	vshll.u32 v7, $0x3  }
0x16b: {  	v8 =	vand.u32 $0x7800, v8;
	v10 =	vld [tilespmem:s12+$0x0];
	v9 =	vand.u32 $0xFFFFFC00, v9  }
0x16c: {  	v3 =	vsub.f32 $1.000000000e+00, v3;
	v7 =	vand.u32 $0x7F, v7;
	v8 =	vadd.s32 v8, v9  }
0x16d: {  	v2 =	vadd.f32 v4, v2;
	s13 =	simm.s32 $0x10;
	v7 =	vor.u32 v7, v8  }
0x16e: {  	v3 =	vmul.f32 v3, v3;
	v4 =	vmov s13;
	v7 =	vor.u32 v1, v7  }
0x16f: {  	s12 =	simm.s32 $0x4A0;
	v4 =	vshll.u32 v4, $0x8  }
0x170: {  	v2 =	vadd.f32 v3, v2;
	v3 =	vor.u32 v0, v4;
	v4 =	vshll.u32 v10, $0x3;
	v8 =	vld [tilespmem:s12+$0x0]  }
0x171: {  	v5 =	vsub.f32 $1.000000000e+00, v5;
	v3 =	vand.u32 $0x7800, v3;
	v4 =	vand.u32 $0xFFFFFC00, v4  }
0x172: {  	s13 =	simm.s32 $0x20;
	v9 =	vand.u32 $0x7F, v10;
	v3 =	vadd.s32 v3, v4  }
0x173: {  	v5 =	vmul.f32 v5, v5;
	v3 =	vor.u32 v9, v3;
	v4 =	vld.idx.msk [tilespmem:v7+s8+$0x0], $0xffff;
	v7 =	vmov s13  }
0x174: {  	v10 =	vsub.f32 $1.000000000e+00, v6;
	v3 =	vor.u32 v1, v3;
	v6 =	vshll.u32 v7, $0x8  }
0x175: {  	s12 =	simm.s32 $0x4B0;
	v9 =	vshll.u32 v8, $0x3;
	v7 =	vor.u32 v0, v6  }
0x176: {  	v2 =	vadd.f32 v5, v2;
	v6 =	vld [tilespmem:s12+$0x0];
	v5 =	vand.u32 $0x7800, v7;
	v7 =	vand.u32 $0xFFFFFC00, v9  }
0x177: {  	v8 =	vand.u32 $0x7F, v8;
	v5 =	vadd.s32 v5, v7  }
0x178: {  	s13 =	simm.s32 $0x30;
	v7 =	vmul.f32 v10, v10;
	v5 =	vor.u32 v8, v5;
	v4 =	vsub.f32 $1.000000000e+00, v4  }
0x179: {  	v3 =	vld.idx.msk [tilespmem:v3+s8+$0x0], $0xffff;
	v8 =	vmov s13;
	v5 =	vor.u32 v1, v5  }
0x17a: {  	v2 =	vadd.f32 v7, v2;
	v7 =	vshll.u32 v8, $0x8;
	v4 =	vmul.f32 v4, v4  }
0x17b: {  	s11 =	simm.s32 $0x40;
	s12 =	simm.s32 $0x4C0;
	v7 =	vor.u32 v0, v7;
	v8 =	vshll.u32 v6, $0x3  }
.LBB2_20:
0x17c: {  	v9 =	vld [tilespmem:s12+$0x0];
	p0 =	sne.s32 s11, $0x70;
	v7 =	vand.u32 $0x7800, v7;
	v8 =	vand.u32 $0xFFFFFC00, v8;
	v2 =	vadd.f32 v4, v2;
	s13 =	smov.u32 s11;
	s11 =	sadd.s32 $0x10, s11  }
.Ltmp9:
0x17d: {  	v4 =	vand.u32 $0x7F, v6;
	v6 =	vadd.s32 v7, v8;
	(pc) =	sbr.rel @p0 .LBB2_20-.Ltmp9, $4  }
0x17e: {  	v10 =	vsub.f32 $1.000000000e+00, v3;
	v4 =	vor.u32 v4, v6;
	v3 =	vld.idx.msk [tilespmem:v5+s8+$0x0], $0xffff  }
0x17f: {  	v7 =	vmov s13;
	v5 =	vor.u32 v1, v4  }
0x180: {  	v7 =	vshll.u32 v7, $0x8;
	v4 =	vmul.f32 v10, v10  }
0x181: {  	s12 =	sadd.s32 $0x10, s12;
	v7 =	vor.u32 v0, v7;
	v8 =	vshll.u32 v9, $0x3;
	v6 =	vmov v9  }
0x182: {  	v7 =	vand.u32 $0x7800, v7;
	v8 =	vand.u32 $0xFFFFFC00, v8  }
0x183: {  	v6 =	vand.u32 $0x7F, v6;
	v7 =	vadd.s32 v7, v8  }
0x184: {  	v6 =	vor.u32 v6, v7  }
0x185: {  	v6 =	vor.u32 v1, v6;
	_ =	sdelay $0x3  }
0x186: {  	v5 =	vld.idx.msk [tilespmem:v5+s8+$0x0], $0xffff  }
0x187: {  	v6 =	vld.idx.msk [tilespmem:v6+s8+$0x0], $0xffff;
	_ =	swait.ge [sflag:s7], $0x8000  }
0x188: {  	s11 =	simm.s32 $0x0;
	[sflag:s7] =	ssyncset.done $0x0  }
0x189: {  	s13 =	simm.s32 $0x500;
	s12 =	rddreg [dreg:$0xb];
	[sflag:s7] =	ssyncadd.s32 $0xFFFF8000  }
0x18a: {  	[tilespmem:s8], [sflag:$0x2] =	stream.linear.gather [hbm4b:s12+s11], $0x8000, $0x38;
	[tilespmem:$0x10E80] =	vst v63  }
0x18b: {  	v7 =	vld [tilespmem:s13+$0x0];
	_ =	sdelay $0x2  }
0x18c: {  	v8 =	vmov s11  }
0x18d: {  	v8 =	vshll.u32 v8, $0x8  }
0x18e: {  	v8 =	vor.u32 v0, v8;
	s12 =	simm.s32 $0x510;
	v9 =	vshll.u32 v7, $0x3  }
0x18f: {  	v8 =	vand.u32 $0x7800, v8;
	v10 =	vld [tilespmem:s12+$0x0];
	v9 =	vand.u32 $0xFFFFFC00, v9  }
0x190: {  	v3 =	vsub.f32 $1.000000000e+00, v3;
	v7 =	vand.u32 $0x7F, v7;
	v8 =	vadd.s32 v8, v9  }
0x191: {  	v2 =	vadd.f32 v4, v2;
	s13 =	simm.s32 $0x10;
	v7 =	vor.u32 v7, v8  }
0x192: {  	v3 =	vmul.f32 v3, v3;
	v4 =	vmov s13;
	v7 =	vor.u32 v1, v7  }
0x193: {  	s12 =	simm.s32 $0x520;
	v4 =	vshll.u32 v4, $0x8  }
0x194: {  	v2 =	vadd.f32 v3, v2;
	v3 =	vor.u32 v0, v4;
	v4 =	vshll.u32 v10, $0x3;
	v8 =	vld [tilespmem:s12+$0x0]  }
0x195: {  	v5 =	vsub.f32 $1.000000000e+00, v5;
	v3 =	vand.u32 $0x7800, v3;
	v4 =	vand.u32 $0xFFFFFC00, v4  }
0x196: {  	s13 =	simm.s32 $0x20;
	v9 =	vand.u32 $0x7F, v10;
	v3 =	vadd.s32 v3, v4  }
0x197: {  	v5 =	vmul.f32 v5, v5;
	v3 =	vor.u32 v9, v3;
	v4 =	vld.idx.msk [tilespmem:v7+s6+$0x0], $0xffff;
	v7 =	vmov s13  }
0x198: {  	v10 =	vsub.f32 $1.000000000e+00, v6;
	v3 =	vor.u32 v1, v3;
	v6 =	vshll.u32 v7, $0x8  }
0x199: {  	s12 =	simm.s32 $0x530;
	v9 =	vshll.u32 v8, $0x3;
	v7 =	vor.u32 v0, v6  }
0x19a: {  	v2 =	vadd.f32 v5, v2;
	v6 =	vld [tilespmem:s12+$0x0];
	v5 =	vand.u32 $0x7800, v7;
	v7 =	vand.u32 $0xFFFFFC00, v9  }
0x19b: {  	v8 =	vand.u32 $0x7F, v8;
	v5 =	vadd.s32 v5, v7  }
0x19c: {  	s13 =	simm.s32 $0x30;
	v7 =	vmul.f32 v10, v10;
	v5 =	vor.u32 v8, v5;
	v4 =	vsub.f32 $1.000000000e+00, v4  }
0x19d: {  	v3 =	vld.idx.msk [tilespmem:v3+s6+$0x0], $0xffff;
	v8 =	vmov s13;
	v5 =	vor.u32 v1, v5  }
0x19e: {  	v2 =	vadd.f32 v7, v2;
	v7 =	vshll.u32 v8, $0x8;
	v4 =	vmul.f32 v4, v4  }
0x19f: {  	s11 =	simm.s32 $0x40;
	s12 =	simm.s32 $0x540;
	v7 =	vor.u32 v0, v7;
	v8 =	vshll.u32 v6, $0x3  }
.LBB2_22:
0x1a0: {  	v9 =	vld [tilespmem:s12+$0x0];
	p0 =	sne.s32 s11, $0x70;
	v7 =	vand.u32 $0x7800, v7;
	v8 =	vand.u32 $0xFFFFFC00, v8;
	v2 =	vadd.f32 v4, v2;
	s13 =	smov.u32 s11;
	s11 =	sadd.s32 $0x10, s11  }
.Ltmp10:
0x1a1: {  	v4 =	vand.u32 $0x7F, v6;
	v6 =	vadd.s32 v7, v8;
	(pc) =	sbr.rel @p0 .LBB2_22-.Ltmp10, $4  }
0x1a2: {  	v10 =	vsub.f32 $1.000000000e+00, v3;
	v4 =	vor.u32 v4, v6;
	v3 =	vld.idx.msk [tilespmem:v5+s6+$0x0], $0xffff  }
0x1a3: {  	v7 =	vmov s13;
	v5 =	vor.u32 v1, v4  }
0x1a4: {  	v7 =	vshll.u32 v7, $0x8;
	v4 =	vmul.f32 v10, v10  }
0x1a5: {  	s12 =	sadd.s32 $0x10, s12;
	v7 =	vor.u32 v0, v7;
	v8 =	vshll.u32 v9, $0x3;
	v6 =	vmov v9  }
0x1a6: {  	v7 =	vand.u32 $0x7800, v7;
	v8 =	vand.u32 $0xFFFFFC00, v8  }
0x1a7: {  	v6 =	vand.u32 $0x7F, v6;
	v7 =	vadd.s32 v7, v8  }
0x1a8: {  	v6 =	vor.u32 v6, v7  }
0x1a9: {  	v6 =	vor.u32 v1, v6;
	_ =	sdelay $0x3  }
0x1aa: {  	v5 =	vld.idx.msk [tilespmem:v5+s6+$0x0], $0xffff  }
0x1ab: {  	v6 =	vld.idx.msk [tilespmem:v6+s6+$0x0], $0xffff;
	_ =	swait.ge [sflag:s9], $0x8000  }
0x1ac: {  	s11 =	simm.s32 $0x0;
	[sflag:s9] =	ssyncset.done $0x0  }
0x1ad: {  	s13 =	simm.s32 $0x580;
	s12 =	rddreg [dreg:$0xc];
	[sflag:s9] =	ssyncadd.s32 $0xFFFF8000  }
0x1ae: {  	[tilespmem:s6], [sflag:$0x1] =	stream.linear.gather [hbm4b:s12+s11], $0x8000, $0x38;
	[tilespmem:$0x10E80] =	vst v63  }
0x1af: {  	v7 =	vld [tilespmem:s13+$0x0];
	_ =	sdelay $0x2  }
0x1b0: {  	v8 =	vmov s11  }
0x1b1: {  	v8 =	vshll.u32 v8, $0x8  }
0x1b2: {  	v8 =	vor.u32 v0, v8;
	s12 =	simm.s32 $0x590;
	v9 =	vshll.u32 v7, $0x3  }
0x1b3: {  	v8 =	vand.u32 $0x7800, v8;
	v10 =	vld [tilespmem:s12+$0x0];
	v9 =	vand.u32 $0xFFFFFC00, v9  }
0x1b4: {  	v3 =	vsub.f32 $1.000000000e+00, v3;
	v7 =	vand.u32 $0x7F, v7;
	v8 =	vadd.s32 v8, v9  }
0x1b5: {  	v2 =	vadd.f32 v4, v2;
	s13 =	simm.s32 $0x10;
	v7 =	vor.u32 v7, v8  }
0x1b6: {  	v3 =	vmul.f32 v3, v3;
	v4 =	vmov s13;
	v7 =	vor.u32 v1, v7  }
0x1b7: {  	s12 =	simm.s32 $0x5A0;
	v4 =	vshll.u32 v4, $0x8  }
0x1b8: {  	v2 =	vadd.f32 v3, v2;
	v3 =	vor.u32 v0, v4;
	v4 =	vshll.u32 v10, $0x3;
	v8 =	vld [tilespmem:s12+$0x0]  }
0x1b9: {  	v5 =	vsub.f32 $1.000000000e+00, v5;
	v3 =	vand.u32 $0x7800, v3;
	v4 =	vand.u32 $0xFFFFFC00, v4  }
0x1ba: {  	s13 =	simm.s32 $0x20;
	v9 =	vand.u32 $0x7F, v10;
	v3 =	vadd.s32 v3, v4  }
0x1bb: {  	v5 =	vmul.f32 v5, v5;
	v3 =	vor.u32 v9, v3;
	v4 =	vld.idx.msk [tilespmem:v7+s8+$0x0], $0xffff;
	v7 =	vmov s13  }
0x1bc: {  	v10 =	vsub.f32 $1.000000000e+00, v6;
	v3 =	vor.u32 v1, v3;
	v6 =	vshll.u32 v7, $0x8  }
0x1bd: {  	s12 =	simm.s32 $0x5B0;
	v9 =	vshll.u32 v8, $0x3;
	v7 =	vor.u32 v0, v6  }
0x1be: {  	v2 =	vadd.f32 v5, v2;
	v6 =	vld [tilespmem:s12+$0x0];
	v5 =	vand.u32 $0x7800, v7;
	v7 =	vand.u32 $0xFFFFFC00, v9  }
0x1bf: {  	v8 =	vand.u32 $0x7F, v8;
	v5 =	vadd.s32 v5, v7  }
0x1c0: {  	s13 =	simm.s32 $0x30;
	v7 =	vmul.f32 v10, v10;
	v5 =	vor.u32 v8, v5;
	v4 =	vsub.f32 $1.000000000e+00, v4  }
0x1c1: {  	v3 =	vld.idx.msk [tilespmem:v3+s8+$0x0], $0xffff;
	v8 =	vmov s13;
	v5 =	vor.u32 v1, v5  }
0x1c2: {  	v2 =	vadd.f32 v7, v2;
	v7 =	vshll.u32 v8, $0x8;
	v4 =	vmul.f32 v4, v4  }
0x1c3: {  	s11 =	simm.s32 $0x40;
	s12 =	simm.s32 $0x5C0;
	v7 =	vor.u32 v0, v7;
	v8 =	vshll.u32 v6, $0x3  }
.LBB2_24:
0x1c4: {  	v9 =	vld [tilespmem:s12+$0x0];
	p0 =	sne.s32 s11, $0x70;
	v7 =	vand.u32 $0x7800, v7;
	v8 =	vand.u32 $0xFFFFFC00, v8;
	v2 =	vadd.f32 v4, v2;
	s13 =	smov.u32 s11;
	s11 =	sadd.s32 $0x10, s11  }
.Ltmp11:
0x1c5: {  	v4 =	vand.u32 $0x7F, v6;
	v6 =	vadd.s32 v7, v8;
	(pc) =	sbr.rel @p0 .LBB2_24-.Ltmp11, $4  }
0x1c6: {  	v10 =	vsub.f32 $1.000000000e+00, v3;
	v4 =	vor.u32 v4, v6;
	v3 =	vld.idx.msk [tilespmem:v5+s8+$0x0], $0xffff  }
0x1c7: {  	v7 =	vmov s13;
	v5 =	vor.u32 v1, v4  }
0x1c8: {  	v7 =	vshll.u32 v7, $0x8;
	v4 =	vmul.f32 v10, v10  }
0x1c9: {  	s12 =	sadd.s32 $0x10, s12;
	v7 =	vor.u32 v0, v7;
	v8 =	vshll.u32 v9, $0x3;
	v6 =	vmov v9  }
0x1ca: {  	v7 =	vand.u32 $0x7800, v7;
	v8 =	vand.u32 $0xFFFFFC00, v8  }
0x1cb: {  	v6 =	vand.u32 $0x7F, v6;
	v7 =	vadd.s32 v7, v8  }
0x1cc: {  	v6 =	vor.u32 v6, v7  }
0x1cd: {  	v6 =	vor.u32 v1, v6;
	_ =	sdelay $0x3  }
0x1ce: {  	v5 =	vld.idx.msk [tilespmem:v5+s8+$0x0], $0xffff  }
0x1cf: {  	v6 =	vld.idx.msk [tilespmem:v6+s8+$0x0], $0xffff;
	_ =	swait.ge [sflag:s7], $0x8000  }
0x1d0: {  	[sflag:s7] =	ssyncset.done $0x0  }
0x1d1: {  	s11 =	simm.s32 $0x0;
	s12 =	simm.s32 $0x600;
	[sflag:s7] =	ssyncadd.s32 $0xFFFF8000  }
0x1d2: {  	[tilespmem:s8], [sflag:$0x2] =	stream.linear.gather [hbm4b:s14+s11], $0x8000, $0x38;
	[tilespmem:$0x10E80] =	vst v63  }
0x1d3: {  	v7 =	vld [tilespmem:s12+$0x0];
	_ =	sdelay $0x2  }
0x1d4: {  	v8 =	vmov s11  }
0x1d5: {  	v8 =	vshll.u32 v8, $0x8  }
0x1d6: {  	v8 =	vor.u32 v0, v8;
	s12 =	simm.s32 $0x610;
	v9 =	vshll.u32 v7, $0x3  }
0x1d7: {  	v8 =	vand.u32 $0x7800, v8;
	v10 =	vld [tilespmem:s12+$0x0];
	v9 =	vand.u32 $0xFFFFFC00, v9  }
0x1d8: {  	v3 =	vsub.f32 $1.000000000e+00, v3;
	v7 =	vand.u32 $0x7F, v7;
	v8 =	vadd.s32 v8, v9  }
0x1d9: {  	s13 =	simm.s32 $0x10;
	v2 =	vadd.f32 v4, v2;
	v7 =	vor.u32 v7, v8  }
0x1da: {  	v4 =	vmov s13;
	v3 =	vmul.f32 v3, v3;
	v7 =	vor.u32 v1, v7  }
0x1db: {  	v4 =	vshll.u32 v4, $0x8;
	s12 =	simm.s32 $0x620  }
0x1dc: {  	v2 =	vadd.f32 v3, v2;
	v3 =	vor.u32 v0, v4;
	v4 =	vshll.u32 v10, $0x3;
	v8 =	vld [tilespmem:s12+$0x0]  }
0x1dd: {  	v5 =	vsub.f32 $1.000000000e+00, v5;
	v3 =	vand.u32 $0x7800, v3;
	v4 =	vand.u32 $0xFFFFFC00, v4  }
0x1de: {  	s13 =	simm.s32 $0x20;
	v9 =	vand.u32 $0x7F, v10;
	v3 =	vadd.s32 v3, v4  }
0x1df: {  	v5 =	vmul.f32 v5, v5;
	v3 =	vor.u32 v9, v3;
	v4 =	vld.idx.msk [tilespmem:v7+s6+$0x0], $0xffff;
	v7 =	vmov s13  }
0x1e0: {  	v10 =	vsub.f32 $1.000000000e+00, v6;
	v3 =	vor.u32 v1, v3;
	v6 =	vshll.u32 v7, $0x8  }
0x1e1: {  	s12 =	simm.s32 $0x630;
	v9 =	vshll.u32 v8, $0x3;
	v7 =	vor.u32 v0, v6  }
0x1e2: {  	v2 =	vadd.f32 v5, v2;
	v6 =	vld [tilespmem:s12+$0x0];
	v5 =	vand.u32 $0x7800, v7;
	v7 =	vand.u32 $0xFFFFFC00, v9  }
0x1e3: {  	v8 =	vand.u32 $0x7F, v8;
	v5 =	vadd.s32 v5, v7  }
0x1e4: {  	s13 =	simm.s32 $0x30;
	v7 =	vmul.f32 v10, v10;
	v5 =	vor.u32 v8, v5;
	v4 =	vsub.f32 $1.000000000e+00, v4  }
0x1e5: {  	v3 =	vld.idx.msk [tilespmem:v3+s6+$0x0], $0xffff;
	v8 =	vmov s13;
	v5 =	vor.u32 v1, v5  }
0x1e6: {  	v2 =	vadd.f32 v7, v2;
	v7 =	vshll.u32 v8, $0x8;
	v4 =	vmul.f32 v4, v4  }
0x1e7: {  	s11 =	simm.s32 $0x40;
	s12 =	simm.s32 $0x640;
	v7 =	vor.u32 v0, v7;
	v8 =	vshll.u32 v6, $0x3  }
.LBB2_26:
0x1e8: {  	v9 =	vld [tilespmem:s12+$0x0];
	p0 =	sne.s32 s11, $0x70;
	v7 =	vand.u32 $0x7800, v7;
	v8 =	vand.u32 $0xFFFFFC00, v8;
	v2 =	vadd.f32 v4, v2;
	s13 =	smov.u32 s11;
	s11 =	sadd.s32 $0x10, s11  }
.Ltmp12:
0x1e9: {  	v4 =	vand.u32 $0x7F, v6;
	v6 =	vadd.s32 v7, v8;
	(pc) =	sbr.rel @p0 .LBB2_26-.Ltmp12, $4  }
0x1ea: {  	v10 =	vsub.f32 $1.000000000e+00, v3;
	v4 =	vor.u32 v4, v6;
	v3 =	vld.idx.msk [tilespmem:v5+s6+$0x0], $0xffff  }
0x1eb: {  	v7 =	vmov s13;
	v5 =	vor.u32 v1, v4  }
0x1ec: {  	v7 =	vshll.u32 v7, $0x8;
	v4 =	vmul.f32 v10, v10  }
0x1ed: {  	s12 =	sadd.s32 $0x10, s12;
	v7 =	vor.u32 v0, v7;
	v8 =	vshll.u32 v9, $0x3;
	v6 =	vmov v9  }
0x1ee: {  	v7 =	vand.u32 $0x7800, v7;
	v8 =	vand.u32 $0xFFFFFC00, v8  }
0x1ef: {  	v6 =	vand.u32 $0x7F, v6;
	v7 =	vadd.s32 v7, v8  }
0x1f0: {  	v6 =	vor.u32 v6, v7  }
0x1f1: {  	v6 =	vor.u32 v1, v6;
	_ =	sdelay $0x3  }
0x1f2: {  	v5 =	vld.idx.msk [tilespmem:v5+s6+$0x0], $0xffff  }
0x1f3: {  	v6 =	vld.idx.msk [tilespmem:v6+s6+$0x0], $0xffff;
	_ =	swait.ge [sflag:s9], $0x8000  }
0x1f4: {  	[sflag:s9] =	ssyncset.done $0x0  }
0x1f5: {  	s11 =	simm.s32 $0x0;
	s12 =	simm.s32 $0x680;
	[sflag:s9] =	ssyncadd.s32 $0xFFFF8000  }
0x1f6: {  	[tilespmem:s6], [sflag:$0x1] =	stream.linear.gather [hbm4b:s15+s11], $0x8000, $0x38;
	[tilespmem:$0x10E80] =	vst v63  }
0x1f7: {  	v7 =	vld [tilespmem:s12+$0x0];
	_ =	sdelay $0x2  }
0x1f8: {  	v8 =	vmov s11  }
0x1f9: {  	v8 =	vshll.u32 v8, $0x8  }
0x1fa: {  	v8 =	vor.u32 v0, v8;
	s12 =	simm.s32 $0x690;
	v9 =	vshll.u32 v7, $0x3  }
0x1fb: {  	v8 =	vand.u32 $0x7800, v8;
	v10 =	vld [tilespmem:s12+$0x0];
	v9 =	vand.u32 $0xFFFFFC00, v9  }
0x1fc: {  	v3 =	vsub.f32 $1.000000000e+00, v3;
	v7 =	vand.u32 $0x7F, v7;
	v8 =	vadd.s32 v8, v9  }
0x1fd: {  	s13 =	simm.s32 $0x10;
	v2 =	vadd.f32 v4, v2;
	v7 =	vor.u32 v7, v8  }
0x1fe: {  	v4 =	vmov s13;
	v3 =	vmul.f32 v3, v3;
	v7 =	vor.u32 v1, v7  }
0x1ff: {  	v4 =	vshll.u32 v4, $0x8;
	s12 =	simm.s32 $0x6A0  }
0x200: {  	v2 =	vadd.f32 v3, v2;
	v3 =	vor.u32 v0, v4;
	v4 =	vshll.u32 v10, $0x3;
	v8 =	vld [tilespmem:s12+$0x0]  }
0x201: {  	v5 =	vsub.f32 $1.000000000e+00, v5;
	v3 =	vand.u32 $0x7800, v3;
	v4 =	vand.u32 $0xFFFFFC00, v4  }
0x202: {  	s13 =	simm.s32 $0x20;
	v9 =	vand.u32 $0x7F, v10;
	v3 =	vadd.s32 v3, v4  }
0x203: {  	v5 =	vmul.f32 v5, v5;
	v3 =	vor.u32 v9, v3;
	v4 =	vld.idx.msk [tilespmem:v7+s8+$0x0], $0xffff;
	v7 =	vmov s13  }
0x204: {  	v10 =	vsub.f32 $1.000000000e+00, v6;
	v3 =	vor.u32 v1, v3;
	v6 =	vshll.u32 v7, $0x8  }
0x205: {  	s12 =	simm.s32 $0x6B0;
	v9 =	vshll.u32 v8, $0x3;
	v7 =	vor.u32 v0, v6  }
0x206: {  	v2 =	vadd.f32 v5, v2;
	v6 =	vld [tilespmem:s12+$0x0];
	v5 =	vand.u32 $0x7800, v7;
	v7 =	vand.u32 $0xFFFFFC00, v9  }
0x207: {  	v8 =	vand.u32 $0x7F, v8;
	v5 =	vadd.s32 v5, v7  }
0x208: {  	s13 =	simm.s32 $0x30;
	v7 =	vmul.f32 v10, v10;
	v5 =	vor.u32 v8, v5;
	v4 =	vsub.f32 $1.000000000e+00, v4  }
0x209: {  	v3 =	vld.idx.msk [tilespmem:v3+s8+$0x0], $0xffff;
	v8 =	vmov s13;
	v5 =	vor.u32 v1, v5  }
0x20a: {  	v2 =	vadd.f32 v7, v2;
	v7 =	vshll.u32 v8, $0x8;
	v4 =	vmul.f32 v4, v4  }
0x20b: {  	s11 =	simm.s32 $0x40;
	s12 =	simm.s32 $0x6C0;
	v7 =	vor.u32 v0, v7;
	v8 =	vshll.u32 v6, $0x3  }
.LBB2_28:
0x20c: {  	v9 =	vld [tilespmem:s12+$0x0];
	p0 =	sne.s32 s11, $0x70;
	v7 =	vand.u32 $0x7800, v7;
	v8 =	vand.u32 $0xFFFFFC00, v8;
	v2 =	vadd.f32 v4, v2;
	s13 =	smov.u32 s11;
	s11 =	sadd.s32 $0x10, s11  }
.Ltmp13:
0x20d: {  	v4 =	vand.u32 $0x7F, v6;
	v6 =	vadd.s32 v7, v8;
	(pc) =	sbr.rel @p0 .LBB2_28-.Ltmp13, $4  }
0x20e: {  	v10 =	vsub.f32 $1.000000000e+00, v3;
	v4 =	vor.u32 v4, v6;
	v3 =	vld.idx.msk [tilespmem:v5+s8+$0x0], $0xffff  }
0x20f: {  	v7 =	vmov s13;
	v5 =	vor.u32 v1, v4  }
0x210: {  	v7 =	vshll.u32 v7, $0x8;
	v4 =	vmul.f32 v10, v10  }
0x211: {  	s12 =	sadd.s32 $0x10, s12;
	v7 =	vor.u32 v0, v7;
	v8 =	vshll.u32 v9, $0x3;
	v6 =	vmov v9  }
0x212: {  	v7 =	vand.u32 $0x7800, v7;
	v8 =	vand.u32 $0xFFFFFC00, v8  }
0x213: {  	v6 =	vand.u32 $0x7F, v6;
	v7 =	vadd.s32 v7, v8  }
0x214: {  	v6 =	vor.u32 v6, v7  }
0x215: {  	v6 =	vor.u32 v1, v6;
	_ =	sdelay $0x3  }
0x216: {  	v5 =	vld.idx.msk [tilespmem:v5+s8+$0x0], $0xffff  }
0x217: {  	v6 =	vld.idx.msk [tilespmem:v6+s8+$0x0], $0xffff;
	_ =	swait.ge [sflag:s7], $0x8000  }
0x218: {  	[sflag:s7] =	ssyncset.done $0x0  }
0x219: {  	s11 =	simm.s32 $0x0;
	s12 =	simm.s32 $0x700;
	[sflag:s7] =	ssyncadd.s32 $0xFFFF8000  }
0x21a: {  	[tilespmem:s8], [sflag:$0x2] =	stream.linear.gather [hbm4b:s16+s11], $0x8000, $0x38;
	[tilespmem:$0x10E80] =	vst v63  }
0x21b: {  	v7 =	vld [tilespmem:s12+$0x0];
	_ =	sdelay $0x2  }
0x21c: {  	v8 =	vmov s11  }
0x21d: {  	v8 =	vshll.u32 v8, $0x8  }
0x21e: {  	v8 =	vor.u32 v0, v8;
	s12 =	simm.s32 $0x710;
	v9 =	vshll.u32 v7, $0x3  }
0x21f: {  	v8 =	vand.u32 $0x7800, v8;
	v10 =	vld [tilespmem:s12+$0x0];
	v9 =	vand.u32 $0xFFFFFC00, v9  }
0x220: {  	v3 =	vsub.f32 $1.000000000e+00, v3;
	v7 =	vand.u32 $0x7F, v7;
	v8 =	vadd.s32 v8, v9  }
0x221: {  	s13 =	simm.s32 $0x10;
	v2 =	vadd.f32 v4, v2;
	v7 =	vor.u32 v7, v8  }
0x222: {  	v4 =	vmov s13;
	v3 =	vmul.f32 v3, v3;
	v7 =	vor.u32 v1, v7  }
0x223: {  	v4 =	vshll.u32 v4, $0x8;
	s12 =	simm.s32 $0x720  }
0x224: {  	v2 =	vadd.f32 v3, v2;
	v3 =	vor.u32 v0, v4;
	v4 =	vshll.u32 v10, $0x3;
	v8 =	vld [tilespmem:s12+$0x0]  }
0x225: {  	v5 =	vsub.f32 $1.000000000e+00, v5;
	v3 =	vand.u32 $0x7800, v3;
	v4 =	vand.u32 $0xFFFFFC00, v4  }
0x226: {  	s13 =	simm.s32 $0x20;
	v9 =	vand.u32 $0x7F, v10;
	v3 =	vadd.s32 v3, v4  }
0x227: {  	v5 =	vmul.f32 v5, v5;
	v3 =	vor.u32 v9, v3;
	v4 =	vld.idx.msk [tilespmem:v7+s6+$0x0], $0xffff;
	v7 =	vmov s13  }
0x228: {  	v10 =	vsub.f32 $1.000000000e+00, v6;
	v3 =	vor.u32 v1, v3;
	v6 =	vshll.u32 v7, $0x8  }
0x229: {  	s12 =	simm.s32 $0x730;
	v9 =	vshll.u32 v8, $0x3;
	v7 =	vor.u32 v0, v6  }
0x22a: {  	v2 =	vadd.f32 v5, v2;
	v6 =	vld [tilespmem:s12+$0x0];
	v5 =	vand.u32 $0x7800, v7;
	v7 =	vand.u32 $0xFFFFFC00, v9  }
0x22b: {  	v8 =	vand.u32 $0x7F, v8;
	v5 =	vadd.s32 v5, v7  }
0x22c: {  	s13 =	simm.s32 $0x30;
	v7 =	vmul.f32 v10, v10;
	v5 =	vor.u32 v8, v5;
	v4 =	vsub.f32 $1.000000000e+00, v4  }
0x22d: {  	v3 =	vld.idx.msk [tilespmem:v3+s6+$0x0], $0xffff;
	v8 =	vmov s13;
	v5 =	vor.u32 v1, v5  }
0x22e: {  	v2 =	vadd.f32 v7, v2;
	v7 =	vshll.u32 v8, $0x8;
	v4 =	vmul.f32 v4, v4  }
0x22f: {  	s11 =	simm.s32 $0x40;
	s12 =	simm.s32 $0x740;
	v7 =	vor.u32 v0, v7;
	v8 =	vshll.u32 v6, $0x3  }
.LBB2_30:
0x230: {  	v9 =	vld [tilespmem:s12+$0x0];
	p0 =	sne.s32 s11, $0x70;
	v7 =	vand.u32 $0x7800, v7;
	v8 =	vand.u32 $0xFFFFFC00, v8;
	v2 =	vadd.f32 v4, v2;
	s13 =	smov.u32 s11;
	s11 =	sadd.s32 $0x10, s11  }
.Ltmp14:
0x231: {  	v4 =	vand.u32 $0x7F, v6;
	v6 =	vadd.s32 v7, v8;
	(pc) =	sbr.rel @p0 .LBB2_30-.Ltmp14, $4  }
0x232: {  	v10 =	vsub.f32 $1.000000000e+00, v3;
	v4 =	vor.u32 v4, v6;
	v3 =	vld.idx.msk [tilespmem:v5+s6+$0x0], $0xffff  }
0x233: {  	v7 =	vmov s13;
	v5 =	vor.u32 v1, v4  }
0x234: {  	v7 =	vshll.u32 v7, $0x8;
	v4 =	vmul.f32 v10, v10  }
0x235: {  	s12 =	sadd.s32 $0x10, s12;
	v7 =	vor.u32 v0, v7;
	v8 =	vshll.u32 v9, $0x3;
	v6 =	vmov v9  }
0x236: {  	v7 =	vand.u32 $0x7800, v7;
	v8 =	vand.u32 $0xFFFFFC00, v8  }
0x237: {  	v6 =	vand.u32 $0x7F, v6;
	v7 =	vadd.s32 v7, v8  }
0x238: {  	v6 =	vor.u32 v6, v7  }
0x239: {  	v6 =	vor.u32 v1, v6;
	_ =	sdelay $0x3  }
0x23a: {  	v5 =	vld.idx.msk [tilespmem:v5+s6+$0x0], $0xffff  }
0x23b: {  	v6 =	vld.idx.msk [tilespmem:v6+s6+$0x0], $0xffff;
	_ =	swait.ge [sflag:s9], $0x8000  }
0x23c: {  	[sflag:s9] =	ssyncset.done $0x0  }
0x23d: {  	s11 =	simm.s32 $0x0;
	s12 =	simm.s32 $0x780;
	[sflag:s9] =	ssyncadd.s32 $0xFFFF8000  }
0x23e: {  	[tilespmem:s6], [sflag:$0x1] =	stream.linear.gather [hbm4b:s17+s11], $0x8000, $0x38;
	[tilespmem:$0x10E80] =	vst v63  }
0x23f: {  	v7 =	vld [tilespmem:s12+$0x0];
	_ =	sdelay $0x2  }
0x240: {  	v8 =	vmov s11  }
0x241: {  	v8 =	vshll.u32 v8, $0x8  }
0x242: {  	v8 =	vor.u32 v0, v8;
	s12 =	simm.s32 $0x790;
	v9 =	vshll.u32 v7, $0x3  }
0x243: {  	v8 =	vand.u32 $0x7800, v8;
	v10 =	vld [tilespmem:s12+$0x0];
	v9 =	vand.u32 $0xFFFFFC00, v9  }
0x244: {  	v3 =	vsub.f32 $1.000000000e+00, v3;
	v7 =	vand.u32 $0x7F, v7;
	v8 =	vadd.s32 v8, v9  }
0x245: {  	s13 =	simm.s32 $0x10;
	v2 =	vadd.f32 v4, v2;
	v7 =	vor.u32 v7, v8  }
0x246: {  	v4 =	vmov s13;
	v3 =	vmul.f32 v3, v3;
	v7 =	vor.u32 v1, v7  }
0x247: {  	v4 =	vshll.u32 v4, $0x8;
	s12 =	simm.s32 $0x7A0  }
0x248: {  	v2 =	vadd.f32 v3, v2;
	v3 =	vor.u32 v0, v4;
	v4 =	vshll.u32 v10, $0x3;
	v8 =	vld [tilespmem:s12+$0x0]  }
0x249: {  	v5 =	vsub.f32 $1.000000000e+00, v5;
	v3 =	vand.u32 $0x7800, v3;
	v4 =	vand.u32 $0xFFFFFC00, v4  }
0x24a: {  	s13 =	simm.s32 $0x20;
	v9 =	vand.u32 $0x7F, v10;
	v3 =	vadd.s32 v3, v4  }
0x24b: {  	v5 =	vmul.f32 v5, v5;
	v3 =	vor.u32 v9, v3;
	v4 =	vld.idx.msk [tilespmem:v7+s8+$0x0], $0xffff;
	v7 =	vmov s13  }
0x24c: {  	v10 =	vsub.f32 $1.000000000e+00, v6;
	v3 =	vor.u32 v1, v3;
	v6 =	vshll.u32 v7, $0x8  }
0x24d: {  	s12 =	simm.s32 $0x7B0;
	v9 =	vshll.u32 v8, $0x3;
	v7 =	vor.u32 v0, v6  }
0x24e: {  	v2 =	vadd.f32 v5, v2;
	v6 =	vld [tilespmem:s12+$0x0];
	v5 =	vand.u32 $0x7800, v7;
	v7 =	vand.u32 $0xFFFFFC00, v9  }
0x24f: {  	v8 =	vand.u32 $0x7F, v8;
	v5 =	vadd.s32 v5, v7  }
0x250: {  	s13 =	simm.s32 $0x30;
	v7 =	vmul.f32 v10, v10;
	v5 =	vor.u32 v8, v5;
	v4 =	vsub.f32 $1.000000000e+00, v4  }
0x251: {  	v3 =	vld.idx.msk [tilespmem:v3+s8+$0x0], $0xffff;
	v8 =	vmov s13;
	v5 =	vor.u32 v1, v5  }
0x252: {  	v2 =	vadd.f32 v7, v2;
	v7 =	vshll.u32 v8, $0x8;
	v4 =	vmul.f32 v4, v4  }
0x253: {  	s11 =	simm.s32 $0x40;
	s12 =	simm.s32 $0x7C0;
	v7 =	vor.u32 v0, v7;
	v8 =	vshll.u32 v6, $0x3  }
.LBB2_32:
0x254: {  	v9 =	vld [tilespmem:s12+$0x0];
	p0 =	sne.s32 s11, $0x70;
	v7 =	vand.u32 $0x7800, v7;
	v8 =	vand.u32 $0xFFFFFC00, v8;
	v2 =	vadd.f32 v4, v2;
	s13 =	smov.u32 s11;
	s11 =	sadd.s32 $0x10, s11  }
.Ltmp15:
0x255: {  	v4 =	vand.u32 $0x7F, v6;
	v6 =	vadd.s32 v7, v8;
	(pc) =	sbr.rel @p0 .LBB2_32-.Ltmp15, $4  }
0x256: {  	v10 =	vsub.f32 $1.000000000e+00, v3;
	v4 =	vor.u32 v4, v6;
	v3 =	vld.idx.msk [tilespmem:v5+s8+$0x0], $0xffff  }
0x257: {  	v7 =	vmov s13;
	v5 =	vor.u32 v1, v4  }
0x258: {  	v7 =	vshll.u32 v7, $0x8;
	v4 =	vmul.f32 v10, v10  }
0x259: {  	s12 =	sadd.s32 $0x10, s12;
	v7 =	vor.u32 v0, v7;
	v8 =	vshll.u32 v9, $0x3;
	v6 =	vmov v9  }
0x25a: {  	v7 =	vand.u32 $0x7800, v7;
	v8 =	vand.u32 $0xFFFFFC00, v8  }
0x25b: {  	v6 =	vand.u32 $0x7F, v6;
	v7 =	vadd.s32 v7, v8  }
0x25c: {  	v6 =	vor.u32 v6, v7  }
0x25d: {  	v6 =	vor.u32 v1, v6;
	_ =	sdelay $0x3  }
0x25e: {  	v5 =	vld.idx.msk [tilespmem:v5+s8+$0x0], $0xffff  }
0x25f: {  	v6 =	vld.idx.msk [tilespmem:v6+s8+$0x0], $0xffff;
	_ =	swait.ge [sflag:s7], $0x8000  }
0x260: {  	[sflag:s7] =	ssyncset.done $0x0  }
0x261: {  	s11 =	simm.s32 $0x0;
	s12 =	simm.s32 $0x800;
	[sflag:s7] =	ssyncadd.s32 $0xFFFF8000  }
0x262: {  	[tilespmem:s8], [sflag:$0x2] =	stream.linear.gather [hbm4b:s18+s11], $0x8000, $0x38;
	[tilespmem:$0x10E80] =	vst v63  }
0x263: {  	v7 =	vld [tilespmem:s12+$0x0];
	_ =	sdelay $0x2  }
0x264: {  	v8 =	vmov s11  }
0x265: {  	v8 =	vshll.u32 v8, $0x8  }
0x266: {  	v8 =	vor.u32 v0, v8;
	s12 =	simm.s32 $0x810;
	v9 =	vshll.u32 v7, $0x3  }
0x267: {  	v8 =	vand.u32 $0x7800, v8;
	v10 =	vld [tilespmem:s12+$0x0];
	v9 =	vand.u32 $0xFFFFFC00, v9  }
0x268: {  	v3 =	vsub.f32 $1.000000000e+00, v3;
	v7 =	vand.u32 $0x7F, v7;
	v8 =	vadd.s32 v8, v9  }
0x269: {  	s13 =	simm.s32 $0x10;
	v2 =	vadd.f32 v4, v2;
	v7 =	vor.u32 v7, v8  }
0x26a: {  	v4 =	vmov s13;
	v3 =	vmul.f32 v3, v3;
	v7 =	vor.u32 v1, v7  }
0x26b: {  	v4 =	vshll.u32 v4, $0x8;
	s12 =	simm.s32 $0x820  }
0x26c: {  	v2 =	vadd.f32 v3, v2;
	v3 =	vor.u32 v0, v4;
	v4 =	vshll.u32 v10, $0x3;
	v8 =	vld [tilespmem:s12+$0x0]  }
0x26d: {  	v5 =	vsub.f32 $1.000000000e+00, v5;
	v3 =	vand.u32 $0x7800, v3;
	v4 =	vand.u32 $0xFFFFFC00, v4  }
0x26e: {  	s13 =	simm.s32 $0x20;
	v9 =	vand.u32 $0x7F, v10;
	v3 =	vadd.s32 v3, v4  }
0x26f: {  	v5 =	vmul.f32 v5, v5;
	v3 =	vor.u32 v9, v3;
	v4 =	vld.idx.msk [tilespmem:v7+s6+$0x0], $0xffff;
	v7 =	vmov s13  }
0x270: {  	v10 =	vsub.f32 $1.000000000e+00, v6;
	v3 =	vor.u32 v1, v3;
	v6 =	vshll.u32 v7, $0x8  }
0x271: {  	s12 =	simm.s32 $0x830;
	v9 =	vshll.u32 v8, $0x3;
	v7 =	vor.u32 v0, v6  }
0x272: {  	v2 =	vadd.f32 v5, v2;
	v6 =	vld [tilespmem:s12+$0x0];
	v5 =	vand.u32 $0x7800, v7;
	v7 =	vand.u32 $0xFFFFFC00, v9  }
0x273: {  	v8 =	vand.u32 $0x7F, v8;
	v5 =	vadd.s32 v5, v7  }
0x274: {  	s13 =	simm.s32 $0x30;
	v7 =	vmul.f32 v10, v10;
	v5 =	vor.u32 v8, v5;
	v4 =	vsub.f32 $1.000000000e+00, v4  }
0x275: {  	v3 =	vld.idx.msk [tilespmem:v3+s6+$0x0], $0xffff;
	v8 =	vmov s13;
	v5 =	vor.u32 v1, v5  }
0x276: {  	v2 =	vadd.f32 v7, v2;
	v7 =	vshll.u32 v8, $0x8;
	v4 =	vmul.f32 v4, v4  }
0x277: {  	s11 =	simm.s32 $0x40;
	s12 =	simm.s32 $0x840;
	v7 =	vor.u32 v0, v7;
	v8 =	vshll.u32 v6, $0x3  }
.LBB2_34:
0x278: {  	v9 =	vld [tilespmem:s12+$0x0];
	p0 =	sne.s32 s11, $0x70;
	v7 =	vand.u32 $0x7800, v7;
	v8 =	vand.u32 $0xFFFFFC00, v8;
	v2 =	vadd.f32 v4, v2;
	s13 =	smov.u32 s11;
	s11 =	sadd.s32 $0x10, s11  }
.Ltmp16:
0x279: {  	v4 =	vand.u32 $0x7F, v6;
	v6 =	vadd.s32 v7, v8;
	(pc) =	sbr.rel @p0 .LBB2_34-.Ltmp16, $4  }
0x27a: {  	v10 =	vsub.f32 $1.000000000e+00, v3;
	v4 =	vor.u32 v4, v6;
	v3 =	vld.idx.msk [tilespmem:v5+s6+$0x0], $0xffff  }
0x27b: {  	v7 =	vmov s13;
	v5 =	vor.u32 v1, v4  }
0x27c: {  	v7 =	vshll.u32 v7, $0x8;
	v4 =	vmul.f32 v10, v10  }
0x27d: {  	s12 =	sadd.s32 $0x10, s12;
	v7 =	vor.u32 v0, v7;
	v8 =	vshll.u32 v9, $0x3;
	v6 =	vmov v9  }
0x27e: {  	v7 =	vand.u32 $0x7800, v7;
	v8 =	vand.u32 $0xFFFFFC00, v8  }
0x27f: {  	v6 =	vand.u32 $0x7F, v6;
	v7 =	vadd.s32 v7, v8  }
0x280: {  	v6 =	vor.u32 v6, v7  }
0x281: {  	v6 =	vor.u32 v1, v6;
	_ =	sdelay $0x3  }
0x282: {  	v5 =	vld.idx.msk [tilespmem:v5+s6+$0x0], $0xffff  }
0x283: {  	v6 =	vld.idx.msk [tilespmem:v6+s6+$0x0], $0xffff;
	_ =	swait.ge [sflag:s9], $0x8000  }
0x284: {  	[sflag:s9] =	ssyncset.done $0x0  }
0x285: {  	s11 =	simm.s32 $0x0;
	s12 =	simm.s32 $0x880;
	[sflag:s9] =	ssyncadd.s32 $0xFFFF8000  }
0x286: {  	[tilespmem:s6], [sflag:$0x1] =	stream.linear.gather [hbm4b:s19+s11], $0x8000, $0x38;
	[tilespmem:$0x10E80] =	vst v63  }
0x287: {  	v7 =	vld [tilespmem:s12+$0x0];
	_ =	sdelay $0x2  }
0x288: {  	v8 =	vmov s11  }
0x289: {  	v8 =	vshll.u32 v8, $0x8  }
0x28a: {  	v8 =	vor.u32 v0, v8;
	s12 =	simm.s32 $0x890;
	v9 =	vshll.u32 v7, $0x3  }
0x28b: {  	v8 =	vand.u32 $0x7800, v8;
	v10 =	vld [tilespmem:s12+$0x0];
	v9 =	vand.u32 $0xFFFFFC00, v9  }
0x28c: {  	v3 =	vsub.f32 $1.000000000e+00, v3;
	v7 =	vand.u32 $0x7F, v7;
	v8 =	vadd.s32 v8, v9  }
0x28d: {  	s13 =	simm.s32 $0x10;
	v2 =	vadd.f32 v4, v2;
	v7 =	vor.u32 v7, v8  }
0x28e: {  	v4 =	vmov s13;
	v3 =	vmul.f32 v3, v3;
	v7 =	vor.u32 v1, v7  }
0x28f: {  	v4 =	vshll.u32 v4, $0x8;
	s12 =	simm.s32 $0x8A0  }
0x290: {  	v2 =	vadd.f32 v3, v2;
	v3 =	vor.u32 v0, v4;
	v4 =	vshll.u32 v10, $0x3;
	v8 =	vld [tilespmem:s12+$0x0]  }
0x291: {  	v5 =	vsub.f32 $1.000000000e+00, v5;
	v3 =	vand.u32 $0x7800, v3;
	v4 =	vand.u32 $0xFFFFFC00, v4  }
0x292: {  	s13 =	simm.s32 $0x20;
	v9 =	vand.u32 $0x7F, v10;
	v3 =	vadd.s32 v3, v4  }
0x293: {  	v5 =	vmul.f32 v5, v5;
	v3 =	vor.u32 v9, v3;
	v4 =	vld.idx.msk [tilespmem:v7+s8+$0x0], $0xffff;
	v7 =	vmov s13  }
0x294: {  	v10 =	vsub.f32 $1.000000000e+00, v6;
	v3 =	vor.u32 v1, v3;
	v6 =	vshll.u32 v7, $0x8  }
0x295: {  	s12 =	simm.s32 $0x8B0;
	v9 =	vshll.u32 v8, $0x3;
	v7 =	vor.u32 v0, v6  }
0x296: {  	v2 =	vadd.f32 v5, v2;
	v6 =	vld [tilespmem:s12+$0x0];
	v5 =	vand.u32 $0x7800, v7;
	v7 =	vand.u32 $0xFFFFFC00, v9  }
0x297: {  	v8 =	vand.u32 $0x7F, v8;
	v5 =	vadd.s32 v5, v7  }
0x298: {  	s13 =	simm.s32 $0x30;
	v7 =	vmul.f32 v10, v10;
	v5 =	vor.u32 v8, v5;
	v4 =	vsub.f32 $1.000000000e+00, v4  }
0x299: {  	v3 =	vld.idx.msk [tilespmem:v3+s8+$0x0], $0xffff;
	v8 =	vmov s13;
	v5 =	vor.u32 v1, v5  }
0x29a: {  	v2 =	vadd.f32 v7, v2;
	v7 =	vshll.u32 v8, $0x8;
	v4 =	vmul.f32 v4, v4  }
0x29b: {  	s11 =	simm.s32 $0x40;
	s12 =	simm.s32 $0x8C0;
	v7 =	vor.u32 v0, v7;
	v8 =	vshll.u32 v6, $0x3  }
.LBB2_36:
0x29c: {  	v9 =	vld [tilespmem:s12+$0x0];
	p0 =	sne.s32 s11, $0x70;
	v7 =	vand.u32 $0x7800, v7;
	v8 =	vand.u32 $0xFFFFFC00, v8;
	v2 =	vadd.f32 v4, v2;
	s13 =	smov.u32 s11;
	s11 =	sadd.s32 $0x10, s11  }
.Ltmp17:
0x29d: {  	v4 =	vand.u32 $0x7F, v6;
	v6 =	vadd.s32 v7, v8;
	(pc) =	sbr.rel @p0 .LBB2_36-.Ltmp17, $4  }
0x29e: {  	v10 =	vsub.f32 $1.000000000e+00, v3;
	v4 =	vor.u32 v4, v6;
	v3 =	vld.idx.msk [tilespmem:v5+s8+$0x0], $0xffff  }
0x29f: {  	v7 =	vmov s13;
	v5 =	vor.u32 v1, v4  }
0x2a0: {  	v7 =	vshll.u32 v7, $0x8;
	v4 =	vmul.f32 v10, v10  }
0x2a1: {  	s12 =	sadd.s32 $0x10, s12;
	v7 =	vor.u32 v0, v7;
	v8 =	vshll.u32 v9, $0x3;
	v6 =	vmov v9  }
0x2a2: {  	v7 =	vand.u32 $0x7800, v7;
	v8 =	vand.u32 $0xFFFFFC00, v8  }
0x2a3: {  	v6 =	vand.u32 $0x7F, v6;
	v7 =	vadd.s32 v7, v8  }
0x2a4: {  	v6 =	vor.u32 v6, v7  }
0x2a5: {  	v6 =	vor.u32 v1, v6;
	_ =	sdelay $0x3  }
0x2a6: {  	v5 =	vld.idx.msk [tilespmem:v5+s8+$0x0], $0xffff  }
0x2a7: {  	v6 =	vld.idx.msk [tilespmem:v6+s8+$0x0], $0xffff;
	_ =	swait.ge [sflag:s7], $0x8000  }
0x2a8: {  	[sflag:s7] =	ssyncset.done $0x0  }
0x2a9: {  	s11 =	simm.s32 $0x0;
	s12 =	simm.s32 $0x900;
	[sflag:s7] =	ssyncadd.s32 $0xFFFF8000  }
0x2aa: {  	[tilespmem:s8], [sflag:$0x2] =	stream.linear.gather [hbm4b:s20+s11], $0x8000, $0x38;
	[tilespmem:$0x10E80] =	vst v63  }
0x2ab: {  	v7 =	vld [tilespmem:s12+$0x0];
	_ =	sdelay $0x2  }
0x2ac: {  	v8 =	vmov s11  }
0x2ad: {  	v8 =	vshll.u32 v8, $0x8  }
0x2ae: {  	v8 =	vor.u32 v0, v8;
	s12 =	simm.s32 $0x910;
	v9 =	vshll.u32 v7, $0x3  }
0x2af: {  	v8 =	vand.u32 $0x7800, v8;
	v10 =	vld [tilespmem:s12+$0x0];
	v9 =	vand.u32 $0xFFFFFC00, v9  }
0x2b0: {  	v3 =	vsub.f32 $1.000000000e+00, v3;
	v7 =	vand.u32 $0x7F, v7;
	v8 =	vadd.s32 v8, v9  }
0x2b1: {  	s13 =	simm.s32 $0x10;
	v2 =	vadd.f32 v4, v2;
	v7 =	vor.u32 v7, v8  }
0x2b2: {  	v4 =	vmov s13;
	v3 =	vmul.f32 v3, v3;
	v7 =	vor.u32 v1, v7  }
0x2b3: {  	v4 =	vshll.u32 v4, $0x8;
	s12 =	simm.s32 $0x920  }
0x2b4: {  	v2 =	vadd.f32 v3, v2;
	v3 =	vor.u32 v0, v4;
	v4 =	vshll.u32 v10, $0x3;
	v8 =	vld [tilespmem:s12+$0x0]  }
0x2b5: {  	v5 =	vsub.f32 $1.000000000e+00, v5;
	v3 =	vand.u32 $0x7800, v3;
	v4 =	vand.u32 $0xFFFFFC00, v4  }
0x2b6: {  	s13 =	simm.s32 $0x20;
	v9 =	vand.u32 $0x7F, v10;
	v3 =	vadd.s32 v3, v4  }
0x2b7: {  	v5 =	vmul.f32 v5, v5;
	v3 =	vor.u32 v9, v3;
	v4 =	vld.idx.msk [tilespmem:v7+s6+$0x0], $0xffff;
	v7 =	vmov s13  }
0x2b8: {  	v10 =	vsub.f32 $1.000000000e+00, v6;
	v3 =	vor.u32 v1, v3;
	v6 =	vshll.u32 v7, $0x8  }
0x2b9: {  	s12 =	simm.s32 $0x930;
	v9 =	vshll.u32 v8, $0x3;
	v7 =	vor.u32 v0, v6  }
0x2ba: {  	v2 =	vadd.f32 v5, v2;
	v6 =	vld [tilespmem:s12+$0x0];
	v5 =	vand.u32 $0x7800, v7;
	v7 =	vand.u32 $0xFFFFFC00, v9  }
0x2bb: {  	v8 =	vand.u32 $0x7F, v8;
	v5 =	vadd.s32 v5, v7  }
0x2bc: {  	s13 =	simm.s32 $0x30;
	v7 =	vmul.f32 v10, v10;
	v5 =	vor.u32 v8, v5;
	v4 =	vsub.f32 $1.000000000e+00, v4  }
0x2bd: {  	v3 =	vld.idx.msk [tilespmem:v3+s6+$0x0], $0xffff;
	v8 =	vmov s13;
	v5 =	vor.u32 v1, v5  }
0x2be: {  	v2 =	vadd.f32 v7, v2;
	v7 =	vshll.u32 v8, $0x8;
	v4 =	vmul.f32 v4, v4  }
0x2bf: {  	s11 =	simm.s32 $0x40;
	s12 =	simm.s32 $0x940;
	v7 =	vor.u32 v0, v7;
	v8 =	vshll.u32 v6, $0x3  }
.LBB2_38:
0x2c0: {  	v9 =	vld [tilespmem:s12+$0x0];
	p0 =	sne.s32 s11, $0x70;
	v7 =	vand.u32 $0x7800, v7;
	v8 =	vand.u32 $0xFFFFFC00, v8;
	v2 =	vadd.f32 v4, v2;
	s13 =	smov.u32 s11;
	s11 =	sadd.s32 $0x10, s11  }
.Ltmp18:
0x2c1: {  	v4 =	vand.u32 $0x7F, v6;
	v6 =	vadd.s32 v7, v8;
	(pc) =	sbr.rel @p0 .LBB2_38-.Ltmp18, $4  }
0x2c2: {  	v10 =	vsub.f32 $1.000000000e+00, v3;
	v4 =	vor.u32 v4, v6;
	v3 =	vld.idx.msk [tilespmem:v5+s6+$0x0], $0xffff  }
0x2c3: {  	v7 =	vmov s13;
	v5 =	vor.u32 v1, v4  }
0x2c4: {  	v7 =	vshll.u32 v7, $0x8;
	v4 =	vmul.f32 v10, v10  }
0x2c5: {  	s12 =	sadd.s32 $0x10, s12;
	v7 =	vor.u32 v0, v7;
	v8 =	vshll.u32 v9, $0x3;
	v6 =	vmov v9  }
0x2c6: {  	v7 =	vand.u32 $0x7800, v7;
	v8 =	vand.u32 $0xFFFFFC00, v8  }
0x2c7: {  	v6 =	vand.u32 $0x7F, v6;
	v7 =	vadd.s32 v7, v8  }
0x2c8: {  	v6 =	vor.u32 v6, v7  }
0x2c9: {  	v6 =	vor.u32 v1, v6;
	_ =	sdelay $0x3  }
0x2ca: {  	v5 =	vld.idx.msk [tilespmem:v5+s6+$0x0], $0xffff  }
0x2cb: {  	v6 =	vld.idx.msk [tilespmem:v6+s6+$0x0], $0xffff;
	_ =	swait.ge [sflag:s9], $0x8000  }
0x2cc: {  	[sflag:s9] =	ssyncset.done $0x0  }
0x2cd: {  	s11 =	simm.s32 $0x0;
	s12 =	simm.s32 $0x980;
	[sflag:s9] =	ssyncadd.s32 $0xFFFF8000  }
0x2ce: {  	[tilespmem:s6], [sflag:$0x1] =	stream.linear.gather [hbm4b:s21+s11], $0x8000, $0x38;
	[tilespmem:$0x10E80] =	vst v63  }
0x2cf: {  	v7 =	vld [tilespmem:s12+$0x0];
	_ =	sdelay $0x2  }
0x2d0: {  	v8 =	vmov s11  }
0x2d1: {  	v8 =	vshll.u32 v8, $0x8  }
0x2d2: {  	v8 =	vor.u32 v0, v8;
	s12 =	simm.s32 $0x990;
	v9 =	vshll.u32 v7, $0x3  }
0x2d3: {  	v8 =	vand.u32 $0x7800, v8;
	v10 =	vld [tilespmem:s12+$0x0];
	v9 =	vand.u32 $0xFFFFFC00, v9  }
0x2d4: {  	v3 =	vsub.f32 $1.000000000e+00, v3;
	v7 =	vand.u32 $0x7F, v7;
	v8 =	vadd.s32 v8, v9  }
0x2d5: {  	s13 =	simm.s32 $0x10;
	v2 =	vadd.f32 v4, v2;
	v7 =	vor.u32 v7, v8  }
0x2d6: {  	v4 =	vmov s13;
	v3 =	vmul.f32 v3, v3;
	v7 =	vor.u32 v1, v7  }
0x2d7: {  	v4 =	vshll.u32 v4, $0x8;
	s12 =	simm.s32 $0x9A0  }
0x2d8: {  	v2 =	vadd.f32 v3, v2;
	v3 =	vor.u32 v0, v4;
	v4 =	vshll.u32 v10, $0x3;
	v8 =	vld [tilespmem:s12+$0x0]  }
0x2d9: {  	v5 =	vsub.f32 $1.000000000e+00, v5;
	v3 =	vand.u32 $0x7800, v3;
	v4 =	vand.u32 $0xFFFFFC00, v4  }
0x2da: {  	s13 =	simm.s32 $0x20;
	v9 =	vand.u32 $0x7F, v10;
	v3 =	vadd.s32 v3, v4  }
0x2db: {  	v5 =	vmul.f32 v5, v5;
	v3 =	vor.u32 v9, v3;
	v4 =	vld.idx.msk [tilespmem:v7+s8+$0x0], $0xffff;
	v7 =	vmov s13  }
0x2dc: {  	v10 =	vsub.f32 $1.000000000e+00, v6;
	v3 =	vor.u32 v1, v3;
	v6 =	vshll.u32 v7, $0x8  }
0x2dd: {  	s12 =	simm.s32 $0x9B0;
	v9 =	vshll.u32 v8, $0x3;
	v7 =	vor.u32 v0, v6  }
0x2de: {  	v2 =	vadd.f32 v5, v2;
	v6 =	vld [tilespmem:s12+$0x0];
	v5 =	vand.u32 $0x7800, v7;
	v7 =	vand.u32 $0xFFFFFC00, v9  }
0x2df: {  	v8 =	vand.u32 $0x7F, v8;
	v5 =	vadd.s32 v5, v7  }
0x2e0: {  	s13 =	simm.s32 $0x30;
	v7 =	vmul.f32 v10, v10;
	v5 =	vor.u32 v8, v5;
	v4 =	vsub.f32 $1.000000000e+00, v4  }
0x2e1: {  	v3 =	vld.idx.msk [tilespmem:v3+s8+$0x0], $0xffff;
	v8 =	vmov s13;
	v5 =	vor.u32 v1, v5  }
0x2e2: {  	v2 =	vadd.f32 v7, v2;
	v7 =	vshll.u32 v8, $0x8;
	v4 =	vmul.f32 v4, v4  }
0x2e3: {  	s11 =	simm.s32 $0x40;
	s12 =	simm.s32 $0x9C0;
	v7 =	vor.u32 v0, v7;
	v8 =	vshll.u32 v6, $0x3  }
.LBB2_40:
0x2e4: {  	v9 =	vld [tilespmem:s12+$0x0];
	p0 =	sne.s32 s11, $0x70;
	v7 =	vand.u32 $0x7800, v7;
	v8 =	vand.u32 $0xFFFFFC00, v8;
	v2 =	vadd.f32 v4, v2;
	s13 =	smov.u32 s11;
	s11 =	sadd.s32 $0x10, s11  }
.Ltmp19:
0x2e5: {  	v4 =	vand.u32 $0x7F, v6;
	v6 =	vadd.s32 v7, v8;
	(pc) =	sbr.rel @p0 .LBB2_40-.Ltmp19, $4  }
0x2e6: {  	v10 =	vsub.f32 $1.000000000e+00, v3;
	v4 =	vor.u32 v4, v6;
	v3 =	vld.idx.msk [tilespmem:v5+s8+$0x0], $0xffff  }
0x2e7: {  	v7 =	vmov s13;
	v5 =	vor.u32 v1, v4  }
0x2e8: {  	v7 =	vshll.u32 v7, $0x8;
	v4 =	vmul.f32 v10, v10  }
0x2e9: {  	s12 =	sadd.s32 $0x10, s12;
	v7 =	vor.u32 v0, v7;
	v8 =	vshll.u32 v9, $0x3;
	v6 =	vmov v9  }
0x2ea: {  	v7 =	vand.u32 $0x7800, v7;
	v8 =	vand.u32 $0xFFFFFC00, v8  }
0x2eb: {  	v6 =	vand.u32 $0x7F, v6;
	v7 =	vadd.s32 v7, v8  }
0x2ec: {  	v6 =	vor.u32 v6, v7  }
0x2ed: {  	v6 =	vor.u32 v1, v6;
	_ =	sdelay $0x3  }
0x2ee: {  	v5 =	vld.idx.msk [tilespmem:v5+s8+$0x0], $0xffff  }
0x2ef: {  	v6 =	vld.idx.msk [tilespmem:v6+s8+$0x0], $0xffff;
	_ =	swait.ge [sflag:s7], $0x8000  }
0x2f0: {  	[sflag:s7] =	ssyncset.done $0x0  }
0x2f1: {  	s11 =	simm.s32 $0x0;
	s12 =	simm.s32 $0xA00;
	[sflag:s7] =	ssyncadd.s32 $0xFFFF8000  }
0x2f2: {  	[tilespmem:s8], [sflag:$0x2] =	stream.linear.gather [hbm4b:s22+s11], $0x8000, $0x38;
	[tilespmem:$0x10E80] =	vst v63  }
0x2f3: {  	v7 =	vld [tilespmem:s12+$0x0];
	_ =	sdelay $0x2  }
0x2f4: {  	v8 =	vmov s11  }
0x2f5: {  	v8 =	vshll.u32 v8, $0x8  }
0x2f6: {  	v8 =	vor.u32 v0, v8;
	s12 =	simm.s32 $0xA10;
	v9 =	vshll.u32 v7, $0x3  }
0x2f7: {  	v8 =	vand.u32 $0x7800, v8;
	v10 =	vld [tilespmem:s12+$0x0];
	v9 =	vand.u32 $0xFFFFFC00, v9  }
0x2f8: {  	v3 =	vsub.f32 $1.000000000e+00, v3;
	v7 =	vand.u32 $0x7F, v7;
	v8 =	vadd.s32 v8, v9  }
0x2f9: {  	s13 =	simm.s32 $0x10;
	v2 =	vadd.f32 v4, v2;
	v7 =	vor.u32 v7, v8  }
0x2fa: {  	v4 =	vmov s13;
	v3 =	vmul.f32 v3, v3;
	v7 =	vor.u32 v1, v7  }
0x2fb: {  	v4 =	vshll.u32 v4, $0x8;
	s12 =	simm.s32 $0xA20  }
0x2fc: {  	v2 =	vadd.f32 v3, v2;
	v3 =	vor.u32 v0, v4;
	v4 =	vshll.u32 v10, $0x3;
	v8 =	vld [tilespmem:s12+$0x0]  }
0x2fd: {  	v5 =	vsub.f32 $1.000000000e+00, v5;
	v3 =	vand.u32 $0x7800, v3;
	v4 =	vand.u32 $0xFFFFFC00, v4  }
0x2fe: {  	s13 =	simm.s32 $0x20;
	v9 =	vand.u32 $0x7F, v10;
	v3 =	vadd.s32 v3, v4  }
0x2ff: {  	v5 =	vmul.f32 v5, v5;
	v3 =	vor.u32 v9, v3;
	v4 =	vld.idx.msk [tilespmem:v7+s6+$0x0], $0xffff;
	v7 =	vmov s13  }
0x300: {  	v10 =	vsub.f32 $1.000000000e+00, v6;
	v3 =	vor.u32 v1, v3;
	v6 =	vshll.u32 v7, $0x8  }
0x301: {  	s12 =	simm.s32 $0xA30;
	v9 =	vshll.u32 v8, $0x3;
	v7 =	vor.u32 v0, v6  }
0x302: {  	v2 =	vadd.f32 v5, v2;
	v6 =	vld [tilespmem:s12+$0x0];
	v5 =	vand.u32 $0x7800, v7;
	v7 =	vand.u32 $0xFFFFFC00, v9  }
0x303: {  	v8 =	vand.u32 $0x7F, v8;
	v5 =	vadd.s32 v5, v7  }
0x304: {  	s13 =	simm.s32 $0x30;
	v7 =	vmul.f32 v10, v10;
	v5 =	vor.u32 v8, v5;
	v4 =	vsub.f32 $1.000000000e+00, v4  }
0x305: {  	v3 =	vld.idx.msk [tilespmem:v3+s6+$0x0], $0xffff;
	v8 =	vmov s13;
	v5 =	vor.u32 v1, v5  }
0x306: {  	v2 =	vadd.f32 v7, v2;
	v7 =	vshll.u32 v8, $0x8;
	v4 =	vmul.f32 v4, v4  }
0x307: {  	s11 =	simm.s32 $0x40;
	s12 =	simm.s32 $0xA40;
	v7 =	vor.u32 v0, v7;
	v8 =	vshll.u32 v6, $0x3  }
.LBB2_42:
0x308: {  	v9 =	vld [tilespmem:s12+$0x0];
	p0 =	sne.s32 s11, $0x70;
	v7 =	vand.u32 $0x7800, v7;
	v8 =	vand.u32 $0xFFFFFC00, v8;
	v2 =	vadd.f32 v4, v2;
	s13 =	smov.u32 s11;
	s11 =	sadd.s32 $0x10, s11  }
.Ltmp20:
0x309: {  	v4 =	vand.u32 $0x7F, v6;
	v6 =	vadd.s32 v7, v8;
	(pc) =	sbr.rel @p0 .LBB2_42-.Ltmp20, $4  }
0x30a: {  	v10 =	vsub.f32 $1.000000000e+00, v3;
	v4 =	vor.u32 v4, v6;
	v3 =	vld.idx.msk [tilespmem:v5+s6+$0x0], $0xffff  }
0x30b: {  	v7 =	vmov s13;
	v5 =	vor.u32 v1, v4  }
0x30c: {  	v7 =	vshll.u32 v7, $0x8;
	v4 =	vmul.f32 v10, v10  }
0x30d: {  	s12 =	sadd.s32 $0x10, s12;
	v7 =	vor.u32 v0, v7;
	v8 =	vshll.u32 v9, $0x3;
	v6 =	vmov v9  }
0x30e: {  	v7 =	vand.u32 $0x7800, v7;
	v8 =	vand.u32 $0xFFFFFC00, v8  }
0x30f: {  	v6 =	vand.u32 $0x7F, v6;
	v7 =	vadd.s32 v7, v8  }
0x310: {  	v6 =	vor.u32 v6, v7  }
0x311: {  	v6 =	vor.u32 v1, v6;
	_ =	sdelay $0x3  }
0x312: {  	v5 =	vld.idx.msk [tilespmem:v5+s6+$0x0], $0xffff  }
0x313: {  	v6 =	vld.idx.msk [tilespmem:v6+s6+$0x0], $0xffff;
	_ =	swait.ge [sflag:s9], $0x8000  }
0x314: {  	[sflag:s9] =	ssyncset.done $0x0  }
0x315: {  	s11 =	simm.s32 $0x0;
	s12 =	simm.s32 $0xA80;
	[sflag:s9] =	ssyncadd.s32 $0xFFFF8000  }
0x316: {  	[tilespmem:s6], [sflag:$0x1] =	stream.linear.gather [hbm4b:s23+s11], $0x8000, $0x38;
	[tilespmem:$0x10E80] =	vst v63  }
0x317: {  	v7 =	vld [tilespmem:s12+$0x0];
	_ =	sdelay $0x2  }
0x318: {  	v8 =	vmov s11  }
0x319: {  	v8 =	vshll.u32 v8, $0x8  }
0x31a: {  	v8 =	vor.u32 v0, v8;
	s12 =	simm.s32 $0xA90;
	v9 =	vshll.u32 v7, $0x3  }
0x31b: {  	v8 =	vand.u32 $0x7800, v8;
	v10 =	vld [tilespmem:s12+$0x0];
	v9 =	vand.u32 $0xFFFFFC00, v9  }
0x31c: {  	v3 =	vsub.f32 $1.000000000e+00, v3;
	v7 =	vand.u32 $0x7F, v7;
	v8 =	vadd.s32 v8, v9  }
0x31d: {  	s13 =	simm.s32 $0x10;
	v2 =	vadd.f32 v4, v2;
	v7 =	vor.u32 v7, v8  }
0x31e: {  	v4 =	vmov s13;
	v3 =	vmul.f32 v3, v3;
	v7 =	vor.u32 v1, v7  }
0x31f: {  	v4 =	vshll.u32 v4, $0x8;
	s12 =	simm.s32 $0xAA0  }
0x320: {  	v2 =	vadd.f32 v3, v2;
	v3 =	vor.u32 v0, v4;
	v4 =	vshll.u32 v10, $0x3;
	v8 =	vld [tilespmem:s12+$0x0]  }
0x321: {  	v5 =	vsub.f32 $1.000000000e+00, v5;
	v3 =	vand.u32 $0x7800, v3;
	v4 =	vand.u32 $0xFFFFFC00, v4  }
0x322: {  	s13 =	simm.s32 $0x20;
	v9 =	vand.u32 $0x7F, v10;
	v3 =	vadd.s32 v3, v4  }
0x323: {  	v5 =	vmul.f32 v5, v5;
	v3 =	vor.u32 v9, v3;
	v4 =	vld.idx.msk [tilespmem:v7+s8+$0x0], $0xffff;
	v7 =	vmov s13  }
0x324: {  	v10 =	vsub.f32 $1.000000000e+00, v6;
	v3 =	vor.u32 v1, v3;
	v6 =	vshll.u32 v7, $0x8  }
0x325: {  	s12 =	simm.s32 $0xAB0;
	v9 =	vshll.u32 v8, $0x3;
	v7 =	vor.u32 v0, v6  }
0x326: {  	v2 =	vadd.f32 v5, v2;
	v6 =	vld [tilespmem:s12+$0x0];
	v5 =	vand.u32 $0x7800, v7;
	v7 =	vand.u32 $0xFFFFFC00, v9  }
0x327: {  	v8 =	vand.u32 $0x7F, v8;
	v5 =	vadd.s32 v5, v7  }
0x328: {  	s13 =	simm.s32 $0x30;
	v7 =	vmul.f32 v10, v10;
	v5 =	vor.u32 v8, v5;
	v4 =	vsub.f32 $1.000000000e+00, v4  }
0x329: {  	v3 =	vld.idx.msk [tilespmem:v3+s8+$0x0], $0xffff;
	v8 =	vmov s13;
	v5 =	vor.u32 v1, v5  }
0x32a: {  	v2 =	vadd.f32 v7, v2;
	v7 =	vshll.u32 v8, $0x8;
	v4 =	vmul.f32 v4, v4  }
0x32b: {  	s11 =	simm.s32 $0x40;
	s12 =	simm.s32 $0xAC0;
	v7 =	vor.u32 v0, v7;
	v8 =	vshll.u32 v6, $0x3  }
.LBB2_44:
0x32c: {  	v9 =	vld [tilespmem:s12+$0x0];
	p0 =	sne.s32 s11, $0x70;
	v7 =	vand.u32 $0x7800, v7;
	v8 =	vand.u32 $0xFFFFFC00, v8;
	v2 =	vadd.f32 v4, v2;
	s13 =	smov.u32 s11;
	s11 =	sadd.s32 $0x10, s11  }
.Ltmp21:
0x32d: {  	v4 =	vand.u32 $0x7F, v6;
	v6 =	vadd.s32 v7, v8;
	(pc) =	sbr.rel @p0 .LBB2_44-.Ltmp21, $4  }
0x32e: {  	v10 =	vsub.f32 $1.000000000e+00, v3;
	v4 =	vor.u32 v4, v6;
	v3 =	vld.idx.msk [tilespmem:v5+s8+$0x0], $0xffff  }
0x32f: {  	v7 =	vmov s13;
	v5 =	vor.u32 v1, v4  }
0x330: {  	v7 =	vshll.u32 v7, $0x8;
	v4 =	vmul.f32 v10, v10  }
0x331: {  	s12 =	sadd.s32 $0x10, s12;
	v7 =	vor.u32 v0, v7;
	v8 =	vshll.u32 v9, $0x3;
	v6 =	vmov v9  }
0x332: {  	v7 =	vand.u32 $0x7800, v7;
	v8 =	vand.u32 $0xFFFFFC00, v8  }
0x333: {  	v6 =	vand.u32 $0x7F, v6;
	v7 =	vadd.s32 v7, v8  }
0x334: {  	v6 =	vor.u32 v6, v7  }
0x335: {  	v6 =	vor.u32 v1, v6;
	_ =	sdelay $0x3  }
0x336: {  	v5 =	vld.idx.msk [tilespmem:v5+s8+$0x0], $0xffff  }
0x337: {  	v6 =	vld.idx.msk [tilespmem:v6+s8+$0x0], $0xffff;
	_ =	swait.ge [sflag:s7], $0x8000  }
0x338: {  	[sflag:s7] =	ssyncset.done $0x0  }
0x339: {  	s11 =	simm.s32 $0x0;
	s12 =	simm.s32 $0xB00;
	[sflag:s7] =	ssyncadd.s32 $0xFFFF8000  }
0x33a: {  	[tilespmem:s8], [sflag:$0x2] =	stream.linear.gather [hbm4b:s24+s11], $0x8000, $0x38;
	[tilespmem:$0x10E80] =	vst v63  }
0x33b: {  	v7 =	vld [tilespmem:s12+$0x0];
	_ =	sdelay $0x2  }
0x33c: {  	v8 =	vmov s11  }
0x33d: {  	v8 =	vshll.u32 v8, $0x8  }
0x33e: {  	v8 =	vor.u32 v0, v8;
	s12 =	simm.s32 $0xB10;
	v9 =	vshll.u32 v7, $0x3  }
0x33f: {  	v8 =	vand.u32 $0x7800, v8;
	v10 =	vld [tilespmem:s12+$0x0];
	v9 =	vand.u32 $0xFFFFFC00, v9  }
0x340: {  	v3 =	vsub.f32 $1.000000000e+00, v3;
	v7 =	vand.u32 $0x7F, v7;
	v8 =	vadd.s32 v8, v9  }
0x341: {  	s13 =	simm.s32 $0x10;
	v2 =	vadd.f32 v4, v2;
	v7 =	vor.u32 v7, v8  }
0x342: {  	v4 =	vmov s13;
	v3 =	vmul.f32 v3, v3;
	v7 =	vor.u32 v1, v7  }
0x343: {  	v4 =	vshll.u32 v4, $0x8;
	s12 =	simm.s32 $0xB20  }
0x344: {  	v2 =	vadd.f32 v3, v2;
	v3 =	vor.u32 v0, v4;
	v4 =	vshll.u32 v10, $0x3;
	v8 =	vld [tilespmem:s12+$0x0]  }
0x345: {  	v5 =	vsub.f32 $1.000000000e+00, v5;
	v3 =	vand.u32 $0x7800, v3;
	v4 =	vand.u32 $0xFFFFFC00, v4  }
0x346: {  	s13 =	simm.s32 $0x20;
	v9 =	vand.u32 $0x7F, v10;
	v3 =	vadd.s32 v3, v4  }
0x347: {  	v5 =	vmul.f32 v5, v5;
	v3 =	vor.u32 v9, v3;
	v4 =	vld.idx.msk [tilespmem:v7+s6+$0x0], $0xffff;
	v7 =	vmov s13  }
0x348: {  	v10 =	vsub.f32 $1.000000000e+00, v6;
	v3 =	vor.u32 v1, v3;
	v6 =	vshll.u32 v7, $0x8  }
0x349: {  	s12 =	simm.s32 $0xB30;
	v9 =	vshll.u32 v8, $0x3;
	v7 =	vor.u32 v0, v6  }
0x34a: {  	v2 =	vadd.f32 v5, v2;
	v6 =	vld [tilespmem:s12+$0x0];
	v5 =	vand.u32 $0x7800, v7;
	v7 =	vand.u32 $0xFFFFFC00, v9  }
0x34b: {  	v8 =	vand.u32 $0x7F, v8;
	v5 =	vadd.s32 v5, v7  }
0x34c: {  	s13 =	simm.s32 $0x30;
	v7 =	vmul.f32 v10, v10;
	v5 =	vor.u32 v8, v5;
	v4 =	vsub.f32 $1.000000000e+00, v4  }
0x34d: {  	v3 =	vld.idx.msk [tilespmem:v3+s6+$0x0], $0xffff;
	v8 =	vmov s13;
	v5 =	vor.u32 v1, v5  }
0x34e: {  	v2 =	vadd.f32 v7, v2;
	v7 =	vshll.u32 v8, $0x8;
	v4 =	vmul.f32 v4, v4  }
0x34f: {  	s11 =	simm.s32 $0x40;
	s12 =	simm.s32 $0xB40;
	v7 =	vor.u32 v0, v7;
	v8 =	vshll.u32 v6, $0x3  }
.LBB2_46:
0x350: {  	v9 =	vld [tilespmem:s12+$0x0];
	p0 =	sne.s32 s11, $0x70;
	v7 =	vand.u32 $0x7800, v7;
	v8 =	vand.u32 $0xFFFFFC00, v8;
	v2 =	vadd.f32 v4, v2;
	s13 =	smov.u32 s11;
	s11 =	sadd.s32 $0x10, s11  }
.Ltmp22:
0x351: {  	v4 =	vand.u32 $0x7F, v6;
	v6 =	vadd.s32 v7, v8;
	(pc) =	sbr.rel @p0 .LBB2_46-.Ltmp22, $4  }
0x352: {  	v10 =	vsub.f32 $1.000000000e+00, v3;
	v4 =	vor.u32 v4, v6;
	v3 =	vld.idx.msk [tilespmem:v5+s6+$0x0], $0xffff  }
0x353: {  	v7 =	vmov s13;
	v5 =	vor.u32 v1, v4  }
0x354: {  	v7 =	vshll.u32 v7, $0x8;
	v4 =	vmul.f32 v10, v10  }
0x355: {  	s12 =	sadd.s32 $0x10, s12;
	v7 =	vor.u32 v0, v7;
	v8 =	vshll.u32 v9, $0x3;
	v6 =	vmov v9  }
0x356: {  	v7 =	vand.u32 $0x7800, v7;
	v8 =	vand.u32 $0xFFFFFC00, v8  }
0x357: {  	v6 =	vand.u32 $0x7F, v6;
	v7 =	vadd.s32 v7, v8  }
0x358: {  	v6 =	vor.u32 v6, v7  }
0x359: {  	v6 =	vor.u32 v1, v6;
	_ =	sdelay $0x3  }
0x35a: {  	v5 =	vld.idx.msk [tilespmem:v5+s6+$0x0], $0xffff  }
0x35b: {  	v6 =	vld.idx.msk [tilespmem:v6+s6+$0x0], $0xffff;
	_ =	swait.ge [sflag:s9], $0x8000  }
0x35c: {  	[sflag:s9] =	ssyncset.done $0x0  }
0x35d: {  	s11 =	simm.s32 $0x0;
	s12 =	simm.s32 $0xB80;
	[sflag:s9] =	ssyncadd.s32 $0xFFFF8000  }
0x35e: {  	[tilespmem:s6], [sflag:$0x1] =	stream.linear.gather [hbm4b:s25+s11], $0x8000, $0x38;
	[tilespmem:$0x10E80] =	vst v63  }
0x35f: {  	v7 =	vld [tilespmem:s12+$0x0];
	_ =	sdelay $0x2  }
0x360: {  	v8 =	vmov s11  }
0x361: {  	v8 =	vshll.u32 v8, $0x8  }
0x362: {  	v8 =	vor.u32 v0, v8;
	s12 =	simm.s32 $0xB90;
	v9 =	vshll.u32 v7, $0x3  }
0x363: {  	v8 =	vand.u32 $0x7800, v8;
	v10 =	vld [tilespmem:s12+$0x0];
	v9 =	vand.u32 $0xFFFFFC00, v9  }
0x364: {  	v3 =	vsub.f32 $1.000000000e+00, v3;
	v7 =	vand.u32 $0x7F, v7;
	v8 =	vadd.s32 v8, v9  }
0x365: {  	s13 =	simm.s32 $0x10;
	v2 =	vadd.f32 v4, v2;
	v7 =	vor.u32 v7, v8  }
0x366: {  	v4 =	vmov s13;
	v3 =	vmul.f32 v3, v3;
	v7 =	vor.u32 v1, v7  }
0x367: {  	v4 =	vshll.u32 v4, $0x8;
	s12 =	simm.s32 $0xBA0  }
0x368: {  	v2 =	vadd.f32 v3, v2;
	v3 =	vor.u32 v0, v4;
	v4 =	vshll.u32 v10, $0x3;
	v8 =	vld [tilespmem:s12+$0x0]  }
0x369: {  	v5 =	vsub.f32 $1.000000000e+00, v5;
	v3 =	vand.u32 $0x7800, v3;
	v4 =	vand.u32 $0xFFFFFC00, v4  }
0x36a: {  	s13 =	simm.s32 $0x20;
	v9 =	vand.u32 $0x7F, v10;
	v3 =	vadd.s32 v3, v4  }
0x36b: {  	v5 =	vmul.f32 v5, v5;
	v3 =	vor.u32 v9, v3;
	v4 =	vld.idx.msk [tilespmem:v7+s8+$0x0], $0xffff;
	v7 =	vmov s13  }
0x36c: {  	v10 =	vsub.f32 $1.000000000e+00, v6;
	v3 =	vor.u32 v1, v3;
	v6 =	vshll.u32 v7, $0x8  }
0x36d: {  	s12 =	simm.s32 $0xBB0;
	v9 =	vshll.u32 v8, $0x3;
	v7 =	vor.u32 v0, v6  }
0x36e: {  	v2 =	vadd.f32 v5, v2;
	v6 =	vld [tilespmem:s12+$0x0];
	v5 =	vand.u32 $0x7800, v7;
	v7 =	vand.u32 $0xFFFFFC00, v9  }
0x36f: {  	v8 =	vand.u32 $0x7F, v8;
	v5 =	vadd.s32 v5, v7  }
0x370: {  	s13 =	simm.s32 $0x30;
	v7 =	vmul.f32 v10, v10;
	v5 =	vor.u32 v8, v5;
	v4 =	vsub.f32 $1.000000000e+00, v4  }
0x371: {  	v3 =	vld.idx.msk [tilespmem:v3+s8+$0x0], $0xffff;
	v8 =	vmov s13;
	v5 =	vor.u32 v1, v5  }
0x372: {  	v2 =	vadd.f32 v7, v2;
	v7 =	vshll.u32 v8, $0x8;
	v4 =	vmul.f32 v4, v4  }
0x373: {  	s11 =	simm.s32 $0x40;
	s12 =	simm.s32 $0xBC0;
	v7 =	vor.u32 v0, v7;
	v8 =	vshll.u32 v6, $0x3  }
.LBB2_48:
0x374: {  	v9 =	vld [tilespmem:s12+$0x0];
	p0 =	sne.s32 s11, $0x70;
	v7 =	vand.u32 $0x7800, v7;
	v8 =	vand.u32 $0xFFFFFC00, v8;
	v2 =	vadd.f32 v4, v2;
	s13 =	smov.u32 s11;
	s11 =	sadd.s32 $0x10, s11  }
.Ltmp23:
0x375: {  	v4 =	vand.u32 $0x7F, v6;
	v6 =	vadd.s32 v7, v8;
	(pc) =	sbr.rel @p0 .LBB2_48-.Ltmp23, $4  }
0x376: {  	v10 =	vsub.f32 $1.000000000e+00, v3;
	v4 =	vor.u32 v4, v6;
	v3 =	vld.idx.msk [tilespmem:v5+s8+$0x0], $0xffff  }
0x377: {  	v7 =	vmov s13;
	v5 =	vor.u32 v1, v4  }
0x378: {  	v7 =	vshll.u32 v7, $0x8;
	v4 =	vmul.f32 v10, v10  }
0x379: {  	s12 =	sadd.s32 $0x10, s12;
	v7 =	vor.u32 v0, v7;
	v8 =	vshll.u32 v9, $0x3;
	v6 =	vmov v9  }
0x37a: {  	v7 =	vand.u32 $0x7800, v7;
	v8 =	vand.u32 $0xFFFFFC00, v8  }
0x37b: {  	v6 =	vand.u32 $0x7F, v6;
	v7 =	vadd.s32 v7, v8  }
0x37c: {  	v6 =	vor.u32 v6, v7  }
0x37d: {  	v6 =	vor.u32 v1, v6;
	_ =	sdelay $0x3  }
0x37e: {  	v5 =	vld.idx.msk [tilespmem:v5+s8+$0x0], $0xffff  }
0x37f: {  	v6 =	vld.idx.msk [tilespmem:v6+s8+$0x0], $0xffff;
	_ =	swait.ge [sflag:s7], $0x8000  }
0x380: {  	[sflag:s7] =	ssyncset.done $0x0  }
0x381: {  	s11 =	simm.s32 $0x0;
	s12 =	simm.s32 $0xC00;
	[sflag:s7] =	ssyncadd.s32 $0xFFFF8000  }
0x382: {  	[tilespmem:s8], [sflag:$0x2] =	stream.linear.gather [hbm4b:s26+s11], $0x8000, $0x38;
	[tilespmem:$0x10E80] =	vst v63  }
0x383: {  	v7 =	vld [tilespmem:s12+$0x0];
	_ =	sdelay $0x2  }
0x384: {  	v8 =	vmov s11  }
0x385: {  	v8 =	vshll.u32 v8, $0x8  }
0x386: {  	v8 =	vor.u32 v0, v8;
	s12 =	simm.s32 $0xC10;
	v9 =	vshll.u32 v7, $0x3  }
0x387: {  	v8 =	vand.u32 $0x7800, v8;
	v10 =	vld [tilespmem:s12+$0x0];
	v9 =	vand.u32 $0xFFFFFC00, v9  }
0x388: {  	v3 =	vsub.f32 $1.000000000e+00, v3;
	v7 =	vand.u32 $0x7F, v7;
	v8 =	vadd.s32 v8, v9  }
0x389: {  	s13 =	simm.s32 $0x10;
	v2 =	vadd.f32 v4, v2;
	v7 =	vor.u32 v7, v8  }
0x38a: {  	v4 =	vmov s13;
	v3 =	vmul.f32 v3, v3;
	v7 =	vor.u32 v1, v7  }
0x38b: {  	v4 =	vshll.u32 v4, $0x8;
	s12 =	simm.s32 $0xC20  }
0x38c: {  	v2 =	vadd.f32 v3, v2;
	v3 =	vor.u32 v0, v4;
	v4 =	vshll.u32 v10, $0x3;
	v8 =	vld [tilespmem:s12+$0x0]  }
0x38d: {  	v5 =	vsub.f32 $1.000000000e+00, v5;
	v3 =	vand.u32 $0x7800, v3;
	v4 =	vand.u32 $0xFFFFFC00, v4  }
0x38e: {  	s13 =	simm.s32 $0x20;
	v9 =	vand.u32 $0x7F, v10;
	v3 =	vadd.s32 v3, v4  }
0x38f: {  	v5 =	vmul.f32 v5, v5;
	v3 =	vor.u32 v9, v3;
	v4 =	vld.idx.msk [tilespmem:v7+s6+$0x0], $0xffff;
	v7 =	vmov s13  }
0x390: {  	v10 =	vsub.f32 $1.000000000e+00, v6;
	v3 =	vor.u32 v1, v3;
	v6 =	vshll.u32 v7, $0x8  }
0x391: {  	s12 =	simm.s32 $0xC30;
	v9 =	vshll.u32 v8, $0x3;
	v7 =	vor.u32 v0, v6  }
0x392: {  	v2 =	vadd.f32 v5, v2;
	v6 =	vld [tilespmem:s12+$0x0];
	v5 =	vand.u32 $0x7800, v7;
	v7 =	vand.u32 $0xFFFFFC00, v9  }
0x393: {  	v8 =	vand.u32 $0x7F, v8;
	v5 =	vadd.s32 v5, v7  }
0x394: {  	s13 =	simm.s32 $0x30;
	v7 =	vmul.f32 v10, v10;
	v5 =	vor.u32 v8, v5;
	v4 =	vsub.f32 $1.000000000e+00, v4  }
0x395: {  	v3 =	vld.idx.msk [tilespmem:v3+s6+$0x0], $0xffff;
	v8 =	vmov s13;
	v5 =	vor.u32 v1, v5  }
0x396: {  	v2 =	vadd.f32 v7, v2;
	v7 =	vshll.u32 v8, $0x8;
	v4 =	vmul.f32 v4, v4  }
0x397: {  	s11 =	simm.s32 $0x40;
	s12 =	simm.s32 $0xC40;
	v7 =	vor.u32 v0, v7;
	v8 =	vshll.u32 v6, $0x3  }
.LBB2_50:
0x398: {  	v9 =	vld [tilespmem:s12+$0x0];
	p0 =	sne.s32 s11, $0x70;
	v7 =	vand.u32 $0x7800, v7;
	v8 =	vand.u32 $0xFFFFFC00, v8;
	v2 =	vadd.f32 v4, v2;
	s13 =	smov.u32 s11;
	s11 =	sadd.s32 $0x10, s11  }
.Ltmp24:
0x399: {  	v4 =	vand.u32 $0x7F, v6;
	v6 =	vadd.s32 v7, v8;
	(pc) =	sbr.rel @p0 .LBB2_50-.Ltmp24, $4  }
0x39a: {  	v10 =	vsub.f32 $1.000000000e+00, v3;
	v4 =	vor.u32 v4, v6;
	v3 =	vld.idx.msk [tilespmem:v5+s6+$0x0], $0xffff  }
0x39b: {  	v7 =	vmov s13;
	v5 =	vor.u32 v1, v4  }
0x39c: {  	v7 =	vshll.u32 v7, $0x8;
	v4 =	vmul.f32 v10, v10  }
0x39d: {  	s12 =	sadd.s32 $0x10, s12;
	v7 =	vor.u32 v0, v7;
	v8 =	vshll.u32 v9, $0x3;
	v6 =	vmov v9  }
0x39e: {  	v7 =	vand.u32 $0x7800, v7;
	v8 =	vand.u32 $0xFFFFFC00, v8  }
0x39f: {  	v6 =	vand.u32 $0x7F, v6;
	v7 =	vadd.s32 v7, v8  }
0x3a0: {  	v6 =	vor.u32 v6, v7  }
0x3a1: {  	v6 =	vor.u32 v1, v6;
	_ =	sdelay $0x3  }
0x3a2: {  	v5 =	vld.idx.msk [tilespmem:v5+s6+$0x0], $0xffff  }
0x3a3: {  	v6 =	vld.idx.msk [tilespmem:v6+s6+$0x0], $0xffff;
	_ =	swait.ge [sflag:s9], $0x8000  }
0x3a4: {  	[sflag:s9] =	ssyncset.done $0x0  }
0x3a5: {  	s11 =	simm.s32 $0x0;
	s12 =	simm.s32 $0xC80;
	[sflag:s9] =	ssyncadd.s32 $0xFFFF8000  }
0x3a6: {  	[tilespmem:s6], [sflag:$0x1] =	stream.linear.gather [hbm4b:s28+s11], $0x8000, $0x38;
	[tilespmem:$0x10E80] =	vst v63  }
0x3a7: {  	v7 =	vld [tilespmem:s12+$0x0];
	_ =	sdelay $0x2  }
0x3a8: {  	v8 =	vmov s11  }
0x3a9: {  	v8 =	vshll.u32 v8, $0x8  }
0x3aa: {  	v8 =	vor.u32 v0, v8;
	s12 =	simm.s32 $0xC90;
	v9 =	vshll.u32 v7, $0x3  }
0x3ab: {  	v8 =	vand.u32 $0x7800, v8;
	v10 =	vld [tilespmem:s12+$0x0];
	v9 =	vand.u32 $0xFFFFFC00, v9  }
0x3ac: {  	v3 =	vsub.f32 $1.000000000e+00, v3;
	v7 =	vand.u32 $0x7F, v7;
	v8 =	vadd.s32 v8, v9  }
0x3ad: {  	s13 =	simm.s32 $0x10;
	v2 =	vadd.f32 v4, v2;
	v7 =	vor.u32 v7, v8  }
0x3ae: {  	v4 =	vmov s13;
	v3 =	vmul.f32 v3, v3;
	v7 =	vor.u32 v1, v7  }
0x3af: {  	v4 =	vshll.u32 v4, $0x8;
	s12 =	simm.s32 $0xCA0  }
0x3b0: {  	v2 =	vadd.f32 v3, v2;
	v3 =	vor.u32 v0, v4;
	v4 =	vshll.u32 v10, $0x3;
	v8 =	vld [tilespmem:s12+$0x0]  }
0x3b1: {  	v5 =	vsub.f32 $1.000000000e+00, v5;
	v3 =	vand.u32 $0x7800, v3;
	v4 =	vand.u32 $0xFFFFFC00, v4  }
0x3b2: {  	s13 =	simm.s32 $0x20;
	v9 =	vand.u32 $0x7F, v10;
	v3 =	vadd.s32 v3, v4  }
0x3b3: {  	v5 =	vmul.f32 v5, v5;
	v3 =	vor.u32 v9, v3;
	v4 =	vld.idx.msk [tilespmem:v7+s8+$0x0], $0xffff;
	v7 =	vmov s13  }
0x3b4: {  	v10 =	vsub.f32 $1.000000000e+00, v6;
	v3 =	vor.u32 v1, v3;
	v6 =	vshll.u32 v7, $0x8  }
0x3b5: {  	s12 =	simm.s32 $0xCB0;
	v9 =	vshll.u32 v8, $0x3;
	v7 =	vor.u32 v0, v6  }
0x3b6: {  	v2 =	vadd.f32 v5, v2;
	v6 =	vld [tilespmem:s12+$0x0];
	v5 =	vand.u32 $0x7800, v7;
	v7 =	vand.u32 $0xFFFFFC00, v9  }
0x3b7: {  	v8 =	vand.u32 $0x7F, v8;
	v5 =	vadd.s32 v5, v7  }
0x3b8: {  	s13 =	simm.s32 $0x30;
	v7 =	vmul.f32 v10, v10;
	v5 =	vor.u32 v8, v5;
	v4 =	vsub.f32 $1.000000000e+00, v4  }
0x3b9: {  	v3 =	vld.idx.msk [tilespmem:v3+s8+$0x0], $0xffff;
	v8 =	vmov s13;
	v5 =	vor.u32 v1, v5  }
0x3ba: {  	v2 =	vadd.f32 v7, v2;
	v7 =	vshll.u32 v8, $0x8;
	v4 =	vmul.f32 v4, v4  }
0x3bb: {  	s11 =	simm.s32 $0x40;
	s12 =	simm.s32 $0xCC0;
	v7 =	vor.u32 v0, v7;
	v8 =	vshll.u32 v6, $0x3  }
.LBB2_52:
0x3bc: {  	v9 =	vld [tilespmem:s12+$0x0];
	p0 =	sne.s32 s11, $0x70;
	v7 =	vand.u32 $0x7800, v7;
	v8 =	vand.u32 $0xFFFFFC00, v8;
	v2 =	vadd.f32 v4, v2;
	s13 =	smov.u32 s11;
	s11 =	sadd.s32 $0x10, s11  }
.Ltmp25:
0x3bd: {  	v4 =	vand.u32 $0x7F, v6;
	v6 =	vadd.s32 v7, v8;
	(pc) =	sbr.rel @p0 .LBB2_52-.Ltmp25, $4  }
0x3be: {  	v10 =	vsub.f32 $1.000000000e+00, v3;
	v4 =	vor.u32 v4, v6;
	v3 =	vld.idx.msk [tilespmem:v5+s8+$0x0], $0xffff  }
0x3bf: {  	v7 =	vmov s13;
	v5 =	vor.u32 v1, v4  }
0x3c0: {  	v7 =	vshll.u32 v7, $0x8;
	v4 =	vmul.f32 v10, v10  }
0x3c1: {  	s12 =	sadd.s32 $0x10, s12;
	v7 =	vor.u32 v0, v7;
	v8 =	vshll.u32 v9, $0x3;
	v6 =	vmov v9  }
0x3c2: {  	v7 =	vand.u32 $0x7800, v7;
	v8 =	vand.u32 $0xFFFFFC00, v8  }
0x3c3: {  	v6 =	vand.u32 $0x7F, v6;
	v7 =	vadd.s32 v7, v8  }
0x3c4: {  	v6 =	vor.u32 v6, v7  }
0x3c5: {  	v6 =	vor.u32 v1, v6;
	_ =	sdelay $0x3  }
0x3c6: {  	v5 =	vld.idx.msk [tilespmem:v5+s8+$0x0], $0xffff  }
0x3c7: {  	v6 =	vld.idx.msk [tilespmem:v6+s8+$0x0], $0xffff;
	_ =	swait.ge [sflag:s7], $0x8000  }
0x3c8: {  	[sflag:s7] =	ssyncset.done $0x0  }
0x3c9: {  	s11 =	simm.s32 $0x0;
	s12 =	simm.s32 $0xD00;
	[sflag:s7] =	ssyncadd.s32 $0xFFFF8000  }
0x3ca: {  	[tilespmem:s8], [sflag:$0x2] =	stream.linear.gather [hbm4b:s29+s11], $0x8000, $0x38;
	[tilespmem:$0x10E80] =	vst v63  }
0x3cb: {  	v7 =	vld [tilespmem:s12+$0x0];
	_ =	sdelay $0x2  }
0x3cc: {  	v8 =	vmov s11  }
0x3cd: {  	v8 =	vshll.u32 v8, $0x8  }
0x3ce: {  	v8 =	vor.u32 v0, v8;
	s12 =	simm.s32 $0xD10;
	v9 =	vshll.u32 v7, $0x3  }
0x3cf: {  	v8 =	vand.u32 $0x7800, v8;
	v10 =	vld [tilespmem:s12+$0x0];
	v9 =	vand.u32 $0xFFFFFC00, v9  }
0x3d0: {  	v3 =	vsub.f32 $1.000000000e+00, v3;
	v7 =	vand.u32 $0x7F, v7;
	v8 =	vadd.s32 v8, v9  }
0x3d1: {  	s13 =	simm.s32 $0x10;
	v2 =	vadd.f32 v4, v2;
	v7 =	vor.u32 v7, v8  }
0x3d2: {  	v4 =	vmov s13;
	v3 =	vmul.f32 v3, v3;
	v7 =	vor.u32 v1, v7  }
0x3d3: {  	v4 =	vshll.u32 v4, $0x8;
	s12 =	simm.s32 $0xD20  }
0x3d4: {  	v2 =	vadd.f32 v3, v2;
	v3 =	vor.u32 v0, v4;
	v4 =	vshll.u32 v10, $0x3;
	v8 =	vld [tilespmem:s12+$0x0]  }
0x3d5: {  	v5 =	vsub.f32 $1.000000000e+00, v5;
	v3 =	vand.u32 $0x7800, v3;
	v4 =	vand.u32 $0xFFFFFC00, v4  }
0x3d6: {  	s13 =	simm.s32 $0x20;
	v9 =	vand.u32 $0x7F, v10;
	v3 =	vadd.s32 v3, v4  }
0x3d7: {  	v5 =	vmul.f32 v5, v5;
	v3 =	vor.u32 v9, v3;
	v4 =	vld.idx.msk [tilespmem:v7+s6+$0x0], $0xffff;
	v7 =	vmov s13  }
0x3d8: {  	v10 =	vsub.f32 $1.000000000e+00, v6;
	v3 =	vor.u32 v1, v3;
	v6 =	vshll.u32 v7, $0x8  }
0x3d9: {  	s12 =	simm.s32 $0xD30;
	v9 =	vshll.u32 v8, $0x3;
	v7 =	vor.u32 v0, v6  }
0x3da: {  	v2 =	vadd.f32 v5, v2;
	v6 =	vld [tilespmem:s12+$0x0];
	v5 =	vand.u32 $0x7800, v7;
	v7 =	vand.u32 $0xFFFFFC00, v9  }
0x3db: {  	v8 =	vand.u32 $0x7F, v8;
	v5 =	vadd.s32 v5, v7  }
0x3dc: {  	s13 =	simm.s32 $0x30;
	v7 =	vmul.f32 v10, v10;
	v5 =	vor.u32 v8, v5;
	v4 =	vsub.f32 $1.000000000e+00, v4  }
0x3dd: {  	v3 =	vld.idx.msk [tilespmem:v3+s6+$0x0], $0xffff;
	v8 =	vmov s13;
	v5 =	vor.u32 v1, v5  }
0x3de: {  	v2 =	vadd.f32 v7, v2;
	v7 =	vshll.u32 v8, $0x8;
	v4 =	vmul.f32 v4, v4  }
0x3df: {  	s11 =	simm.s32 $0x40;
	s12 =	simm.s32 $0xD40;
	v7 =	vor.u32 v0, v7;
	v8 =	vshll.u32 v6, $0x3  }
.LBB2_54:
0x3e0: {  	v9 =	vld [tilespmem:s12+$0x0];
	p0 =	sne.s32 s11, $0x70;
	v7 =	vand.u32 $0x7800, v7;
	v8 =	vand.u32 $0xFFFFFC00, v8;
	v2 =	vadd.f32 v4, v2;
	s13 =	smov.u32 s11;
	s11 =	sadd.s32 $0x10, s11  }
.Ltmp26:
0x3e1: {  	v4 =	vand.u32 $0x7F, v6;
	v6 =	vadd.s32 v7, v8;
	(pc) =	sbr.rel @p0 .LBB2_54-.Ltmp26, $4  }
0x3e2: {  	v10 =	vsub.f32 $1.000000000e+00, v3;
	v4 =	vor.u32 v4, v6;
	v3 =	vld.idx.msk [tilespmem:v5+s6+$0x0], $0xffff  }
0x3e3: {  	v7 =	vmov s13;
	v5 =	vor.u32 v1, v4  }
0x3e4: {  	v7 =	vshll.u32 v7, $0x8;
	v4 =	vmul.f32 v10, v10  }
0x3e5: {  	s12 =	sadd.s32 $0x10, s12;
	v7 =	vor.u32 v0, v7;
	v8 =	vshll.u32 v9, $0x3;
	v6 =	vmov v9  }
0x3e6: {  	v7 =	vand.u32 $0x7800, v7;
	v8 =	vand.u32 $0xFFFFFC00, v8  }
0x3e7: {  	v6 =	vand.u32 $0x7F, v6;
	v7 =	vadd.s32 v7, v8  }
0x3e8: {  	v6 =	vor.u32 v6, v7  }
0x3e9: {  	v6 =	vor.u32 v1, v6;
	_ =	sdelay $0x3  }
0x3ea: {  	v5 =	vld.idx.msk [tilespmem:v5+s6+$0x0], $0xffff  }
0x3eb: {  	v6 =	vld.idx.msk [tilespmem:v6+s6+$0x0], $0xffff;
	_ =	swait.ge [sflag:s9], $0x8000  }
0x3ec: {  	[sflag:s9] =	ssyncset.done $0x0  }
0x3ed: {  	s11 =	simm.s32 $0xD80;
	[sflag:s9] =	ssyncadd.s32 $0xFFFF8000  }
0x3ee: {  	v7 =	vld [tilespmem:s11+$0x0];
	_ =	sdelay $0x1  }
0x3ef: {  	s13 =	simm.s32 $0x0  }
0x3f0: {  	v8 =	vmov s13  }
0x3f1: {  	v8 =	vshll.u32 v8, $0x8  }
0x3f2: {  	s12 =	simm.s32 $0xD90;
	v8 =	vor.u32 v0, v8;
	v9 =	vshll.u32 v7, $0x3  }
0x3f3: {  	v8 =	vand.u32 $0x7800, v8;
	v10 =	vld [tilespmem:s12+$0x0];
	v9 =	vand.u32 $0xFFFFFC00, v9  }
0x3f4: {  	v3 =	vsub.f32 $1.000000000e+00, v3;
	v7 =	vand.u32 $0x7F, v7;
	v8 =	vadd.s32 v8, v9  }
0x3f5: {  	v2 =	vadd.f32 v4, v2;
	s13 =	simm.s32 $0x10;
	v7 =	vor.u32 v7, v8  }
0x3f6: {  	v4 =	vmov s13;
	v3 =	vmul.f32 v3, v3;
	v7 =	vor.u32 v1, v7  }
0x3f7: {  	v4 =	vshll.u32 v4, $0x8;
	v5 =	vsub.f32 $1.000000000e+00, v5;
	s12 =	simm.s32 $0xDA0  }
0x3f8: {  	v2 =	vadd.f32 v3, v2;
	v3 =	vor.u32 v0, v4;
	v4 =	vshll.u32 v10, $0x3;
	v8 =	vld [tilespmem:s12+$0x0]  }
0x3f9: {  	v3 =	vand.u32 $0x7800, v3;
	v4 =	vand.u32 $0xFFFFFC00, v4  }
0x3fa: {  	s13 =	simm.s32 $0x20;
	v9 =	vmul.f32 v5, v5;
	v5 =	vand.u32 $0x7F, v10;
	v3 =	vadd.s32 v3, v4  }
0x3fb: {  	v3 =	vor.u32 v5, v3;
	v4 =	vld.idx.msk [tilespmem:v7+s8+$0x0], $0xffff;
	v7 =	vmov s13  }
0x3fc: {  	v3 =	vor.u32 v1, v3;
	v5 =	vshll.u32 v7, $0x8  }
0x3fd: {  	v6 =	vsub.f32 $1.000000000e+00, v6;
	s12 =	simm.s32 $0xDB0;
	v10 =	vshll.u32 v8, $0x3;
	v7 =	vor.u32 v0, v5  }
0x3fe: {  	v2 =	vadd.f32 v9, v2;
	v9 =	vand.u32 $0xFFFFFC00, v10;
	v5 =	vld [tilespmem:s12+$0x0];
	v7 =	vand.u32 $0x7800, v7  }
0x3ff: {  	v8 =	vand.u32 $0x7F, v8;
	v7 =	vadd.s32 v7, v9  }
0x400: {  	v6 =	vmul.f32 v6, v6;
	s13 =	simm.s32 $0x30;
	v7 =	vor.u32 v8, v7;
	v8 =	vsub.f32 $1.000000000e+00, v4  }
0x401: {  	v3 =	vld.idx.msk [tilespmem:v3+s8+$0x0], $0xffff;
	v9 =	vmov s13;
	v4 =	vor.u32 v1, v7  }
0x402: {  	v2 =	vadd.f32 v6, v2;
	v7 =	vshll.u32 v9, $0x8;
	v6 =	vmul.f32 v8, v8  }
0x403: {  	s11 =	simm.s32 $0x40;
	s12 =	simm.s32 $0xDC0;
	v7 =	vor.u32 v0, v7;
	v8 =	vshll.u32 v5, $0x3  }
.LBB2_56:
0x404: {  	v9 =	vld [tilespmem:s12+$0x0];
	p0 =	sne.s32 s11, $0x70;
	v7 =	vand.u32 $0x7800, v7;
	v8 =	vand.u32 $0xFFFFFC00, v8;
	v2 =	vadd.f32 v6, v2;
	s13 =	smov.u32 s11;
	s11 =	sadd.s32 $0x10, s11  }
.Ltmp27:
0x405: {  	v5 =	vand.u32 $0x7F, v5;
	v6 =	vadd.s32 v7, v8;
	(pc) =	sbr.rel @p0 .LBB2_56-.Ltmp27, $4  }
0x406: {  	v5 =	vor.u32 v5, v6;
	v6 =	vsub.f32 $1.000000000e+00, v3;
	v3 =	vld.idx.msk [tilespmem:v4+s8+$0x0], $0xffff  }
0x407: {  	v7 =	vmov s13;
	v4 =	vor.u32 v1, v5  }
0x408: {  	v10 =	vshll.u32 v7, $0x8;
	v6 =	vmul.f32 v6, v6  }
0x409: {  	s12 =	sadd.s32 $0x10, s12;
	v7 =	vor.u32 v0, v10;
	v8 =	vshll.u32 v9, $0x3;
	v5 =	vmov v9  }
0x40a: {  	v7 =	vand.u32 $0x7800, v7;
	v8 =	vand.u32 $0xFFFFFC00, v8  }
0x40b: {  	v5 =	vand.u32 $0x7F, v5;
	v7 =	vadd.s32 v7, v8  }
0x40c: {  	v5 =	vor.u32 v5, v7  }
0x40d: {  	v5 =	vor.u32 v1, v5;
	_ =	sdelay $0x2  }
0x40e: {  	v4 =	vld.idx.msk [tilespmem:v4+s8+$0x0], $0xffff;
	_ =	sdelay $0x1  }
0x40f: {  	v5 =	vld.idx.msk [tilespmem:v5+s8+$0x0], $0xffff  }
0x410: {  	v3 =	vsub.f32 $1.000000000e+00, v3;
	_ =	sdelay $0x1  }
0x411: {  	v2 =	vadd.f32 v6, v2;
	v3 =	vmul.f32 v3, v3;
	v4 =	vsub.f32 $1.000000000e+00, v4;
	_ =	sdelay $0x1  }
0x412: {  	v2 =	vadd.f32 v3, v2;
	v3 =	vmul.f32 v4, v4;
	v63 =	vsub.f32 $1.000000000e+00, v5;
	_ =	sdelay $0x1  }
0x413: {  	v2 =	vadd.f32 v3, v2;
	v3 =	vmul.f32 v63, v63;
	_ =	sdelay $0x1  }
0x414: {  	s10 =	sadd.s32 $0x1, s10;
	v2 =	vadd.f32 v3, v2  }
0x415: {  	p0 =	sne.s32 s10, s31  }
.Ltmp28:
0x416: {  	s11 =	simm.s32 $0x10E00;
	[tilespmem:$0x10E00] =	vst v2;
	(pc) =	sbr.rel @p0 .LBB2_1-.Ltmp28, $4  }
0x417: {  	[hbm4b:s30+s2] =	stream.linear.scatter [tilespmem:s11], [sflag:$0x3], $0x80, $0x38;
	[tilespmem:$0x10E80] =	vst v63  }
0x418: {  	_ =	swait.ge [sflag:s5], $0x80  }
0x419: {  	[sflag:s5] =	ssyncset.done $0x0  }
0x41a: {  	[sflag:s5] =	ssyncadd.s32 $0xFFFFFF80  }
0x41b: {  	_ =	sfence.sel $0x180000  }
0x41c: {  	[bflag:$0x0] =	sbarrier.arrive $0xFFFF  }
0x41d: {  	_ =	strace $0x90000047  }
0x41e: {  	s0 =	stileid.u32;
	[bflag:$0x2] =	sbarrier.arrive $0xFFFF  }
0x41f: {  	p0 =	sne.s32 s0, $0x0;
	s0 =	rddreg [dreg:$0x2]  }
0x420: {  	s0 =	sadd.s32 @!p0 $0x100000, s0  }
0x421: {  	[sflag:s0] =	ssyncadd.tile.s32 @!p0 $0x1;
	_ =	shalt  }
.Lfunc_end2:
_tile_overlayer_lowered:
.L_overlay_start_2:
0x422: {  	(tag) =	ssettag $0x2  }
0x423: {  	s0 =	rddreg [dreg:$0x0];
	s2 =	stileid.u32  }
0x424: {  	s1 =	rddreg [dreg:$0x1];
	p0 =	sne.s32 s2, $0x0  }
0x425: {  	s3 =	rddreg [dreg:$0x2];
	[bflag:$0x3] =	sbarrier.arrive $0xFFFF;
	s2 =	simm.s32 @!p0 $0x1C03  }
0x426: {  	[timem:s3], [sflag:s2] =	dma.local @!p0 [hbm:s0], s1  }
0x427: {  	s0 =	simm.s32 @!p0 $0x3  }
0x428: {  	_ =	swait.ge @!p0 [sflag:s0], s1  }
0x429: {  	s1 =	ssub.s32 @!p0 $0x0, s1;
	[sflag:s0] =	ssyncset.done @!p0 $0x0  }
0x42a: {  	[sflag:s0] =	ssyncadd.s32 @!p0 s1  }
0x42b: {  	[bflag:$0x3] =	sbarrier.arrive $0xFFFF  }
0x42c: {  	_ =	shalt  }

</sc_bundles>
